<compile_context>
chip_gen: v7x
topology: tpu7x:2x2x1
jax: 0.10.2.dev20260603
libtpu: 0.0.44.dev20260713+nightly
codegen_flags: <defaults>
</compile_context>

<pallas_src>
import functools

import jax
import jax.numpy as jnp
from jax import lax
from jax.experimental import pallas as pl
from jax.experimental.pallas import tpu as pltpu
from jax.experimental.pallas import tpu_sc as plsc

N_NODES = 10000
N_EDGES = 320000
IN_DIM = 128
HID = 16
OUT_DIM = 7

NC = 2
NS = 16
NW = NC * NS
LANES = 16
CHUNK = 128
G = 10
IDXW = 1000
N_PAD = 10240
RPS = N_PAD // NS

_sc_mesh = plsc.VectorSubcoreMesh(core_axis_name="c", subcore_axis_name="s")
_sc_params = pltpu.CompilerParams(use_tc_tiling_on_sc=False)


def _zero_acc_slice(buf_v, acc, sid):
    zero = jnp.zeros((LANES,), jnp.float32)

    @pl.loop(0, CHUNK)
    def _(i):
        buf_v[i, :] = zero

    @pl.loop(0, RPS // CHUNK)
    def _(j):
        pltpu.sync_copy(buf_v, acc.at[pl.ds(sid * RPS + j * CHUNK, CHUNK)])


def _count_body(dst_hbm, out_hbm, buf_v, obuf, didx_v, sem, acc):
    cid = lax.axis_index("c")
    sid = lax.axis_index("s")
    gw = cid * NS + sid

    _zero_acc_slice(buf_v, acc, sid)
    one = jnp.ones((LANES,), jnp.float32)

    @pl.loop(0, IDXW)
    def _(i):
        obuf[i, :] = one

    pltpu.sync_copy(dst_hbm.at[gw], didx_v)
    plsc.subcore_barrier()

    for g in range(G):
        pltpu.async_copy(obuf, acc.at[didx_v.at[g]], sem, add=True)
    for g in range(G):
        pltpu.make_async_copy(obuf, acc.at[didx_v.at[g]], sem).wait()

    plsc.subcore_barrier()
    pltpu.sync_copy(acc.at[pl.ds(sid * RPS, RPS)],
                    out_hbm.at[cid].at[pl.ds(sid * RPS, RPS)])


def _agg_body(h_hbm, src_hbm, dst_hbm, out_hbm,
              buf_v, sidx_v, didx_v, gbuf0, gbuf1, sem0, sem1, hsp, acc):
    cid = lax.axis_index("c")
    sid = lax.axis_index("s")
    gw = cid * NS + sid

    _zero_acc_slice(buf_v, acc, sid)
    pltpu.sync_copy(h_hbm.at[pl.ds(sid * RPS, RPS)],
                    hsp.at[pl.ds(sid * RPS, RPS)])
    pltpu.sync_copy(src_hbm.at[gw], sidx_v)
    pltpu.sync_copy(dst_hbm.at[gw], didx_v)
    plsc.subcore_barrier()

    gbufs = (gbuf0, gbuf1)
    sems = (sem0, sem1)
    pltpu.async_copy(hsp.at[sidx_v.at[0]], gbuf0, sem0)
    pltpu.async_copy(hsp.at[sidx_v.at[1]], gbuf1, sem1)
    for g in range(G):
        b = g % 2
        pltpu.make_async_copy(
            hsp.at[sidx_v.at[g]], gbufs[b], sems[b]).wait()
        pltpu.sync_copy(gbufs[b], acc.at[didx_v.at[g]], add=True)
        if g + 2 < G:
            pltpu.async_copy(
                hsp.at[sidx_v.at[g + 2]], gbufs[b], sems[b])

    plsc.subcore_barrier()
    pltpu.sync_copy(acc.at[pl.ds(sid * RPS, RPS)],
                    out_hbm.at[cid].at[pl.ds(sid * RPS, RPS)])


@functools.partial(
    pl.kernel,
    out_type=jax.ShapeDtypeStruct((NC, N_PAD, LANES), jnp.float32),
    mesh=_sc_mesh,
    scratch_types=[
        pltpu.VMEM((CHUNK, LANES), jnp.float32),
        pltpu.VMEM((IDXW, LANES), jnp.float32),
        pltpu.VMEM((G, IDXW), jnp.int32),
        pltpu.SemaphoreType.DMA,
        pltpu.VMEM_SHARED((N_PAD, LANES), jnp.float32),
    ],
    compiler_params=_sc_params,
)
def _sc_count(dst_hbm, out_hbm, buf_v, obuf, didx_v, sem, acc):
    _count_body(dst_hbm, out_hbm, buf_v, obuf, didx_v, sem, acc)


@functools.partial(
    pl.kernel,
    out_type=jax.ShapeDtypeStruct((NC, N_PAD, LANES), jnp.float32),
    mesh=_sc_mesh,
    scratch_types=(
        [pltpu.VMEM((CHUNK, LANES), jnp.float32),
         pltpu.VMEM((G, IDXW), jnp.int32),
         pltpu.VMEM((G, IDXW), jnp.int32)]
        + [pltpu.VMEM((IDXW, LANES), jnp.float32)] * 2
        + [pltpu.SemaphoreType.DMA] * 2
        + [pltpu.VMEM_SHARED((N_PAD, LANES), jnp.float32)] * 2
    ),
    compiler_params=_sc_params,
)
def _sc_agg(h_hbm, src_hbm, dst_hbm, out_hbm,
            buf_v, sidx_v, didx_v, gbuf0, gbuf1, sem0, sem1, hsp, acc):
    _agg_body(h_hbm, src_hbm, dst_hbm, out_hbm,
              buf_v, sidx_v, didx_v, gbuf0, gbuf1, sem0, sem1, hsp, acc)


@functools.partial(
    pl.kernel,
    out_type=[jax.ShapeDtypeStruct((NC, N_PAD, LANES), jnp.float32),
              jax.ShapeDtypeStruct((NC, N_PAD, LANES), jnp.float32),
              jax.ShapeDtypeStruct((NC, N_PAD, LANES), jnp.float32)],
    mesh=_sc_mesh,
    scratch_types=(
        [pltpu.VMEM((CHUNK, LANES), jnp.float32),
         pltpu.VMEM((G, IDXW), jnp.int32),
         pltpu.VMEM((G, IDXW), jnp.int32)]
        + [pltpu.VMEM((IDXW, LANES), jnp.float32)] * 2
        + [pltpu.VMEM((RPS, LANES), jnp.float32)] * 4
        + [pltpu.SemaphoreType.DMA] * 2
        + [pltpu.VMEM_SHARED((N_PAD, LANES), jnp.float32)] * 2
    ),
    compiler_params=_sc_params,
)
def _sc_agg1(cnt_hbm, h1_hbm, src_hbm, dst_hbm, p_hbm, h1p_hbm, dinv_hbm,
             buf_v, sidx_v, didx_v, gbuf0, gbuf1, c0, c1, hp, dv,
             sem0, sem1, hsp, acc):
    cid = lax.axis_index("c")
    sid = lax.axis_index("s")
    gw = cid * NS + sid
    rs = pl.ds(sid * RPS, RPS)

    _zero_acc_slice(buf_v, acc, sid)
    pltpu.sync_copy(cnt_hbm.at[0].at[rs], c0)
    pltpu.sync_copy(cnt_hbm.at[1].at[rs], c1)
    pltpu.sync_copy(h1_hbm.at[rs], hp)
    pltpu.sync_copy(src_hbm.at[gw], sidx_v)
    pltpu.sync_copy(dst_hbm.at[gw], didx_v)

    @pl.loop(0, RPS)
    def _(i):
        x = c0[i, :] + c1[i, :] + 1.0
        bits = lax.bitcast_convert_type(x, jnp.int32)
        bits = 0x5F3759DF - lax.shift_right_logical(bits, 1)
        y = lax.bitcast_convert_type(bits, jnp.float32)
        y = y * (1.5 - 0.5 * x * y * y)
        y = y * (1.5 - 0.5 * x * y * y)
        y = y * (1.5 - 0.5 * x * y * y)
        dv[i, :] = y
        hp[i, :] = hp[i, :] * y

    pltpu.sync_copy(hp, hsp.at[rs])
    pltpu.sync_copy(hp, h1p_hbm.at[cid].at[rs])
    pltpu.sync_copy(dv, dinv_hbm.at[cid].at[rs])
    plsc.subcore_barrier()

    gbufs = (gbuf0, gbuf1)
    sems = (sem0, sem1)
    pltpu.async_copy(hsp.at[sidx_v.at[0]], gbuf0, sem0)
    pltpu.async_copy(hsp.at[sidx_v.at[1]], gbuf1, sem1)
    for g in range(G):
        b = g % 2
        pltpu.make_async_copy(
            hsp.at[sidx_v.at[g]], gbufs[b], sems[b]).wait()
        pltpu.sync_copy(gbufs[b], acc.at[didx_v.at[g]], add=True)
        if g + 2 < G:
            pltpu.async_copy(
                hsp.at[sidx_v.at[g + 2]], gbufs[b], sems[b])

    plsc.subcore_barrier()
    pltpu.sync_copy(acc.at[rs], p_hbm.at[cid].at[rs])


MM_BLK = 2048
ROW_BLK = 2048


def _mm_body(x_ref, w_ref, o_ref):
    o_ref[...] = jnp.dot(x_ref[...], w_ref[...],
                         preferred_element_type=jnp.float32)


def _tc_matmul(x, W1):
    return pl.pallas_call(
        _mm_body,
        grid=(N_PAD // MM_BLK,),
        in_specs=[pl.BlockSpec((MM_BLK, IN_DIM), lambda i: (i, 0)),
                  pl.BlockSpec((IN_DIM, HID), lambda i: (0, 0))],
        out_specs=pl.BlockSpec((MM_BLK, HID), lambda i: (i, 0)),
        out_shape=jax.ShapeDtypeStruct((N_PAD, HID), jnp.float32),
    )(x, W1)


def _mid_body(p_ref, hp_ref, dinv_ref, w2_ref, b1_ref, h2p_ref):
    agg = p_ref[0] + p_ref[1] + hp_ref[0]
    dv = dinv_ref[0]
    z = jnp.maximum(dv * agg + b1_ref[...], 0.0)
    h2 = jnp.dot(z, w2_ref[...], preferred_element_type=jnp.float32)
    h2c = h2 * dv[:, :OUT_DIM]
    h2p_ref[...] = jnp.concatenate(
        [h2c, jnp.zeros((h2c.shape[0], LANES - OUT_DIM), jnp.float32)],
        axis=1)


def _tc_mid(p, h1p, dinv, W2, b1):
    return pl.pallas_call(
        _mid_body,
        grid=(N_PAD // ROW_BLK,),
        in_specs=[pl.BlockSpec((NC, ROW_BLK, LANES), lambda i: (0, i, 0)),
                  pl.BlockSpec((1, ROW_BLK, LANES), lambda i: (0, i, 0)),
                  pl.BlockSpec((1, ROW_BLK, LANES), lambda i: (0, i, 0)),
                  pl.BlockSpec((HID, OUT_DIM), lambda i: (0, 0)),
                  pl.BlockSpec((LANES,), lambda i: (0,))],
        out_specs=pl.BlockSpec((ROW_BLK, LANES), lambda i: (i, 0)),
        out_shape=jax.ShapeDtypeStruct((N_PAD, LANES), jnp.float32),
    )(p, h1p, dinv, W2, b1)


def _out_body(q_ref, h2p_ref, dinv_ref, b2_ref, o_ref):
    s = (q_ref[0] + q_ref[1] + h2p_ref[...])[:, :OUT_DIM]
    o = dinv_ref[0][:, :OUT_DIM] * s + b2_ref[...]
    m = jnp.max(o, axis=1, keepdims=True)
    e = jnp.exp(o - m)
    lse = jnp.log(jnp.sum(e, axis=1, keepdims=True)) + m
    o_ref[...] = o - lse


def _tc_out(q, h2p, dinv, b2):
    return pl.pallas_call(
        _out_body,
        grid=(N_PAD // ROW_BLK,),
        in_specs=[pl.BlockSpec((NC, ROW_BLK, LANES), lambda i: (0, i, 0)),
                  pl.BlockSpec((ROW_BLK, LANES), lambda i: (i, 0)),
                  pl.BlockSpec((1, ROW_BLK, LANES), lambda i: (0, i, 0)),
                  pl.BlockSpec((OUT_DIM,), lambda i: (0,))],
        out_specs=pl.BlockSpec((ROW_BLK, OUT_DIM), lambda i: (i, 0)),
        out_shape=jax.ShapeDtypeStruct((N_PAD, OUT_DIM), jnp.float32),
    )(q, h2p, dinv, b2)


@jax.jit
def kernel(x, edge_index, W1, b1, W2, b2):
    ei = edge_index.astype(jnp.int32)
    src = ei[0].reshape(NW, G, IDXW)
    dst = ei[1].reshape(NW, G, IDXW)

    cnt = _sc_count(dst)
    h1 = _tc_matmul(x, W1)

    p, h1p, dinv = _sc_agg1(cnt, h1, src, dst)
    h2p = _tc_mid(p, h1p, dinv, W2, b1)

    q = _sc_agg(h2p, src, dst)
    out = _tc_out(q, h2p, dinv, b2)
    return out[:N_NODES]

# --- scband reference (transcript-rebuilt; emitter-appended) ---
"""Pipeline reference for scband-gcn-27934467293291 (READ-ONLY COPY).

The authoritative reference and input builder live on the scoring server;
editing this copy changes nothing except your own understanding.
"""

import jax, jax.numpy as jnp
import numpy as np

N_NODES = 10000
N_EDGES = 320000
IN_DIM = 128
HIDDEN_DIM = 16
OUT_DIM = 7


def gcn_conv(x, edge_index, W, b):
    N = x.shape[0]
    loop = jnp.arange(N, dtype=edge_index.dtype)
    src = jnp.concatenate([edge_index[0], loop])
    dst = jnp.concatenate([edge_index[1], loop])
    ew = jnp.ones(src.shape[0], dtype=x.dtype)
    deg = jax.ops.segment_sum(ew, dst, num_segments=N)
    dinv = jnp.where(deg > 0, jax.lax.rsqrt(deg), jnp.zeros_like(deg))
    norm = dinv[src] * dinv[dst]
    h = x @ W
    msg = h[src] * norm[:, None]
    out = jax.ops.segment_sum(msg, dst, num_segments=N)
    return out + b


def setup_inputs(seed: int = 0) -> dict:
    key = jax.random.key(seed)
    k_x, k_e, k_w1, k_b1, k_w2, k_b2 = jax.random.split(key, 6)
    x = jax.random.normal(k_x, (N_NODES, IN_DIM), dtype=jnp.float32)
    edge_index = jax.random.randint(k_e, (2, N_EDGES), 0, N_NODES, dtype=jnp.int64)
    s1 = 1.0 / np.sqrt(IN_DIM)
    s2 = 1.0 / np.sqrt(HIDDEN_DIM)
    W1 = jax.random.uniform(k_w1, (IN_DIM, HIDDEN_DIM), minval=-s1, maxval=s1, dtype=jnp.float32)
    b1 = jax.random.uniform(k_b1, (HIDDEN_DIM,), minval=-s1, maxval=s1, dtype=jnp.float32)
    W2 = jax.random.uniform(k_w2, (HIDDEN_DIM, OUT_DIM), minval=-s2, maxval=s2, dtype=jnp.float32)
    b2 = jax.random.uniform(k_b2, (OUT_DIM,), minval=-s2, maxval=s2, dtype=jnp.float32)
    return {"x": x, "edge_index": edge_index, "W1": W1, "b1": b1, "W2": W2, "b2": b2}


def reference(x, edge_index, W1, b1, W2, b2):
    # eval mode: dropout is identity
    h = jax.nn.relu(gcn_conv(x, edge_index, W1, b1))
    o = gcn_conv(h, edge_index, W2, b2)
    return jax.nn.log_softmax(o, axis=-1)

if __name__ == "__main__":
    import jax
    _d = setup_inputs()
    print(jax.jit(kernel)(*tuple(_d.values())))

</pallas_src>

<mosaic_0001>
#map = affine_map<(d0, d1) -> (0, 0, 0)>
module attributes {stable_mosaic.version = 14 : i64} {
  func.func @_sc_count(%arg0: i32, %arg1: i32, %arg2: memref<32x10x1000xi32, #tpu.memory_space<hbm>>, %arg3: memref<2x10240x16xf32, #tpu.memory_space<hbm>>, %arg4: memref<128x16xf32, #tpu.memory_space<vmem>>, %arg5: memref<1000x16xf32, #tpu.memory_space<vmem>>, %arg6: memref<10x1000xi32, #tpu.memory_space<vmem>>, %arg7: memref<!tpu.dma_semaphore, #tpu.memory_space<semaphore_mem>>, %arg8: memref<10240x16xf32, #tpu.memory_space<vmem_shared>>) attributes {dimension_semantics = [#tpu.dimension_semantics<core_parallel>, #tpu.dimension_semantics<subcore_parallel>], iteration_bounds = array<i64: 2, 16>, scalar_prefetch = 0 : i64, scratch_operands = 5 : i64, tpu.core_type = #tpu.core_type<sc_vector_subcore>, window_params = [{transform_indices = #map}, {transform_indices = #map}]} {
    %mul3A = arith.constant 16 : i32
    %mul3A_0 = arith.muli %arg0, %mul3A : i32
    %add3A = arith.addi %mul3A_0, %arg1 : i32
    %broadcast_in_dim3A = arith.constant 0.000000e+00 : f32
    %broadcast_in_dim3A_1 = vector.broadcast %broadcast_in_dim3A : f32 to vector<16xf32>
    %scan3A = arith.constant 0 : i32
    %scan3A_2 = arith.constant 128 : i32
    %scan3A_3 = arith.addi %scan3A, %scan3A_2 : i32
    %scan3A_4 = arith.constant 1 : i32
    scf.for %scan3A_161 = %scan3A to %scan3A_3 step %scan3A_4  : i32 {
      %mul3A_162 = arith.constant 1 : i32
      %mul3A_163 = arith.muli %scan3A_161, %mul3A_162 : i32
      %add3A_164 = arith.constant 0 : i32
      %add3A_165 = arith.addi %add3A_164, %mul3A_163 : i32
      %swap3A = arith.index_cast %add3A_165 : i32 to index
      %swap3A_166 = arith.constant 0 : index
      %swap3A_167 = tpu.vector_load %arg4[%swap3A, %swap3A_166] {strides = array<i32>} : memref<128x16xf32, #tpu.memory_space<vmem>>, vector<1x16xf32>,
      %swap3A_168 = vector.shape_cast %swap3A_167 : vector<1x16xf32> to vector<16xf32>
      %swap3A_169 = vector.shape_cast %broadcast_in_dim3A_1 : vector<16xf32> to vector<1x16xf32>
      tpu.vector_store %arg4[%swap3A, %swap3A_166], %swap3A_169 {strides = array<i32>} : memref<128x16xf32, #tpu.memory_space<vmem>>, vector<1x16xf32>,
    }
    %scan3A_5 = arith.constant 128 : i32
    %scan3A_6 = arith.constant 0 : i32
    %scan3A_7 = arith.constant 5 : i32
    %scan3A_8 = arith.addi %scan3A_6, %scan3A_7 : i32
    %scan3A_9 = arith.constant 1 : i32
    scf.for %scan3A_161 = %scan3A_6 to %scan3A_8 step %scan3A_9  : i32 {
      %mul3A_162 = arith.constant 1 : i32
      %mul3A_163 = arith.muli %scan3A_161, %mul3A_162 : i32
      %add3A_164 = arith.constant 0 : i32
      %add3A_165 = arith.addi %add3A_164, %mul3A_163 : i32
      %mul3A_166 = arith.constant 640 : i32
      %mul3A_167 = arith.muli %arg1, %mul3A_166 : i32
      %mul3A_168 = arith.constant 128 : i32
      %mul3A_169 = arith.muli %add3A_165, %mul3A_168 : i32
      %add3A_170 = arith.addi %mul3A_167, %mul3A_169 : i32
      "tpu.region"() ({
        %run_scoped3A = tpu.sem_alloc : memref<!tpu.dma_semaphore, #tpu.memory_space<semaphore_mem>>
        %dma_start3A_171 = arith.constant 0 : i32
        %dma_start3A_172 = tpu.memref_slice %arg8[%add3A_170, %dma_start3A_171] : memref<10240x16xf32, #tpu.memory_space<vmem_shared>> -> memref<128x16xf32, #tpu.memory_space<vmem_shared>>
        %dma_start3A_173 = arith.constant 0 : i32
        %dma_start3A_174 = tpu.memref_slice %arg8[%add3A_170, %dma_start3A_173] : memref<10240x16xf32, #tpu.memory_space<vmem_shared>> -> memref<128x16xf32, #tpu.memory_space<vmem_shared>>
        tpu.enqueue_dma source(%arg4 : memref<128x16xf32, #tpu.memory_space<vmem>>) target(%dma_start3A_174 : memref<128x16xf32, #tpu.memory_space<vmem_shared>>) target_semaphore(%run_scoped3A : memref<!tpu.dma_semaphore, #tpu.memory_space<semaphore_mem>>)
        %dma_wait3A_175 = arith.constant 0 : i32
        %dma_wait3A_176 = tpu.memref_slice %arg8[%add3A_170, %dma_wait3A_175] : memref<10240x16xf32, #tpu.memory_space<vmem_shared>> -> memref<128x16xf32, #tpu.memory_space<vmem_shared>>
        %dma_wait3A_177 = arith.constant 0 : i32
        %dma_wait3A_178 = tpu.memref_slice %arg8[%add3A_170, %dma_wait3A_177] : memref<10240x16xf32, #tpu.memory_space<vmem_shared>> -> memref<128x16xf32, #tpu.memory_space<vmem_shared>>
        tpu.wait_dma2 semaphore(%run_scoped3A : memref<!tpu.dma_semaphore, #tpu.memory_space<semaphore_mem>>) src(%arg4 : memref<128x16xf32, #tpu.memory_space<vmem>>) dst(%dma_wait3A_178 : memref<128x16xf32, #tpu.memory_space<vmem_shared>>)
        tpu.yield
      }) : () -> ()
    }
    %scan3A_10 = arith.constant 5 : i32
    %broadcast_in_dim3A_11 = arith.constant 1.000000e+00 : f32
    %broadcast_in_dim3A_12 = vector.broadcast %broadcast_in_dim3A_11 : f32 to vector<16xf32>
    %scan3A_13 = arith.constant 0 : i32
    %scan3A_14 = arith.constant 1000 : i32
    %scan3A_15 = arith.addi %scan3A_13, %scan3A_14 : i32
    %scan3A_16 = arith.constant 1 : i32
    scf.for %scan3A_161 = %scan3A_13 to %scan3A_15 step %scan3A_16  : i32 {
      %mul3A_162 = arith.constant 1 : i32
      %mul3A_163 = arith.muli %scan3A_161, %mul3A_162 : i32
      %add3A_164 = arith.constant 0 : i32
      %add3A_165 = arith.addi %add3A_164, %mul3A_163 : i32
      %swap3A = arith.index_cast %add3A_165 : i32 to index
      %swap3A_166 = arith.constant 0 : index
      %swap3A_167 = tpu.vector_load %arg5[%swap3A, %swap3A_166] {strides = array<i32>} : memref<1000x16xf32, #tpu.memory_space<vmem>>, vector<1x16xf32>,
      %swap3A_168 = vector.shape_cast %swap3A_167 : vector<1x16xf32> to vector<16xf32>
      %swap3A_169 = vector.shape_cast %broadcast_in_dim3A_12 : vector<16xf32> to vector<1x16xf32>
      tpu.vector_store %arg5[%swap3A, %swap3A_166], %swap3A_169 {strides = array<i32>} : memref<1000x16xf32, #tpu.memory_space<vmem>>, vector<1x16xf32>,
    }
    %scan3A_17 = arith.constant 1000 : i32
    "tpu.region"() ({
      %run_scoped3A = tpu.sem_alloc : memref<!tpu.dma_semaphore, #tpu.memory_space<semaphore_mem>>
      %dma_start3A_161 = arith.constant 0 : i32
      %dma_start3A_162 = arith.constant 0 : i32
      %dma_start3A_163 = tpu.memref_slice %arg2[%add3A, %dma_start3A_161, %dma_start3A_162] : memref<32x10x1000xi32, #tpu.memory_space<hbm>> -> memref<1x10x1000xi32, #tpu.memory_space<hbm>>
      %dma_start3A_164 = tpu.memref_squeeze %dma_start3A_163 : memref<1x10x1000xi32, #tpu.memory_space<hbm>> -> memref<10x1000xi32, #tpu.memory_space<hbm>>
      %dma_start3A_165 = arith.constant 0 : i32
      %dma_start3A_166 = arith.constant 0 : i32
      %dma_start3A_167 = tpu.memref_slice %arg2[%add3A, %dma_start3A_165, %dma_start3A_166] : memref<32x10x1000xi32, #tpu.memory_space<hbm>> -> memref<1x10x1000xi32, #tpu.memory_space<hbm>>
      %dma_start3A_168 = tpu.memref_squeeze %dma_start3A_167 : memref<1x10x1000xi32, #tpu.memory_space<hbm>> -> memref<10x1000xi32, #tpu.memory_space<hbm>>
      tpu.enqueue_dma source(%dma_start3A_168 : memref<10x1000xi32, #tpu.memory_space<hbm>>) target(%arg6 : memref<10x1000xi32, #tpu.memory_space<vmem>>) target_semaphore(%run_scoped3A : memref<!tpu.dma_semaphore, #tpu.memory_space<semaphore_mem>>)
      %dma_wait3A_169 = arith.constant 0 : i32
      %dma_wait3A_170 = arith.constant 0 : i32
      %dma_wait3A_171 = tpu.memref_slice %arg2[%add3A, %dma_wait3A_169, %dma_wait3A_170] : memref<32x10x1000xi32, #tpu.memory_space<hbm>> -> memref<1x10x1000xi32, #tpu.memory_space<hbm>>
      %dma_wait3A_172 = tpu.memref_squeeze %dma_wait3A_171 : memref<1x10x1000xi32, #tpu.memory_space<hbm>> -> memref<10x1000xi32, #tpu.memory_space<hbm>>
      %dma_wait3A_173 = arith.constant 0 : i32
      %dma_wait3A_174 = arith.constant 0 : i32
      %dma_wait3A_175 = tpu.memref_slice %arg2[%add3A, %dma_wait3A_173, %dma_wait3A_174] : memref<32x10x1000xi32, #tpu.memory_space<hbm>> -> memref<1x10x1000xi32, #tpu.memory_space<hbm>>
      %dma_wait3A_176 = tpu.memref_squeeze %dma_wait3A_175 : memref<1x10x1000xi32, #tpu.memory_space<hbm>> -> memref<10x1000xi32, #tpu.memory_space<hbm>>
      tpu.wait_dma2 semaphore(%run_scoped3A : memref<!tpu.dma_semaphore, #tpu.memory_space<semaphore_mem>>) src(%dma_wait3A_176 : memref<10x1000xi32, #tpu.memory_space<hbm>>) dst(%arg6 : memref<10x1000xi32, #tpu.memory_space<vmem>>)
      tpu.yield
    }) : () -> ()
    %barrier3A = arith.constant 0 : index
    tpu.barrier barrier_id(%barrier3A)
    %dma_start3A = arith.constant 0 : i32
    %dma_start3A_18 = arith.constant 0 : i32
    %dma_start3A_19 = tpu.memref_slice %arg6[%dma_start3A, %dma_start3A_18] : memref<10x1000xi32, #tpu.memory_space<vmem>> -> memref<1x1000xi32, #tpu.memory_space<vmem>>
    %dma_start3A_20 = tpu.memref_squeeze %dma_start3A_19 : memref<1x1000xi32, #tpu.memory_space<vmem>> -> memref<1000xi32, #tpu.memory_space<vmem>>
    %dma_start3A_21 = arith.constant 0 : i32
    %dma_start3A_22 = arith.constant 0 : i32
    %dma_start3A_23 = tpu.memref_slice %arg8[%dma_start3A_21, %dma_start3A_22] : memref<10240x16xf32, #tpu.memory_space<vmem_shared>> -> memref<10240x16xf32, #tpu.memory_space<vmem_shared>>
    tpu.enqueue_indirect_dma source(%arg5 : memref<1000x16xf32, #tpu.memory_space<vmem>>) target(%dma_start3A_23 : memref<10240x16xf32, #tpu.memory_space<vmem_shared>>) offsets(%dma_start3A_20 : memref<1000xi32, #tpu.memory_space<vmem>>) semaphore(%arg7 : memref<!tpu.dma_semaphore, #tpu.memory_space<semaphore_mem>>) {add = true}
    %dma_start3A_24 = arith.constant 1 : i32
    %dma_start3A_25 = arith.constant 0 : i32
    %dma_start3A_26 = tpu.memref_slice %arg6[%dma_start3A_24, %dma_start3A_25] : memref<10x1000xi32, #tpu.memory_space<vmem>> -> memref<1x1000xi32, #tpu.memory_space<vmem>>
    %dma_start3A_27 = tpu.memref_squeeze %dma_start3A_26 : memref<1x1000xi32, #tpu.memory_space<vmem>> -> memref<1000xi32, #tpu.memory_space<vmem>>
    %dma_start3A_28 = arith.constant 0 : i32
    %dma_start3A_29 = arith.constant 0 : i32
    %dma_start3A_30 = tpu.memref_slice %arg8[%dma_start3A_28, %dma_start3A_29] : memref<10240x16xf32, #tpu.memory_space<vmem_shared>> -> memref<10240x16xf32, #tpu.memory_space<vmem_shared>>
    tpu.enqueue_indirect_dma source(%arg5 : memref<1000x16xf32, #tpu.memory_space<vmem>>) target(%dma_start3A_30 : memref<10240x16xf32, #tpu.memory_space<vmem_shared>>) offsets(%dma_start3A_27 : memref<1000xi32, #tpu.memory_space<vmem>>) semaphore(%arg7 : memref<!tpu.dma_semaphore, #tpu.memory_space<semaphore_mem>>) {add = true}
    %dma_start3A_31 = arith.constant 2 : i32
    %dma_start3A_32 = arith.constant 0 : i32
    %dma_start3A_33 = tpu.memref_slice %arg6[%dma_start3A_31, %dma_start3A_32] : memref<10x1000xi32, #tpu.memory_space<vmem>> -> memref<1x1000xi32, #tpu.memory_space<vmem>>
    %dma_start3A_34 = tpu.memref_squeeze %dma_start3A_33 : memref<1x1000xi32, #tpu.memory_space<vmem>> -> memref<1000xi32, #tpu.memory_space<vmem>>
    %dma_start3A_35 = arith.constant 0 : i32
    %dma_start3A_36 = arith.constant 0 : i32
    %dma_start3A_37 = tpu.memref_slice %arg8[%dma_start3A_35, %dma_start3A_36] : memref<10240x16xf32, #tpu.memory_space<vmem_shared>> -> memref<10240x16xf32, #tpu.memory_space<vmem_shared>>
    tpu.enqueue_indirect_dma source(%arg5 : memref<1000x16xf32, #tpu.memory_space<vmem>>) target(%dma_start3A_37 : memref<10240x16xf32, #tpu.memory_space<vmem_shared>>) offsets(%dma_start3A_34 : memref<1000xi32, #tpu.memory_space<vmem>>) semaphore(%arg7 : memref<!tpu.dma_semaphore, #tpu.memory_space<semaphore_mem>>) {add = true}
    %dma_start3A_38 = arith.constant 3 : i32
    %dma_start3A_39 = arith.constant 0 : i32
    %dma_start3A_40 = tpu.memref_slice %arg6[%dma_start3A_38, %dma_start3A_39] : memref<10x1000xi32, #tpu.memory_space<vmem>> -> memref<1x1000xi32, #tpu.memory_space<vmem>>
    %dma_start3A_41 = tpu.memref_squeeze %dma_start3A_40 : memref<1x1000xi32, #tpu.memory_space<vmem>> -> memref<1000xi32, #tpu.memory_space<vmem>>
    %dma_start3A_42 = arith.constant 0 : i32
    %dma_start3A_43 = arith.constant 0 : i32
    %dma_start3A_44 = tpu.memref_slice %arg8[%dma_start3A_42, %dma_start3A_43] : memref<10240x16xf32, #tpu.memory_space<vmem_shared>> -> memref<10240x16xf32, #tpu.memory_space<vmem_shared>>
    tpu.enqueue_indirect_dma source(%arg5 : memref<1000x16xf32, #tpu.memory_space<vmem>>) target(%dma_start3A_44 : memref<10240x16xf32, #tpu.memory_space<vmem_shared>>) offsets(%dma_start3A_41 : memref<1000xi32, #tpu.memory_space<vmem>>) semaphore(%arg7 : memref<!tpu.dma_semaphore, #tpu.memory_space<semaphore_mem>>) {add = true}
    %dma_start3A_45 = arith.constant 4 : i32
    %dma_start3A_46 = arith.constant 0 : i32
    %dma_start3A_47 = tpu.memref_slice %arg6[%dma_start3A_45, %dma_start3A_46] : memref<10x1000xi32, #tpu.memory_space<vmem>> -> memref<1x1000xi32, #tpu.memory_space<vmem>>
    %dma_start3A_48 = tpu.memref_squeeze %dma_start3A_47 : memref<1x1000xi32, #tpu.memory_space<vmem>> -> memref<1000xi32, #tpu.memory_space<vmem>>
    %dma_start3A_49 = arith.constant 0 : i32
    %dma_start3A_50 = arith.constant 0 : i32
    %dma_start3A_51 = tpu.memref_slice %arg8[%dma_start3A_49, %dma_start3A_50] : memref<10240x16xf32, #tpu.memory_space<vmem_shared>> -> memref<10240x16xf32, #tpu.memory_space<vmem_shared>>
    tpu.enqueue_indirect_dma source(%arg5 : memref<1000x16xf32, #tpu.memory_space<vmem>>) target(%dma_start3A_51 : memref<10240x16xf32, #tpu.memory_space<vmem_shared>>) offsets(%dma_start3A_48 : memref<1000xi32, #tpu.memory_space<vmem>>) semaphore(%arg7 : memref<!tpu.dma_semaphore, #tpu.memory_space<semaphore_mem>>) {add = true}
    %dma_start3A_52 = arith.constant 5 : i32
    %dma_start3A_53 = arith.constant 0 : i32
    %dma_start3A_54 = tpu.memref_slice %arg6[%dma_start3A_52, %dma_start3A_53] : memref<10x1000xi32, #tpu.memory_space<vmem>> -> memref<1x1000xi32, #tpu.memory_space<vmem>>
    %dma_start3A_55 = tpu.memref_squeeze %dma_start3A_54 : memref<1x1000xi32, #tpu.memory_space<vmem>> -> memref<1000xi32, #tpu.memory_space<vmem>>
    %dma_start3A_56 = arith.constant 0 : i32
    %dma_start3A_57 = arith.constant 0 : i32
    %dma_start3A_58 = tpu.memref_slice %arg8[%dma_start3A_56, %dma_start3A_57] : memref<10240x16xf32, #tpu.memory_space<vmem_shared>> -> memref<10240x16xf32, #tpu.memory_space<vmem_shared>>
    tpu.enqueue_indirect_dma source(%arg5 : memref<1000x16xf32, #tpu.memory_space<vmem>>) target(%dma_start3A_58 : memref<10240x16xf32, #tpu.memory_space<vmem_shared>>) offsets(%dma_start3A_55 : memref<1000xi32, #tpu.memory_space<vmem>>) semaphore(%arg7 : memref<!tpu.dma_semaphore, #tpu.memory_space<semaphore_mem>>) {add = true}
    %dma_start3A_59 = arith.constant 6 : i32
    %dma_start3A_60 = arith.constant 0 : i32
    %dma_start3A_61 = tpu.memref_slice %arg6[%dma_start3A_59, %dma_start3A_60] : memref<10x1000xi32, #tpu.memory_space<vmem>> -> memref<1x1000xi32, #tpu.memory_space<vmem>>
    %dma_start3A_62 = tpu.memref_squeeze %dma_start3A_61 : memref<1x1000xi32, #tpu.memory_space<vmem>> -> memref<1000xi32, #tpu.memory_space<vmem>>
    %dma_start3A_63 = arith.constant 0 : i32
    %dma_start3A_64 = arith.constant 0 : i32
    %dma_start3A_65 = tpu.memref_slice %arg8[%dma_start3A_63, %dma_start3A_64] : memref<10240x16xf32, #tpu.memory_space<vmem_shared>> -> memref<10240x16xf32, #tpu.memory_space<vmem_shared>>
    tpu.enqueue_indirect_dma source(%arg5 : memref<1000x16xf32, #tpu.memory_space<vmem>>) target(%dma_start3A_65 : memref<10240x16xf32, #tpu.memory_space<vmem_shared>>) offsets(%dma_start3A_62 : memref<1000xi32, #tpu.memory_space<vmem>>) semaphore(%arg7 : memref<!tpu.dma_semaphore, #tpu.memory_space<semaphore_mem>>) {add = true}
    %dma_start3A_66 = arith.constant 7 : i32
    %dma_start3A_67 = arith.constant 0 : i32
    %dma_start3A_68 = tpu.memref_slice %arg6[%dma_start3A_66, %dma_start3A_67] : memref<10x1000xi32, #tpu.memory_space<vmem>> -> memref<1x1000xi32, #tpu.memory_space<vmem>>
    %dma_start3A_69 = tpu.memref_squeeze %dma_start3A_68 : memref<1x1000xi32, #tpu.memory_space<vmem>> -> memref<1000xi32, #tpu.memory_space<vmem>>
    %dma_start3A_70 = arith.constant 0 : i32
    %dma_start3A_71 = arith.constant 0 : i32
    %dma_start3A_72 = tpu.memref_slice %arg8[%dma_start3A_70, %dma_start3A_71] : memref<10240x16xf32, #tpu.memory_space<vmem_shared>> -> memref<10240x16xf32, #tpu.memory_space<vmem_shared>>
    tpu.enqueue_indirect_dma source(%arg5 : memref<1000x16xf32, #tpu.memory_space<vmem>>) target(%dma_start3A_72 : memref<10240x16xf32, #tpu.memory_space<vmem_shared>>) offsets(%dma_start3A_69 : memref<1000xi32, #tpu.memory_space<vmem>>) semaphore(%arg7 : memref<!tpu.dma_semaphore, #tpu.memory_space<semaphore_mem>>) {add = true}
    %dma_start3A_73 = arith.constant 8 : i32
    %dma_start3A_74 = arith.constant 0 : i32
    %dma_start3A_75 = tpu.memref_slice %arg6[%dma_start3A_73, %dma_start3A_74] : memref<10x1000xi32, #tpu.memory_space<vmem>> -> memref<1x1000xi32, #tpu.memory_space<vmem>>
    %dma_start3A_76 = tpu.memref_squeeze %dma_start3A_75 : memref<1x1000xi32, #tpu.memory_space<vmem>> -> memref<1000xi32, #tpu.memory_space<vmem>>
    %dma_start3A_77 = arith.constant 0 : i32
    %dma_start3A_78 = arith.constant 0 : i32
    %dma_start3A_79 = tpu.memref_slice %arg8[%dma_start3A_77, %dma_start3A_78] : memref<10240x16xf32, #tpu.memory_space<vmem_shared>> -> memref<10240x16xf32, #tpu.memory_space<vmem_shared>>
    tpu.enqueue_indirect_dma source(%arg5 : memref<1000x16xf32, #tpu.memory_space<vmem>>) target(%dma_start3A_79 : memref<10240x16xf32, #tpu.memory_space<vmem_shared>>) offsets(%dma_start3A_76 : memref<1000xi32, #tpu.memory_space<vmem>>) semaphore(%arg7 : memref<!tpu.dma_semaphore, #tpu.memory_space<semaphore_mem>>) {add = true}
    %dma_start3A_80 = arith.constant 9 : i32
    %dma_start3A_81 = arith.constant 0 : i32
    %dma_start3A_82 = tpu.memref_slice %arg6[%dma_start3A_80, %dma_start3A_81] : memref<10x1000xi32, #tpu.memory_space<vmem>> -> memref<1x1000xi32, #tpu.memory_space<vmem>>
    %dma_start3A_83 = tpu.memref_squeeze %dma_start3A_82 : memref<1x1000xi32, #tpu.memory_space<vmem>> -> memref<1000xi32, #tpu.memory_space<vmem>>
    %dma_start3A_84 = arith.constant 0 : i32
    %dma_start3A_85 = arith.constant 0 : i32
    %dma_start3A_86 = tpu.memref_slice %arg8[%dma_start3A_84, %dma_start3A_85] : memref<10240x16xf32, #tpu.memory_space<vmem_shared>> -> memref<10240x16xf32, #tpu.memory_space<vmem_shared>>
    tpu.enqueue_indirect_dma source(%arg5 : memref<1000x16xf32, #tpu.memory_space<vmem>>) target(%dma_start3A_86 : memref<10240x16xf32, #tpu.memory_space<vmem_shared>>) offsets(%dma_start3A_83 : memref<1000xi32, #tpu.memory_space<vmem>>) semaphore(%arg7 : memref<!tpu.dma_semaphore, #tpu.memory_space<semaphore_mem>>) {add = true}
    %dma_wait3A = arith.constant 0 : i32
    %dma_wait3A_87 = arith.constant 0 : i32
    %dma_wait3A_88 = tpu.memref_slice %arg6[%dma_wait3A, %dma_wait3A_87] : memref<10x1000xi32, #tpu.memory_space<vmem>> -> memref<1x1000xi32, #tpu.memory_space<vmem>>
    %dma_wait3A_89 = tpu.memref_squeeze %dma_wait3A_88 : memref<1x1000xi32, #tpu.memory_space<vmem>> -> memref<1000xi32, #tpu.memory_space<vmem>>
    %dma_wait3A_90 = arith.constant 0 : i32
    %dma_wait3A_91 = arith.constant 0 : i32
    %dma_wait3A_92 = tpu.memref_slice %arg8[%dma_wait3A_90, %dma_wait3A_91] : memref<10240x16xf32, #tpu.memory_space<vmem_shared>> -> memref<10240x16xf32, #tpu.memory_space<vmem_shared>>
    tpu.wait_indirect_dma semaphore(%arg7 : memref<!tpu.dma_semaphore, #tpu.memory_space<semaphore_mem>>) src(%arg5 : memref<1000x16xf32, #tpu.memory_space<vmem>>) dst(%dma_wait3A_92 : memref<10240x16xf32, #tpu.memory_space<vmem_shared>>)
    %dma_wait3A_93 = arith.constant 1 : i32
    %dma_wait3A_94 = arith.constant 0 : i32
    %dma_wait3A_95 = tpu.memref_slice %arg6[%dma_wait3A_93, %dma_wait3A_94] : memref<10x1000xi32, #tpu.memory_space<vmem>> -> memref<1x1000xi32, #tpu.memory_space<vmem>>
    %dma_wait3A_96 = tpu.memref_squeeze %dma_wait3A_95 : memref<1x1000xi32, #tpu.memory_space<vmem>> -> memref<1000xi32, #tpu.memory_space<vmem>>
    %dma_wait3A_97 = arith.constant 0 : i32
    %dma_wait3A_98 = arith.constant 0 : i32
    %dma_wait3A_99 = tpu.memref_slice %arg8[%dma_wait3A_97, %dma_wait3A_98] : memref<10240x16xf32, #tpu.memory_space<vmem_shared>> -> memref<10240x16xf32, #tpu.memory_space<vmem_shared>>
    tpu.wait_indirect_dma semaphore(%arg7 : memref<!tpu.dma_semaphore, #tpu.memory_space<semaphore_mem>>) src(%arg5 : memref<1000x16xf32, #tpu.memory_space<vmem>>) dst(%dma_wait3A_99 : memref<10240x16xf32, #tpu.memory_space<vmem_shared>>)
    %dma_wait3A_100 = arith.constant 2 : i32
    %dma_wait3A_101 = arith.constant 0 : i32
    %dma_wait3A_102 = tpu.memref_slice %arg6[%dma_wait3A_100, %dma_wait3A_101] : memref<10x1000xi32, #tpu.memory_space<vmem>> -> memref<1x1000xi32, #tpu.memory_space<vmem>>
    %dma_wait3A_103 = tpu.memref_squeeze %dma_wait3A_102 : memref<1x1000xi32, #tpu.memory_space<vmem>> -> memref<1000xi32, #tpu.memory_space<vmem>>
    %dma_wait3A_104 = arith.constant 0 : i32
    %dma_wait3A_105 = arith.constant 0 : i32
    %dma_wait3A_106 = tpu.memref_slice %arg8[%dma_wait3A_104, %dma_wait3A_105] : memref<10240x16xf32, #tpu.memory_space<vmem_shared>> -> memref<10240x16xf32, #tpu.memory_space<vmem_shared>>
    tpu.wait_indirect_dma semaphore(%arg7 : memref<!tpu.dma_semaphore, #tpu.memory_space<semaphore_mem>>) src(%arg5 : memref<1000x16xf32, #tpu.memory_space<vmem>>) dst(%dma_wait3A_106 : memref<10240x16xf32, #tpu.memory_space<vmem_shared>>)
    %dma_wait3A_107 = arith.constant 3 : i32
    %dma_wait3A_108 = arith.constant 0 : i32
    %dma_wait3A_109 = tpu.memref_slice %arg6[%dma_wait3A_107, %dma_wait3A_108] : memref<10x1000xi32, #tpu.memory_space<vmem>> -> memref<1x1000xi32, #tpu.memory_space<vmem>>
    %dma_wait3A_110 = tpu.memref_squeeze %dma_wait3A_109 : memref<1x1000xi32, #tpu.memory_space<vmem>> -> memref<1000xi32, #tpu.memory_space<vmem>>
    %dma_wait3A_111 = arith.constant 0 : i32
    %dma_wait3A_112 = arith.constant 0 : i32
    %dma_wait3A_113 = tpu.memref_slice %arg8[%dma_wait3A_111, %dma_wait3A_112] : memref<10240x16xf32, #tpu.memory_space<vmem_shared>> -> memref<10240x16xf32, #tpu.memory_space<vmem_shared>>
    tpu.wait_indirect_dma semaphore(%arg7 : memref<!tpu.dma_semaphore, #tpu.memory_space<semaphore_mem>>) src(%arg5 : memref<1000x16xf32, #tpu.memory_space<vmem>>) dst(%dma_wait3A_113 : memref<10240x16xf32, #tpu.memory_space<vmem_shared>>)
    %dma_wait3A_114 = arith.constant 4 : i32
    %dma_wait3A_115 = arith.constant 0 : i32
    %dma_wait3A_116 = tpu.memref_slice %arg6[%dma_wait3A_114, %dma_wait3A_115] : memref<10x1000xi32, #tpu.memory_space<vmem>> -> memref<1x1000xi32, #tpu.memory_space<vmem>>
    %dma_wait3A_117 = tpu.memref_squeeze %dma_wait3A_116 : memref<1x1000xi32, #tpu.memory_space<vmem>> -> memref<1000xi32, #tpu.memory_space<vmem>>
    %dma_wait3A_118 = arith.constant 0 : i32
    %dma_wait3A_119 = arith.constant 0 : i32
    %dma_wait3A_120 = tpu.memref_slice %arg8[%dma_wait3A_118, %dma_wait3A_119] : memref<10240x16xf32, #tpu.memory_space<vmem_shared>> -> memref<10240x16xf32, #tpu.memory_space<vmem_shared>>
    tpu.wait_indirect_dma semaphore(%arg7 : memref<!tpu.dma_semaphore, #tpu.memory_space<semaphore_mem>>) src(%arg5 : memref<1000x16xf32, #tpu.memory_space<vmem>>) dst(%dma_wait3A_120 : memref<10240x16xf32, #tpu.memory_space<vmem_shared>>)
    %dma_wait3A_121 = arith.constant 5 : i32
    %dma_wait3A_122 = arith.constant 0 : i32
    %dma_wait3A_123 = tpu.memref_slice %arg6[%dma_wait3A_121, %dma_wait3A_122] : memref<10x1000xi32, #tpu.memory_space<vmem>> -> memref<1x1000xi32, #tpu.memory_space<vmem>>
    %dma_wait3A_124 = tpu.memref_squeeze %dma_wait3A_123 : memref<1x1000xi32, #tpu.memory_space<vmem>> -> memref<1000xi32, #tpu.memory_space<vmem>>
    %dma_wait3A_125 = arith.constant 0 : i32
    %dma_wait3A_126 = arith.constant 0 : i32
    %dma_wait3A_127 = tpu.memref_slice %arg8[%dma_wait3A_125, %dma_wait3A_126] : memref<10240x16xf32, #tpu.memory_space<vmem_shared>> -> memref<10240x16xf32, #tpu.memory_space<vmem_shared>>
    tpu.wait_indirect_dma semaphore(%arg7 : memref<!tpu.dma_semaphore, #tpu.memory_space<semaphore_mem>>) src(%arg5 : memref<1000x16xf32, #tpu.memory_space<vmem>>) dst(%dma_wait3A_127 : memref<10240x16xf32, #tpu.memory_space<vmem_shared>>)
    %dma_wait3A_128 = arith.constant 6 : i32
    %dma_wait3A_129 = arith.constant 0 : i32
    %dma_wait3A_130 = tpu.memref_slice %arg6[%dma_wait3A_128, %dma_wait3A_129] : memref<10x1000xi32, #tpu.memory_space<vmem>> -> memref<1x1000xi32, #tpu.memory_space<vmem>>
    %dma_wait3A_131 = tpu.memref_squeeze %dma_wait3A_130 : memref<1x1000xi32, #tpu.memory_space<vmem>> -> memref<1000xi32, #tpu.memory_space<vmem>>
    %dma_wait3A_132 = arith.constant 0 : i32
    %dma_wait3A_133 = arith.constant 0 : i32
    %dma_wait3A_134 = tpu.memref_slice %arg8[%dma_wait3A_132, %dma_wait3A_133] : memref<10240x16xf32, #tpu.memory_space<vmem_shared>> -> memref<10240x16xf32, #tpu.memory_space<vmem_shared>>
    tpu.wait_indirect_dma semaphore(%arg7 : memref<!tpu.dma_semaphore, #tpu.memory_space<semaphore_mem>>) src(%arg5 : memref<1000x16xf32, #tpu.memory_space<vmem>>) dst(%dma_wait3A_134 : memref<10240x16xf32, #tpu.memory_space<vmem_shared>>)
    %dma_wait3A_135 = arith.constant 7 : i32
    %dma_wait3A_136 = arith.constant 0 : i32
    %dma_wait3A_137 = tpu.memref_slice %arg6[%dma_wait3A_135, %dma_wait3A_136] : memref<10x1000xi32, #tpu.memory_space<vmem>> -> memref<1x1000xi32, #tpu.memory_space<vmem>>
    %dma_wait3A_138 = tpu.memref_squeeze %dma_wait3A_137 : memref<1x1000xi32, #tpu.memory_space<vmem>> -> memref<1000xi32, #tpu.memory_space<vmem>>
    %dma_wait3A_139 = arith.constant 0 : i32
    %dma_wait3A_140 = arith.constant 0 : i32
    %dma_wait3A_141 = tpu.memref_slice %arg8[%dma_wait3A_139, %dma_wait3A_140] : memref<10240x16xf32, #tpu.memory_space<vmem_shared>> -> memref<10240x16xf32, #tpu.memory_space<vmem_shared>>
    tpu.wait_indirect_dma semaphore(%arg7 : memref<!tpu.dma_semaphore, #tpu.memory_space<semaphore_mem>>) src(%arg5 : memref<1000x16xf32, #tpu.memory_space<vmem>>) dst(%dma_wait3A_141 : memref<10240x16xf32, #tpu.memory_space<vmem_shared>>)
    %dma_wait3A_142 = arith.constant 8 : i32
    %dma_wait3A_143 = arith.constant 0 : i32
    %dma_wait3A_144 = tpu.memref_slice %arg6[%dma_wait3A_142, %dma_wait3A_143] : memref<10x1000xi32, #tpu.memory_space<vmem>> -> memref<1x1000xi32, #tpu.memory_space<vmem>>
    %dma_wait3A_145 = tpu.memref_squeeze %dma_wait3A_144 : memref<1x1000xi32, #tpu.memory_space<vmem>> -> memref<1000xi32, #tpu.memory_space<vmem>>
    %dma_wait3A_146 = arith.constant 0 : i32
    %dma_wait3A_147 = arith.constant 0 : i32
    %dma_wait3A_148 = tpu.memref_slice %arg8[%dma_wait3A_146, %dma_wait3A_147] : memref<10240x16xf32, #tpu.memory_space<vmem_shared>> -> memref<10240x16xf32, #tpu.memory_space<vmem_shared>>
    tpu.wait_indirect_dma semaphore(%arg7 : memref<!tpu.dma_semaphore, #tpu.memory_space<semaphore_mem>>) src(%arg5 : memref<1000x16xf32, #tpu.memory_space<vmem>>) dst(%dma_wait3A_148 : memref<10240x16xf32, #tpu.memory_space<vmem_shared>>)
    %dma_wait3A_149 = arith.constant 9 : i32
    %dma_wait3A_150 = arith.constant 0 : i32
    %dma_wait3A_151 = tpu.memref_slice %arg6[%dma_wait3A_149, %dma_wait3A_150] : memref<10x1000xi32, #tpu.memory_space<vmem>> -> memref<1x1000xi32, #tpu.memory_space<vmem>>
    %dma_wait3A_152 = tpu.memref_squeeze %dma_wait3A_151 : memref<1x1000xi32, #tpu.memory_space<vmem>> -> memref<1000xi32, #tpu.memory_space<vmem>>
    %dma_wait3A_153 = arith.constant 0 : i32
    %dma_wait3A_154 = arith.constant 0 : i32
    %dma_wait3A_155 = tpu.memref_slice %arg8[%dma_wait3A_153, %dma_wait3A_154] : memref<10240x16xf32, #tpu.memory_space<vmem_shared>> -> memref<10240x16xf32, #tpu.memory_space<vmem_shared>>
    tpu.wait_indirect_dma semaphore(%arg7 : memref<!tpu.dma_semaphore, #tpu.memory_space<semaphore_mem>>) src(%arg5 : memref<1000x16xf32, #tpu.memory_space<vmem>>) dst(%dma_wait3A_155 : memref<10240x16xf32, #tpu.memory_space<vmem_shared>>)
    %barrier3A_156 = arith.constant 0 : index
    tpu.barrier barrier_id(%barrier3A_156)
    %mul3A_157 = arith.constant 640 : i32
    %mul3A_158 = arith.muli %arg1, %mul3A_157 : i32
    %mul3A_159 = arith.constant 640 : i32
    %mul3A_160 = arith.muli %arg1, %mul3A_159 : i32
    "tpu.region"() ({
      %run_scoped3A = tpu.sem_alloc : memref<!tpu.dma_semaphore, #tpu.memory_space<semaphore_mem>>
      %dma_start3A_161 = arith.constant 0 : i32
      %dma_start3A_162 = arith.constant 0 : i32
      %dma_start3A_163 = tpu.memref_slice %arg3[%arg0, %dma_start3A_161, %dma_start3A_162] : memref<2x10240x16xf32, #tpu.memory_space<hbm>> -> memref<1x10240x16xf32, #tpu.memory_space<hbm>>
      %dma_start3A_164 = tpu.memref_squeeze %dma_start3A_163 : memref<1x10240x16xf32, #tpu.memory_space<hbm>> -> memref<10240x16xf32, #tpu.memory_space<hbm>>
      %dma_start3A_165 = arith.constant 0 : i32
      %dma_start3A_166 = tpu.memref_slice %dma_start3A_164[%mul3A_160, %dma_start3A_165] : memref<10240x16xf32, #tpu.memory_space<hbm>> -> memref<640x16xf32, #tpu.memory_space<hbm>>
      %dma_start3A_167 = arith.constant 0 : i32
      %dma_start3A_168 = tpu.memref_slice %arg8[%mul3A_158, %dma_start3A_167] : memref<10240x16xf32, #tpu.memory_space<vmem_shared>> -> memref<640x16xf32, #tpu.memory_space<vmem_shared>>
      tpu.enqueue_dma source(%dma_start3A_168 : memref<640x16xf32, #tpu.memory_space<vmem_shared>>) target(%dma_start3A_166 : memref<640x16xf32, #tpu.memory_space<hbm>>) target_semaphore(%run_scoped3A : memref<!tpu.dma_semaphore, #tpu.memory_space<semaphore_mem>>)
      %dma_wait3A_169 = arith.constant 0 : i32
      %dma_wait3A_170 = arith.constant 0 : i32
      %dma_wait3A_171 = tpu.memref_slice %arg3[%arg0, %dma_wait3A_169, %dma_wait3A_170] : memref<2x10240x16xf32, #tpu.memory_space<hbm>> -> memref<1x10240x16xf32, #tpu.memory_space<hbm>>
      %dma_wait3A_172 = tpu.memref_squeeze %dma_wait3A_171 : memref<1x10240x16xf32, #tpu.memory_space<hbm>> -> memref<10240x16xf32, #tpu.memory_space<hbm>>
      %dma_wait3A_173 = arith.constant 0 : i32
      %dma_wait3A_174 = tpu.memref_slice %dma_wait3A_172[%mul3A_160, %dma_wait3A_173] : memref<10240x16xf32, #tpu.memory_space<hbm>> -> memref<640x16xf32, #tpu.memory_space<hbm>>
      %dma_wait3A_175 = arith.constant 0 : i32
      %dma_wait3A_176 = tpu.memref_slice %arg8[%mul3A_158, %dma_wait3A_175] : memref<10240x16xf32, #tpu.memory_space<vmem_shared>> -> memref<640x16xf32, #tpu.memory_space<vmem_shared>>
      tpu.wait_dma2 semaphore(%run_scoped3A : memref<!tpu.dma_semaphore, #tpu.memory_space<semaphore_mem>>) src(%dma_wait3A_176 : memref<640x16xf32, #tpu.memory_space<vmem_shared>>) dst(%dma_wait3A_174 : memref<640x16xf32, #tpu.memory_space<hbm>>)
      tpu.yield
    }) : () -> ()
    return
  }
}

#map = affine_map<(d0, d1) -> (0, 0, 0)>
#map1 = affine_map<(d0, d1) -> (0, 0)>
module attributes {stable_mosaic.version = 14 : i64} {
  func.func @_sc_agg1(%arg0: i32, %arg1: i32, %arg2: memref<2x10240x16xf32, #tpu.memory_space<hbm>>, %arg3: memref<10240x16xf32, #tpu.memory_space<hbm>>, %arg4: memref<32x10x1000xi32, #tpu.memory_space<hbm>>, %arg5: memref<32x10x1000xi32, #tpu.memory_space<hbm>>, %arg6: memref<2x10240x16xf32, #tpu.memory_space<hbm>>, %arg7: memref<2x10240x16xf32, #tpu.memory_space<hbm>>, %arg8: memref<2x10240x16xf32, #tpu.memory_space<hbm>>, %arg9: memref<128x16xf32, #tpu.memory_space<vmem>>, %arg10: memref<10x1000xi32, #tpu.memory_space<vmem>>, %arg11: memref<10x1000xi32, #tpu.memory_space<vmem>>, %arg12: memref<1000x16xf32, #tpu.memory_space<vmem>>, %arg13: memref<1000x16xf32, #tpu.memory_space<vmem>>, %arg14: memref<640x16xf32, #tpu.memory_space<vmem>>, %arg15: memref<640x16xf32, #tpu.memory_space<vmem>>, %arg16: memref<640x16xf32, #tpu.memory_space<vmem>>, %arg17: memref<640x16xf32, #tpu.memory_space<vmem>>, %arg18: memref<!tpu.dma_semaphore, #tpu.memory_space<semaphore_mem>>, %arg19: memref<!tpu.dma_semaphore, #tpu.memory_space<semaphore_mem>>, %arg20: memref<10240x16xf32, #tpu.memory_space<vmem_shared>>, %arg21: memref<10240x16xf32, #tpu.memory_space<vmem_shared>>) attributes {dimension_semantics = [#tpu.dimension_semantics<core_parallel>, #tpu.dimension_semantics<subcore_parallel>], iteration_bounds = array<i64: 2, 16>, scalar_prefetch = 0 : i64, scratch_operands = 13 : i64, tpu.core_type = #tpu.core_type<sc_vector_subcore>, window_params = [{transform_indices = #map}, {transform_indices = #map1}, {transform_indices = #map}, {transform_indices = #map}, {transform_indices = #map}, {transform_indices = #map}, {transform_indices = #map}]} {
    %mul3A = arith.constant 16 : i32
    %mul3A_0 = arith.muli %arg0, %mul3A : i32
    %add3A = arith.addi %mul3A_0, %arg1 : i32
    %mul3A_1 = arith.constant 640 : i32
    %mul3A_2 = arith.muli %arg1, %mul3A_1 : i32
    %broadcast_in_dim3A = arith.constant 0.000000e+00 : f32
    %broadcast_in_dim3A_3 = vector.broadcast %broadcast_in_dim3A : f32 to vector<16xf32>
    %scan3A = arith.constant 0 : i32
    %scan3A_4 = arith.constant 128 : i32
    %scan3A_5 = arith.addi %scan3A, %scan3A_4 : i32
    %scan3A_6 = arith.constant 1 : i32
    scf.for %scan3A_168 = %scan3A to %scan3A_5 step %scan3A_6  : i32 {
      %mul3A_169 = arith.constant 1 : i32
      %mul3A_170 = arith.muli %scan3A_168, %mul3A_169 : i32
      %add3A_171 = arith.constant 0 : i32
      %add3A_172 = arith.addi %add3A_171, %mul3A_170 : i32
      %swap3A = arith.index_cast %add3A_172 : i32 to index
      %swap3A_173 = arith.constant 0 : index
      %swap3A_174 = tpu.vector_load %arg9[%swap3A, %swap3A_173] {strides = array<i32>} : memref<128x16xf32, #tpu.memory_space<vmem>>, vector<1x16xf32>,
      %swap3A_175 = vector.shape_cast %swap3A_174 : vector<1x16xf32> to vector<16xf32>
      %swap3A_176 = vector.shape_cast %broadcast_in_dim3A_3 : vector<16xf32> to vector<1x16xf32>
      tpu.vector_store %arg9[%swap3A, %swap3A_173], %swap3A_176 {strides = array<i32>} : memref<128x16xf32, #tpu.memory_space<vmem>>, vector<1x16xf32>,
    }
    %scan3A_7 = arith.constant 128 : i32
    %scan3A_8 = arith.constant 0 : i32
    %scan3A_9 = arith.constant 5 : i32
    %scan3A_10 = arith.addi %scan3A_8, %scan3A_9 : i32
    %scan3A_11 = arith.constant 1 : i32
    scf.for %scan3A_168 = %scan3A_8 to %scan3A_10 step %scan3A_11  : i32 {
      %mul3A_169 = arith.constant 1 : i32
      %mul3A_170 = arith.muli %scan3A_168, %mul3A_169 : i32
      %add3A_171 = arith.constant 0 : i32
      %add3A_172 = arith.addi %add3A_171, %mul3A_170 : i32
      %mul3A_173 = arith.constant 640 : i32
      %mul3A_174 = arith.muli %arg1, %mul3A_173 : i32
      %mul3A_175 = arith.constant 128 : i32
      %mul3A_176 = arith.muli %add3A_172, %mul3A_175 : i32
      %add3A_177 = arith.addi %mul3A_174, %mul3A_176 : i32
      "tpu.region"() ({
        %run_scoped3A_178 = tpu.sem_alloc : memref<!tpu.dma_semaphore, #tpu.memory_space<semaphore_mem>>
        %dma_start3A_179 = arith.constant 0 : i32
        %dma_start3A_180 = tpu.memref_slice %arg21[%add3A_177, %dma_start3A_179] : memref<10240x16xf32, #tpu.memory_space<vmem_shared>> -> memref<128x16xf32, #tpu.memory_space<vmem_shared>>
        %dma_start3A_181 = arith.constant 0 : i32
        %dma_start3A_182 = tpu.memref_slice %arg21[%add3A_177, %dma_start3A_181] : memref<10240x16xf32, #tpu.memory_space<vmem_shared>> -> memref<128x16xf32, #tpu.memory_space<vmem_shared>>
        tpu.enqueue_dma source(%arg9 : memref<128x16xf32, #tpu.memory_space<vmem>>) target(%dma_start3A_182 : memref<128x16xf32, #tpu.memory_space<vmem_shared>>) target_semaphore(%run_scoped3A_178 : memref<!tpu.dma_semaphore, #tpu.memory_space<semaphore_mem>>)
        %dma_wait3A_183 = arith.constant 0 : i32
        %dma_wait3A_184 = tpu.memref_slice %arg21[%add3A_177, %dma_wait3A_183] : memref<10240x16xf32, #tpu.memory_space<vmem_shared>> -> memref<128x16xf32, #tpu.memory_space<vmem_shared>>
        %dma_wait3A_185 = arith.constant 0 : i32
        %dma_wait3A_186 = tpu.memref_slice %arg21[%add3A_177, %dma_wait3A_185] : memref<10240x16xf32, #tpu.memory_space<vmem_shared>> -> memref<128x16xf32, #tpu.memory_space<vmem_shared>>
        tpu.wait_dma2 semaphore(%run_scoped3A_178 : memref<!tpu.dma_semaphore, #tpu.memory_space<semaphore_mem>>) src(%arg9 : memref<128x16xf32, #tpu.memory_space<vmem>>) dst(%dma_wait3A_186 : memref<128x16xf32, #tpu.memory_space<vmem_shared>>)
        tpu.yield
      }) : () -> ()
    }
    %scan3A_12 = arith.constant 5 : i32
    %run_scoped3A = arith.constant 0 : i32
    "tpu.region"() ({
      %run_scoped3A_168 = tpu.sem_alloc : memref<!tpu.dma_semaphore, #tpu.memory_space<semaphore_mem>>
      %dma_start3A_169 = arith.constant 0 : i32
      %dma_start3A_170 = arith.constant 0 : i32
      %dma_start3A_171 = tpu.memref_slice %arg2[%run_scoped3A, %dma_start3A_169, %dma_start3A_170] : memref<2x10240x16xf32, #tpu.memory_space<hbm>> -> memref<1x10240x16xf32, #tpu.memory_space<hbm>>
      %dma_start3A_172 = tpu.memref_squeeze %dma_start3A_171 : memref<1x10240x16xf32, #tpu.memory_space<hbm>> -> memref<10240x16xf32, #tpu.memory_space<hbm>>
      %dma_start3A_173 = arith.constant 0 : i32
      %dma_start3A_174 = tpu.memref_slice %dma_start3A_172[%mul3A_2, %dma_start3A_173] : memref<10240x16xf32, #tpu.memory_space<hbm>> -> memref<640x16xf32, #tpu.memory_space<hbm>>
      %dma_start3A_175 = arith.constant 0 : i32
      %dma_start3A_176 = arith.constant 0 : i32
      %dma_start3A_177 = tpu.memref_slice %arg2[%run_scoped3A, %dma_start3A_175, %dma_start3A_176] : memref<2x10240x16xf32, #tpu.memory_space<hbm>> -> memref<1x10240x16xf32, #tpu.memory_space<hbm>>
      %dma_start3A_178 = tpu.memref_squeeze %dma_start3A_177 : memref<1x10240x16xf32, #tpu.memory_space<hbm>> -> memref<10240x16xf32, #tpu.memory_space<hbm>>
      %dma_start3A_179 = arith.constant 0 : i32
      %dma_start3A_180 = tpu.memref_slice %dma_start3A_178[%mul3A_2, %dma_start3A_179] : memref<10240x16xf32, #tpu.memory_space<hbm>> -> memref<640x16xf32, #tpu.memory_space<hbm>>
      tpu.enqueue_dma source(%dma_start3A_180 : memref<640x16xf32, #tpu.memory_space<hbm>>) target(%arg14 : memref<640x16xf32, #tpu.memory_space<vmem>>) target_semaphore(%run_scoped3A_168 : memref<!tpu.dma_semaphore, #tpu.memory_space<semaphore_mem>>)
      %dma_wait3A_181 = arith.constant 0 : i32
      %dma_wait3A_182 = arith.constant 0 : i32
      %dma_wait3A_183 = tpu.memref_slice %arg2[%run_scoped3A, %dma_wait3A_181, %dma_wait3A_182] : memref<2x10240x16xf32, #tpu.memory_space<hbm>> -> memref<1x10240x16xf32, #tpu.memory_space<hbm>>
      %dma_wait3A_184 = tpu.memref_squeeze %dma_wait3A_183 : memref<1x10240x16xf32, #tpu.memory_space<hbm>> -> memref<10240x16xf32, #tpu.memory_space<hbm>>
      %dma_wait3A_185 = arith.constant 0 : i32
      %dma_wait3A_186 = tpu.memref_slice %dma_wait3A_184[%mul3A_2, %dma_wait3A_185] : memref<10240x16xf32, #tpu.memory_space<hbm>> -> memref<640x16xf32, #tpu.memory_space<hbm>>
      %dma_wait3A_187 = arith.constant 0 : i32
      %dma_wait3A_188 = arith.constant 0 : i32
      %dma_wait3A_189 = tpu.memref_slice %arg2[%run_scoped3A, %dma_wait3A_187, %dma_wait3A_188] : memref<2x10240x16xf32, #tpu.memory_space<hbm>> -> memref<1x10240x16xf32, #tpu.memory_space<hbm>>
      %dma_wait3A_190 = tpu.memref_squeeze %dma_wait3A_189 : memref<1x10240x16xf32, #tpu.memory_space<hbm>> -> memref<10240x16xf32, #tpu.memory_space<hbm>>
      %dma_wait3A_191 = arith.constant 0 : i32
      %dma_wait3A_192 = tpu.memref_slice %dma_wait3A_190[%mul3A_2, %dma_wait3A_191] : memref<10240x16xf32, #tpu.memory_space<hbm>> -> memref<640x16xf32, #tpu.memory_space<hbm>>
      tpu.wait_dma2 semaphore(%run_scoped3A_168 : memref<!tpu.dma_semaphore, #tpu.memory_space<semaphore_mem>>) src(%dma_wait3A_192 : memref<640x16xf32, #tpu.memory_space<hbm>>) dst(%arg14 : memref<640x16xf32, #tpu.memory_space<vmem>>)
      tpu.yield
    }) : () -> ()
    %run_scoped3A_13 = arith.constant 1 : i32
    "tpu.region"() ({
      %run_scoped3A_168 = tpu.sem_alloc : memref<!tpu.dma_semaphore, #tpu.memory_space<semaphore_mem>>
      %dma_start3A_169 = arith.constant 0 : i32
      %dma_start3A_170 = arith.constant 0 : i32
      %dma_start3A_171 = tpu.memref_slice %arg2[%run_scoped3A_13, %dma_start3A_169, %dma_start3A_170] : memref<2x10240x16xf32, #tpu.memory_space<hbm>> -> memref<1x10240x16xf32, #tpu.memory_space<hbm>>
      %dma_start3A_172 = tpu.memref_squeeze %dma_start3A_171 : memref<1x10240x16xf32, #tpu.memory_space<hbm>> -> memref<10240x16xf32, #tpu.memory_space<hbm>>
      %dma_start3A_173 = arith.constant 0 : i32
      %dma_start3A_174 = tpu.memref_slice %dma_start3A_172[%mul3A_2, %dma_start3A_173] : memref<10240x16xf32, #tpu.memory_space<hbm>> -> memref<640x16xf32, #tpu.memory_space<hbm>>
      %dma_start3A_175 = arith.constant 0 : i32
      %dma_start3A_176 = arith.constant 0 : i32
      %dma_start3A_177 = tpu.memref_slice %arg2[%run_scoped3A_13, %dma_start3A_175, %dma_start3A_176] : memref<2x10240x16xf32, #tpu.memory_space<hbm>> -> memref<1x10240x16xf32, #tpu.memory_space<hbm>>
      %dma_start3A_178 = tpu.memref_squeeze %dma_start3A_177 : memref<1x10240x16xf32, #tpu.memory_space<hbm>> -> memref<10240x16xf32, #tpu.memory_space<hbm>>
      %dma_start3A_179 = arith.constant 0 : i32
      %dma_start3A_180 = tpu.memref_slice %dma_start3A_178[%mul3A_2, %dma_start3A_179] : memref<10240x16xf32, #tpu.memory_space<hbm>> -> memref<640x16xf32, #tpu.memory_space<hbm>>
      tpu.enqueue_dma source(%dma_start3A_180 : memref<640x16xf32, #tpu.memory_space<hbm>>) target(%arg15 : memref<640x16xf32, #tpu.memory_space<vmem>>) target_semaphore(%run_scoped3A_168 : memref<!tpu.dma_semaphore, #tpu.memory_space<semaphore_mem>>)
      %dma_wait3A_181 = arith.constant 0 : i32
      %dma_wait3A_182 = arith.constant 0 : i32
      %dma_wait3A_183 = tpu.memref_slice %arg2[%run_scoped3A_13, %dma_wait3A_181, %dma_wait3A_182] : memref<2x10240x16xf32, #tpu.memory_space<hbm>> -> memref<1x10240x16xf32, #tpu.memory_space<hbm>>
      %dma_wait3A_184 = tpu.memref_squeeze %dma_wait3A_183 : memref<1x10240x16xf32, #tpu.memory_space<hbm>> -> memref<10240x16xf32, #tpu.memory_space<hbm>>
      %dma_wait3A_185 = arith.constant 0 : i32
      %dma_wait3A_186 = tpu.memref_slice %dma_wait3A_184[%mul3A_2, %dma_wait3A_185] : memref<10240x16xf32, #tpu.memory_space<hbm>> -> memref<640x16xf32, #tpu.memory_space<hbm>>
      %dma_wait3A_187 = arith.constant 0 : i32
      %dma_wait3A_188 = arith.constant 0 : i32
      %dma_wait3A_189 = tpu.memref_slice %arg2[%run_scoped3A_13, %dma_wait3A_187, %dma_wait3A_188] : memref<2x10240x16xf32, #tpu.memory_space<hbm>> -> memref<1x10240x16xf32, #tpu.memory_space<hbm>>
      %dma_wait3A_190 = tpu.memref_squeeze %dma_wait3A_189 : memref<1x10240x16xf32, #tpu.memory_space<hbm>> -> memref<10240x16xf32, #tpu.memory_space<hbm>>
      %dma_wait3A_191 = arith.constant 0 : i32
      %dma_wait3A_192 = tpu.memref_slice %dma_wait3A_190[%mul3A_2, %dma_wait3A_191] : memref<10240x16xf32, #tpu.memory_space<hbm>> -> memref<640x16xf32, #tpu.memory_space<hbm>>
      tpu.wait_dma2 semaphore(%run_scoped3A_168 : memref<!tpu.dma_semaphore, #tpu.memory_space<semaphore_mem>>) src(%dma_wait3A_192 : memref<640x16xf32, #tpu.memory_space<hbm>>) dst(%arg15 : memref<640x16xf32, #tpu.memory_space<vmem>>)
      tpu.yield
    }) : () -> ()
    "tpu.region"() ({
      %run_scoped3A_168 = tpu.sem_alloc : memref<!tpu.dma_semaphore, #tpu.memory_space<semaphore_mem>>
      %dma_start3A_169 = arith.constant 0 : i32
      %dma_start3A_170 = tpu.memref_slice %arg3[%mul3A_2, %dma_start3A_169] : memref<10240x16xf32, #tpu.memory_space<hbm>> -> memref<640x16xf32, #tpu.memory_space<hbm>>
      %dma_start3A_171 = arith.constant 0 : i32
      %dma_start3A_172 = tpu.memref_slice %arg3[%mul3A_2, %dma_start3A_171] : memref<10240x16xf32, #tpu.memory_space<hbm>> -> memref<640x16xf32, #tpu.memory_space<hbm>>
      tpu.enqueue_dma source(%dma_start3A_172 : memref<640x16xf32, #tpu.memory_space<hbm>>) target(%arg16 : memref<640x16xf32, #tpu.memory_space<vmem>>) target_semaphore(%run_scoped3A_168 : memref<!tpu.dma_semaphore, #tpu.memory_space<semaphore_mem>>)
      %dma_wait3A_173 = arith.constant 0 : i32
      %dma_wait3A_174 = tpu.memref_slice %arg3[%mul3A_2, %dma_wait3A_173] : memref<10240x16xf32, #tpu.memory_space<hbm>> -> memref<640x16xf32, #tpu.memory_space<hbm>>
      %dma_wait3A_175 = arith.constant 0 : i32
      %dma_wait3A_176 = tpu.memref_slice %arg3[%mul3A_2, %dma_wait3A_175] : memref<10240x16xf32, #tpu.memory_space<hbm>> -> memref<640x16xf32, #tpu.memory_space<hbm>>
      tpu.wait_dma2 semaphore(%run_scoped3A_168 : memref<!tpu.dma_semaphore, #tpu.memory_space<semaphore_mem>>) src(%dma_wait3A_176 : memref<640x16xf32, #tpu.memory_space<hbm>>) dst(%arg16 : memref<640x16xf32, #tpu.memory_space<vmem>>)
      tpu.yield
    }) : () -> ()
    "tpu.region"() ({
      %run_scoped3A_168 = tpu.sem_alloc : memref<!tpu.dma_semaphore, #tpu.memory_space<semaphore_mem>>
      %dma_start3A_169 = arith.constant 0 : i32
      %dma_start3A_170 = arith.constant 0 : i32
      %dma_start3A_171 = tpu.memref_slice %arg4[%add3A, %dma_start3A_169, %dma_start3A_170] : memref<32x10x1000xi32, #tpu.memory_space<hbm>> -> memref<1x10x1000xi32, #tpu.memory_space<hbm>>
      %dma_start3A_172 = tpu.memref_squeeze %dma_start3A_171 : memref<1x10x1000xi32, #tpu.memory_space<hbm>> -> memref<10x1000xi32, #tpu.memory_space<hbm>>
      %dma_start3A_173 = arith.constant 0 : i32
      %dma_start3A_174 = arith.constant 0 : i32
      %dma_start3A_175 = tpu.memref_slice %arg4[%add3A, %dma_start3A_173, %dma_start3A_174] : memref<32x10x1000xi32, #tpu.memory_space<hbm>> -> memref<1x10x1000xi32, #tpu.memory_space<hbm>>
      %dma_start3A_176 = tpu.memref_squeeze %dma_start3A_175 : memref<1x10x1000xi32, #tpu.memory_space<hbm>> -> memref<10x1000xi32, #tpu.memory_space<hbm>>
      tpu.enqueue_dma source(%dma_start3A_176 : memref<10x1000xi32, #tpu.memory_space<hbm>>) target(%arg10 : memref<10x1000xi32, #tpu.memory_space<vmem>>) target_semaphore(%run_scoped3A_168 : memref<!tpu.dma_semaphore, #tpu.memory_space<semaphore_mem>>)
      %dma_wait3A_177 = arith.constant 0 : i32
      %dma_wait3A_178 = arith.constant 0 : i32
      %dma_wait3A_179 = tpu.memref_slice %arg4[%add3A, %dma_wait3A_177, %dma_wait3A_178] : memref<32x10x1000xi32, #tpu.memory_space<hbm>> -> memref<1x10x1000xi32, #tpu.memory_space<hbm>>
      %dma_wait3A_180 = tpu.memref_squeeze %dma_wait3A_179 : memref<1x10x1000xi32, #tpu.memory_space<hbm>> -> memref<10x1000xi32, #tpu.memory_space<hbm>>
      %dma_wait3A_181 = arith.constant 0 : i32
      %dma_wait3A_182 = arith.constant 0 : i32
      %dma_wait3A_183 = tpu.memref_slice %arg4[%add3A, %dma_wait3A_181, %dma_wait3A_182] : memref<32x10x1000xi32, #tpu.memory_space<hbm>> -> memref<1x10x1000xi32, #tpu.memory_space<hbm>>
      %dma_wait3A_184 = tpu.memref_squeeze %dma_wait3A_183 : memref<1x10x1000xi32, #tpu.memory_space<hbm>> -> memref<10x1000xi32, #tpu.memory_space<hbm>>
      tpu.wait_dma2 semaphore(%run_scoped3A_168 : memref<!tpu.dma_semaphore, #tpu.memory_space<semaphore_mem>>) src(%dma_wait3A_184 : memref<10x1000xi32, #tpu.memory_space<hbm>>) dst(%arg10 : memref<10x1000xi32, #tpu.memory_space<vmem>>)
      tpu.yield
    }) : () -> ()
    "tpu.region"() ({
      %run_scoped3A_168 = tpu.sem_alloc : memref<!tpu.dma_semaphore, #tpu.memory_space<semaphore_mem>>
      %dma_start3A_169 = arith.constant 0 : i32
      %dma_start3A_170 = arith.constant 0 : i32
      %dma_start3A_171 = tpu.memref_slice %arg5[%add3A, %dma_start3A_169, %dma_start3A_170] : memref<32x10x1000xi32, #tpu.memory_space<hbm>> -> memref<1x10x1000xi32, #tpu.memory_space<hbm>>
      %dma_start3A_172 = tpu.memref_squeeze %dma_start3A_171 : memref<1x10x1000xi32, #tpu.memory_space<hbm>> -> memref<10x1000xi32, #tpu.memory_space<hbm>>
      %dma_start3A_173 = arith.constant 0 : i32
      %dma_start3A_174 = arith.constant 0 : i32
      %dma_start3A_175 = tpu.memref_slice %arg5[%add3A, %dma_start3A_173, %dma_start3A_174] : memref<32x10x1000xi32, #tpu.memory_space<hbm>> -> memref<1x10x1000xi32, #tpu.memory_space<hbm>>
      %dma_start3A_176 = tpu.memref_squeeze %dma_start3A_175 : memref<1x10x1000xi32, #tpu.memory_space<hbm>> -> memref<10x1000xi32, #tpu.memory_space<hbm>>
      tpu.enqueue_dma source(%dma_start3A_176 : memref<10x1000xi32, #tpu.memory_space<hbm>>) target(%arg11 : memref<10x1000xi32, #tpu.memory_space<vmem>>) target_semaphore(%run_scoped3A_168 : memref<!tpu.dma_semaphore, #tpu.memory_space<semaphore_mem>>)
      %dma_wait3A_177 = arith.constant 0 : i32
      %dma_wait3A_178 = arith.constant 0 : i32
      %dma_wait3A_179 = tpu.memref_slice %arg5[%add3A, %dma_wait3A_177, %dma_wait3A_178] : memref<32x10x1000xi32, #tpu.memory_space<hbm>> -> memref<1x10x1000xi32, #tpu.memory_space<hbm>>
      %dma_wait3A_180 = tpu.memref_squeeze %dma_wait3A_179 : memref<1x10x1000xi32, #tpu.memory_space<hbm>> -> memref<10x1000xi32, #tpu.memory_space<hbm>>
      %dma_wait3A_181 = arith.constant 0 : i32
      %dma_wait3A_182 = arith.constant 0 : i32
      %dma_wait3A_183 = tpu.memref_slice %arg5[%add3A, %dma_wait3A_181, %dma_wait3A_182] : memref<32x10x1000xi32, #tpu.memory_space<hbm>> -> memref<1x10x1000xi32, #tpu.memory_space<hbm>>
      %dma_wait3A_184 = tpu.memref_squeeze %dma_wait3A_183 : memref<1x10x1000xi32, #tpu.memory_space<hbm>> -> memref<10x1000xi32, #tpu.memory_space<hbm>>
      tpu.wait_dma2 semaphore(%run_scoped3A_168 : memref<!tpu.dma_semaphore, #tpu.memory_space<semaphore_mem>>) src(%dma_wait3A_184 : memref<10x1000xi32, #tpu.memory_space<hbm>>) dst(%arg11 : memref<10x1000xi32, #tpu.memory_space<vmem>>)
      tpu.yield
    }) : () -> ()
    %scan3A_14 = arith.constant 0 : i32
    %scan3A_15 = arith.constant 640 : i32
    %scan3A_16 = arith.addi %scan3A_14, %scan3A_15 : i32
    %scan3A_17 = arith.constant 1 : i32
    scf.for %scan3A_168 = %scan3A_14 to %scan3A_16 step %scan3A_17  : i32 {
      %mul3A_169 = arith.constant 1 : i32
      %mul3A_170 = arith.muli %scan3A_168, %mul3A_169 : i32
      %add3A_171 = arith.constant 0 : i32
      %add3A_172 = arith.addi %add3A_171, %mul3A_170 : i32
      %get3A = arith.index_cast %add3A_172 : i32 to index
      %get3A_173 = arith.constant 0 : index
      %get3A_174 = tpu.vector_load %arg14[%get3A, %get3A_173] {strides = array<i32>} : memref<640x16xf32, #tpu.memory_space<vmem>>, vector<1x16xf32>,
      %get3A_175 = vector.shape_cast %get3A_174 : vector<1x16xf32> to vector<16xf32>
      %get3A_176 = arith.index_cast %add3A_172 : i32 to index
      %get3A_177 = arith.constant 0 : index
      %get3A_178 = tpu.vector_load %arg15[%get3A_176, %get3A_177] {strides = array<i32>} : memref<640x16xf32, #tpu.memory_space<vmem>>, vector<1x16xf32>,
      %get3A_179 = vector.shape_cast %get3A_178 : vector<1x16xf32> to vector<16xf32>
      %add3A_180 = arith.addf %get3A_175, %get3A_179 : vector<16xf32>
      %add3A_181 = arith.constant 1.000000e+00 : f32
      %add3A_182 = vector.broadcast %add3A_181 : f32 to vector<16xf32>
      %add3A_183 = arith.addf %add3A_180, %add3A_182 : vector<16xf32>
      %bitcast_convert_type3A = tpu.bitcast %add3A_183 : vector<16xf32> -> vector<16xi32>
      %shift_right_logical3A = arith.constant 1 : i32
      %shift_right_logical3A_184 = vector.broadcast %shift_right_logical3A : i32 to vector<16xi32>
      %shift_right_logical3A_185 = arith.shrui %bitcast_convert_type3A, %shift_right_logical3A_184 : vector<16xi32>
      %sub3A = arith.constant 1597463007 : i32
      %sub3A_186 = vector.broadcast %sub3A : i32 to vector<16xi32>
      %sub3A_187 = arith.subi %sub3A_186, %shift_right_logical3A_185 : vector<16xi32>
      %bitcast_convert_type3A_188 = tpu.bitcast %sub3A_187 : vector<16xi32> -> vector<16xf32>
      %mul3A_189 = arith.constant 5.000000e-01 : f32
      %mul3A_190 = vector.broadcast %mul3A_189 : f32 to vector<16xf32>
      %mul3A_191 = arith.mulf %mul3A_190, %add3A_183 : vector<16xf32>
      %mul3A_192 = arith.mulf %mul3A_191, %bitcast_convert_type3A_188 : vector<16xf32>
      %mul3A_193 = arith.mulf %mul3A_192, %bitcast_convert_type3A_188 : vector<16xf32>
      %sub3A_194 = arith.constant 1.500000e+00 : f32
      %sub3A_195 = vector.broadcast %sub3A_194 : f32 to vector<16xf32>
      %sub3A_196 = arith.subf %sub3A_195, %mul3A_193 : vector<16xf32>
      %mul3A_197 = arith.mulf %bitcast_convert_type3A_188, %sub3A_196 : vector<16xf32>
      %mul3A_198 = arith.constant 5.000000e-01 : f32
      %mul3A_199 = vector.broadcast %mul3A_198 : f32 to vector<16xf32>
      %mul3A_200 = arith.mulf %mul3A_199, %add3A_183 : vector<16xf32>
      %mul3A_201 = arith.mulf %mul3A_200, %mul3A_197 : vector<16xf32>
      %mul3A_202 = arith.mulf %mul3A_201, %mul3A_197 : vector<16xf32>
      %sub3A_203 = arith.constant 1.500000e+00 : f32
      %sub3A_204 = vector.broadcast %sub3A_203 : f32 to vector<16xf32>
      %sub3A_205 = arith.subf %sub3A_204, %mul3A_202 : vector<16xf32>
      %mul3A_206 = arith.mulf %mul3A_197, %sub3A_205 : vector<16xf32>
      %mul3A_207 = arith.constant 5.000000e-01 : f32
      %mul3A_208 = vector.broadcast %mul3A_207 : f32 to vector<16xf32>
      %mul3A_209 = arith.mulf %mul3A_208, %add3A_183 : vector<16xf32>
      %mul3A_210 = arith.mulf %mul3A_209, %mul3A_206 : vector<16xf32>
      %mul3A_211 = arith.mulf %mul3A_210, %mul3A_206 : vector<16xf32>
      %sub3A_212 = arith.constant 1.500000e+00 : f32
      %sub3A_213 = vector.broadcast %sub3A_212 : f32 to vector<16xf32>
      %sub3A_214 = arith.subf %sub3A_213, %mul3A_211 : vector<16xf32>
      %mul3A_215 = arith.mulf %mul3A_206, %sub3A_214 : vector<16xf32>
      %swap3A = arith.index_cast %add3A_172 : i32 to index
      %swap3A_216 = arith.constant 0 : index
      %swap3A_217 = tpu.vector_load %arg17[%swap3A, %swap3A_216] {strides = array<i32>} : memref<640x16xf32, #tpu.memory_space<vmem>>, vector<1x16xf32>,
      %swap3A_218 = vector.shape_cast %swap3A_217 : vector<1x16xf32> to vector<16xf32>
      %swap3A_219 = vector.shape_cast %mul3A_215 : vector<16xf32> to vector<1x16xf32>
      tpu.vector_store %arg17[%swap3A, %swap3A_216], %swap3A_219 {strides = array<i32>} : memref<640x16xf32, #tpu.memory_space<vmem>>, vector<1x16xf32>,
      %get3A_220 = arith.index_cast %add3A_172 : i32 to index
      %get3A_221 = arith.constant 0 : index
      %get3A_222 = tpu.vector_load %arg16[%get3A_220, %get3A_221] {strides = array<i32>} : memref<640x16xf32, #tpu.memory_space<vmem>>, vector<1x16xf32>,
      %get3A_223 = vector.shape_cast %get3A_222 : vector<1x16xf32> to vector<16xf32>
      %mul3A_224 = arith.mulf %get3A_223, %mul3A_215 : vector<16xf32>
      %swap3A_225 = arith.index_cast %add3A_172 : i32 to index
      %swap3A_226 = arith.constant 0 : index
      %swap3A_227 = tpu.vector_load %arg16[%swap3A_225, %swap3A_226] {strides = array<i32>} : memref<640x16xf32, #tpu.memory_space<vmem>>, vector<1x16xf32>,
      %swap3A_228 = vector.shape_cast %swap3A_227 : vector<1x16xf32> to vector<16xf32>
      %swap3A_229 = vector.shape_cast %mul3A_224 : vector<16xf32> to vector<1x16xf32>
      tpu.vector_store %arg16[%swap3A_225, %swap3A_226], %swap3A_229 {strides = array<i32>} : memref<640x16xf32, #tpu.memory_space<vmem>>, vector<1x16xf32>,
    }
    %scan3A_18 = arith.constant 640 : i32
    "tpu.region"() ({
      %run_scoped3A_168 = tpu.sem_alloc : memref<!tpu.dma_semaphore, #tpu.memory_space<semaphore_mem>>
      %dma_start3A_169 = arith.constant 0 : i32
      %dma_start3A_170 = tpu.memref_slice %arg20[%mul3A_2, %dma_start3A_169] : memref<10240x16xf32, #tpu.memory_space<vmem_shared>> -> memref<640x16xf32, #tpu.memory_space<vmem_shared>>
      %dma_start3A_171 = arith.constant 0 : i32
      %dma_start3A_172 = tpu.memref_slice %arg20[%mul3A_2, %dma_start3A_171] : memref<10240x16xf32, #tpu.memory_space<vmem_shared>> -> memref<640x16xf32, #tpu.memory_space<vmem_shared>>
      tpu.enqueue_dma source(%arg16 : memref<640x16xf32, #tpu.memory_space<vmem>>) target(%dma_start3A_172 : memref<640x16xf32, #tpu.memory_space<vmem_shared>>) target_semaphore(%run_scoped3A_168 : memref<!tpu.dma_semaphore, #tpu.memory_space<semaphore_mem>>)
      %dma_wait3A_173 = arith.constant 0 : i32
      %dma_wait3A_174 = tpu.memref_slice %arg20[%mul3A_2, %dma_wait3A_173] : memref<10240x16xf32, #tpu.memory_space<vmem_shared>> -> memref<640x16xf32, #tpu.memory_space<vmem_shared>>
      %dma_wait3A_175 = arith.constant 0 : i32
      %dma_wait3A_176 = tpu.memref_slice %arg20[%mul3A_2, %dma_wait3A_175] : memref<10240x16xf32, #tpu.memory_space<vmem_shared>> -> memref<640x16xf32, #tpu.memory_space<vmem_shared>>
      tpu.wait_dma2 semaphore(%run_scoped3A_168 : memref<!tpu.dma_semaphore, #tpu.memory_space<semaphore_mem>>) src(%arg16 : memref<640x16xf32, #tpu.memory_space<vmem>>) dst(%dma_wait3A_176 : memref<640x16xf32, #tpu.memory_space<vmem_shared>>)
      tpu.yield
    }) : () -> ()
    "tpu.region"() ({
      %run_scoped3A_168 = tpu.sem_alloc : memref<!tpu.dma_semaphore, #tpu.memory_space<semaphore_mem>>
      %dma_start3A_169 = arith.constant 0 : i32
      %dma_start3A_170 = arith.constant 0 : i32
      %dma_start3A_171 = tpu.memref_slice %arg7[%arg0, %dma_start3A_169, %dma_start3A_170] : memref<2x10240x16xf32, #tpu.memory_space<hbm>> -> memref<1x10240x16xf32, #tpu.memory_space<hbm>>
      %dma_start3A_172 = tpu.memref_squeeze %dma_start3A_171 : memref<1x10240x16xf32, #tpu.memory_space<hbm>> -> memref<10240x16xf32, #tpu.memory_space<hbm>>
      %dma_start3A_173 = arith.constant 0 : i32
      %dma_start3A_174 = tpu.memref_slice %dma_start3A_172[%mul3A_2, %dma_start3A_173] : memref<10240x16xf32, #tpu.memory_space<hbm>> -> memref<640x16xf32, #tpu.memory_space<hbm>>
      %dma_start3A_175 = arith.constant 0 : i32
      %dma_start3A_176 = arith.constant 0 : i32
      %dma_start3A_177 = tpu.memref_slice %arg7[%arg0, %dma_start3A_175, %dma_start3A_176] : memref<2x10240x16xf32, #tpu.memory_space<hbm>> -> memref<1x10240x16xf32, #tpu.memory_space<hbm>>
      %dma_start3A_178 = tpu.memref_squeeze %dma_start3A_177 : memref<1x10240x16xf32, #tpu.memory_space<hbm>> -> memref<10240x16xf32, #tpu.memory_space<hbm>>
      %dma_start3A_179 = arith.constant 0 : i32
      %dma_start3A_180 = tpu.memref_slice %dma_start3A_178[%mul3A_2, %dma_start3A_179] : memref<10240x16xf32, #tpu.memory_space<hbm>> -> memref<640x16xf32, #tpu.memory_space<hbm>>
      tpu.enqueue_dma source(%arg16 : memref<640x16xf32, #tpu.memory_space<vmem>>) target(%dma_start3A_180 : memref<640x16xf32, #tpu.memory_space<hbm>>) target_semaphore(%run_scoped3A_168 : memref<!tpu.dma_semaphore, #tpu.memory_space<semaphore_mem>>)
      %dma_wait3A_181 = arith.constant 0 : i32
      %dma_wait3A_182 = arith.constant 0 : i32
      %dma_wait3A_183 = tpu.memref_slice %arg7[%arg0, %dma_wait3A_181, %dma_wait3A_182] : memref<2x10240x16xf32, #tpu.memory_space<hbm>> -> memref<1x10240x16xf32, #tpu.memory_space<hbm>>
      %dma_wait3A_184 = tpu.memref_squeeze %dma_wait3A_183 : memref<1x10240x16xf32, #tpu.memory_space<hbm>> -> memref<10240x16xf32, #tpu.memory_space<hbm>>
      %dma_wait3A_185 = arith.constant 0 : i32
      %dma_wait3A_186 = tpu.memref_slice %dma_wait3A_184[%mul3A_2, %dma_wait3A_185] : memref<10240x16xf32, #tpu.memory_space<hbm>> -> memref<640x16xf32, #tpu.memory_space<hbm>>
      %dma_wait3A_187 = arith.constant 0 : i32
      %dma_wait3A_188 = arith.constant 0 : i32
      %dma_wait3A_189 = tpu.memref_slice %arg7[%arg0, %dma_wait3A_187, %dma_wait3A_188] : memref<2x10240x16xf32, #tpu.memory_space<hbm>> -> memref<1x10240x16xf32, #tpu.memory_space<hbm>>
      %dma_wait3A_190 = tpu.memref_squeeze %dma_wait3A_189 : memref<1x10240x16xf32, #tpu.memory_space<hbm>> -> memref<10240x16xf32, #tpu.memory_space<hbm>>
      %dma_wait3A_191 = arith.constant 0 : i32
      %dma_wait3A_192 = tpu.memref_slice %dma_wait3A_190[%mul3A_2, %dma_wait3A_191] : memref<10240x16xf32, #tpu.memory_space<hbm>> -> memref<640x16xf32, #tpu.memory_space<hbm>>
      tpu.wait_dma2 semaphore(%run_scoped3A_168 : memref<!tpu.dma_semaphore, #tpu.memory_space<semaphore_mem>>) src(%arg16 : memref<640x16xf32, #tpu.memory_space<vmem>>) dst(%dma_wait3A_192 : memref<640x16xf32, #tpu.memory_space<hbm>>)
      tpu.yield
    }) : () -> ()
    "tpu.region"() ({
      %run_scoped3A_168 = tpu.sem_alloc : memref<!tpu.dma_semaphore, #tpu.memory_space<semaphore_mem>>
      %dma_start3A_169 = arith.constant 0 : i32
      %dma_start3A_170 = arith.constant 0 : i32
      %dma_start3A_171 = tpu.memref_slice %arg8[%arg0, %dma_start3A_169, %dma_start3A_170] : memref<2x10240x16xf32, #tpu.memory_space<hbm>> -> memref<1x10240x16xf32, #tpu.memory_space<hbm>>
      %dma_start3A_172 = tpu.memref_squeeze %dma_start3A_171 : memref<1x10240x16xf32, #tpu.memory_space<hbm>> -> memref<10240x16xf32, #tpu.memory_space<hbm>>
      %dma_start3A_173 = arith.constant 0 : i32
      %dma_start3A_174 = tpu.memref_slice %dma_start3A_172[%mul3A_2, %dma_start3A_173] : memref<10240x16xf32, #tpu.memory_space<hbm>> -> memref<640x16xf32, #tpu.memory_space<hbm>>
      %dma_start3A_175 = arith.constant 0 : i32
      %dma_start3A_176 = arith.constant 0 : i32
      %dma_start3A_177 = tpu.memref_slice %arg8[%arg0, %dma_start3A_175, %dma_start3A_176] : memref<2x10240x16xf32, #tpu.memory_space<hbm>> -> memref<1x10240x16xf32, #tpu.memory_space<hbm>>
      %dma_start3A_178 = tpu.memref_squeeze %dma_start3A_177 : memref<1x10240x16xf32, #tpu.memory_space<hbm>> -> memref<10240x16xf32, #tpu.memory_space<hbm>>
      %dma_start3A_179 = arith.constant 0 : i32
      %dma_start3A_180 = tpu.memref_slice %dma_start3A_178[%mul3A_2, %dma_start3A_179] : memref<10240x16xf32, #tpu.memory_space<hbm>> -> memref<640x16xf32, #tpu.memory_space<hbm>>
      tpu.enqueue_dma source(%arg17 : memref<640x16xf32, #tpu.memory_space<vmem>>) target(%dma_start3A_180 : memref<640x16xf32, #tpu.memory_space<hbm>>) target_semaphore(%run_scoped3A_168 : memref<!tpu.dma_semaphore, #tpu.memory_space<semaphore_mem>>)
      %dma_wait3A_181 = arith.constant 0 : i32
      %dma_wait3A_182 = arith.constant 0 : i32
      %dma_wait3A_183 = tpu.memref_slice %arg8[%arg0, %dma_wait3A_181, %dma_wait3A_182] : memref<2x10240x16xf32, #tpu.memory_space<hbm>> -> memref<1x10240x16xf32, #tpu.memory_space<hbm>>
      %dma_wait3A_184 = tpu.memref_squeeze %dma_wait3A_183 : memref<1x10240x16xf32, #tpu.memory_space<hbm>> -> memref<10240x16xf32, #tpu.memory_space<hbm>>
      %dma_wait3A_185 = arith.constant 0 : i32
      %dma_wait3A_186 = tpu.memref_slice %dma_wait3A_184[%mul3A_2, %dma_wait3A_185] : memref<10240x16xf32, #tpu.memory_space<hbm>> -> memref<640x16xf32, #tpu.memory_space<hbm>>
      %dma_wait3A_187 = arith.constant 0 : i32
      %dma_wait3A_188 = arith.constant 0 : i32
      %dma_wait3A_189 = tpu.memref_slice %arg8[%arg0, %dma_wait3A_187, %dma_wait3A_188] : memref<2x10240x16xf32, #tpu.memory_space<hbm>> -> memref<1x10240x16xf32, #tpu.memory_space<hbm>>
      %dma_wait3A_190 = tpu.memref_squeeze %dma_wait3A_189 : memref<1x10240x16xf32, #tpu.memory_space<hbm>> -> memref<10240x16xf32, #tpu.memory_space<hbm>>
      %dma_wait3A_191 = arith.constant 0 : i32
      %dma_wait3A_192 = tpu.memref_slice %dma_wait3A_190[%mul3A_2, %dma_wait3A_191] : memref<10240x16xf32, #tpu.memory_space<hbm>> -> memref<640x16xf32, #tpu.memory_space<hbm>>
      tpu.wait_dma2 semaphore(%run_scoped3A_168 : memref<!tpu.dma_semaphore, #tpu.memory_space<semaphore_mem>>) src(%arg17 : memref<640x16xf32, #tpu.memory_space<vmem>>) dst(%dma_wait3A_192 : memref<640x16xf32, #tpu.memory_space<hbm>>)
      tpu.yield
    }) : () -> ()
    %barrier3A = arith.constant 0 : index
    tpu.barrier barrier_id(%barrier3A)
    %dma_start3A = arith.constant 0 : i32
    %dma_start3A_19 = arith.constant 0 : i32
    %dma_start3A_20 = tpu.memref_slice %arg10[%dma_start3A, %dma_start3A_19] : memref<10x1000xi32, #tpu.memory_space<vmem>> -> memref<1x1000xi32, #tpu.memory_space<vmem>>
    %dma_start3A_21 = tpu.memref_squeeze %dma_start3A_20 : memref<1x1000xi32, #tpu.memory_space<vmem>> -> memref<1000xi32, #tpu.memory_space<vmem>>
    %dma_start3A_22 = arith.constant 0 : i32
    %dma_start3A_23 = arith.constant 0 : i32
    %dma_start3A_24 = tpu.memref_slice %arg20[%dma_start3A_22, %dma_start3A_23] : memref<10240x16xf32, #tpu.memory_space<vmem_shared>> -> memref<10240x16xf32, #tpu.memory_space<vmem_shared>>
    tpu.enqueue_indirect_dma source(%dma_start3A_24 : memref<10240x16xf32, #tpu.memory_space<vmem_shared>>) target(%arg12 : memref<1000x16xf32, #tpu.memory_space<vmem>>) offsets(%dma_start3A_21 : memref<1000xi32, #tpu.memory_space<vmem>>) semaphore(%arg18 : memref<!tpu.dma_semaphore, #tpu.memory_space<semaphore_mem>>)
    %dma_start3A_25 = arith.constant 1 : i32
    %dma_start3A_26 = arith.constant 0 : i32
    %dma_start3A_27 = tpu.memref_slice %arg10[%dma_start3A_25, %dma_start3A_26] : memref<10x1000xi32, #tpu.memory_space<vmem>> -> memref<1x1000xi32, #tpu.memory_space<vmem>>
    %dma_start3A_28 = tpu.memref_squeeze %dma_start3A_27 : memref<1x1000xi32, #tpu.memory_space<vmem>> -> memref<1000xi32, #tpu.memory_space<vmem>>
    %dma_start3A_29 = arith.constant 0 : i32
    %dma_start3A_30 = arith.constant 0 : i32
    %dma_start3A_31 = tpu.memref_slice %arg20[%dma_start3A_29, %dma_start3A_30] : memref<10240x16xf32, #tpu.memory_space<vmem_shared>> -> memref<10240x16xf32, #tpu.memory_space<vmem_shared>>
    tpu.enqueue_indirect_dma source(%dma_start3A_31 : memref<10240x16xf32, #tpu.memory_space<vmem_shared>>) target(%arg13 : memref<1000x16xf32, #tpu.memory_space<vmem>>) offsets(%dma_start3A_28 : memref<1000xi32, #tpu.memory_space<vmem>>) semaphore(%arg19 : memref<!tpu.dma_semaphore, #tpu.memory_space<semaphore_mem>>)
    %dma_wait3A = arith.constant 0 : i32
    %dma_wait3A_32 = arith.constant 0 : i32
    %dma_wait3A_33 = tpu.memref_slice %arg10[%dma_wait3A, %dma_wait3A_32] : memref<10x1000xi32, #tpu.memory_space<vmem>> -> memref<1x1000xi32, #tpu.memory_space<vmem>>
    %dma_wait3A_34 = tpu.memref_squeeze %dma_wait3A_33 : memref<1x1000xi32, #tpu.memory_space<vmem>> -> memref<1000xi32, #tpu.memory_space<vmem>>
    %dma_wait3A_35 = arith.constant 0 : i32
    %dma_wait3A_36 = arith.constant 0 : i32
    %dma_wait3A_37 = tpu.memref_slice %arg20[%dma_wait3A_35, %dma_wait3A_36] : memref<10240x16xf32, #tpu.memory_space<vmem_shared>> -> memref<10240x16xf32, #tpu.memory_space<vmem_shared>>
    tpu.wait_indirect_dma semaphore(%arg18 : memref<!tpu.dma_semaphore, #tpu.memory_space<semaphore_mem>>) src(%dma_wait3A_37 : memref<10240x16xf32, #tpu.memory_space<vmem_shared>>) dst(%arg12 : memref<1000x16xf32, #tpu.memory_space<vmem>>)
    %run_scoped3A_38 = arith.constant 0 : i32
    "tpu.region"() ({
      %run_scoped3A_168 = tpu.sem_alloc : memref<!tpu.dma_semaphore, #tpu.memory_space<semaphore_mem>>
      %dma_start3A_169 = arith.constant 0 : i32
      %dma_start3A_170 = tpu.memref_slice %arg11[%run_scoped3A_38, %dma_start3A_169] : memref<10x1000xi32, #tpu.memory_space<vmem>> -> memref<1x1000xi32, #tpu.memory_space<vmem>>
      %dma_start3A_171 = tpu.memref_squeeze %dma_start3A_170 : memref<1x1000xi32, #tpu.memory_space<vmem>> -> memref<1000xi32, #tpu.memory_space<vmem>>
      %dma_start3A_172 = arith.constant 0 : i32
      %dma_start3A_173 = arith.constant 0 : i32
      %dma_start3A_174 = tpu.memref_slice %arg21[%dma_start3A_172, %dma_start3A_173] : memref<10240x16xf32, #tpu.memory_space<vmem_shared>> -> memref<10240x16xf32, #tpu.memory_space<vmem_shared>>
      tpu.enqueue_indirect_dma source(%arg12 : memref<1000x16xf32, #tpu.memory_space<vmem>>) target(%dma_start3A_174 : memref<10240x16xf32, #tpu.memory_space<vmem_shared>>) offsets(%dma_start3A_171 : memref<1000xi32, #tpu.memory_space<vmem>>) semaphore(%run_scoped3A_168 : memref<!tpu.dma_semaphore, #tpu.memory_space<semaphore_mem>>) {add = true}
      %dma_wait3A_175 = arith.constant 0 : i32
      %dma_wait3A_176 = tpu.memref_slice %arg11[%run_scoped3A_38, %dma_wait3A_175] : memref<10x1000xi32, #tpu.memory_space<vmem>> -> memref<1x1000xi32, #tpu.memory_space<vmem>>
      %dma_wait3A_177 = tpu.memref_squeeze %dma_wait3A_176 : memref<1x1000xi32, #tpu.memory_space<vmem>> -> memref<1000xi32, #tpu.memory_space<vmem>>
      %dma_wait3A_178 = arith.constant 0 : i32
      %dma_wait3A_179 = arith.constant 0 : i32
      %dma_wait3A_180 = tpu.memref_slice %arg21[%dma_wait3A_178, %dma_wait3A_179] : memref<10240x16xf32, #tpu.memory_space<vmem_shared>> -> memref<10240x16xf32, #tpu.memory_space<vmem_shared>>
      tpu.wait_indirect_dma semaphore(%run_scoped3A_168 : memref<!tpu.dma_semaphore, #tpu.memory_space<semaphore_mem>>) src(%arg12 : memref<1000x16xf32, #tpu.memory_space<vmem>>) dst(%dma_wait3A_180 : memref<10240x16xf32, #tpu.memory_space<vmem_shared>>)
      tpu.yield
    }) : () -> ()
    %dma_start3A_39 = arith.constant 2 : i32
    %dma_start3A_40 = arith.constant 0 : i32
    %dma_start3A_41 = tpu.memref_slice %arg10[%dma_start3A_39, %dma_start3A_40] : memref<10x1000xi32, #tpu.memory_space<vmem>> -> memref<1x1000xi32, #tpu.memory_space<vmem>>
    %dma_start3A_42 = tpu.memref_squeeze %dma_start3A_41 : memref<1x1000xi32, #tpu.memory_space<vmem>> -> memref<1000xi32, #tpu.memory_space<vmem>>
    %dma_start3A_43 = arith.constant 0 : i32
    %dma_start3A_44 = arith.constant 0 : i32
    %dma_start3A_45 = tpu.memref_slice %arg20[%dma_start3A_43, %dma_start3A_44] : memref<10240x16xf32, #tpu.memory_space<vmem_shared>> -> memref<10240x16xf32, #tpu.memory_space<vmem_shared>>
    tpu.enqueue_indirect_dma source(%dma_start3A_45 : memref<10240x16xf32, #tpu.memory_space<vmem_shared>>) target(%arg12 : memref<1000x16xf32, #tpu.memory_space<vmem>>) offsets(%dma_start3A_42 : memref<1000xi32, #tpu.memory_space<vmem>>) semaphore(%arg18 : memref<!tpu.dma_semaphore, #tpu.memory_space<semaphore_mem>>)
    %dma_wait3A_46 = arith.constant 1 : i32
    %dma_wait3A_47 = arith.constant 0 : i32
    %dma_wait3A_48 = tpu.memref_slice %arg10[%dma_wait3A_46, %dma_wait3A_47] : memref<10x1000xi32, #tpu.memory_space<vmem>> -> memref<1x1000xi32, #tpu.memory_space<vmem>>
    %dma_wait3A_49 = tpu.memref_squeeze %dma_wait3A_48 : memref<1x1000xi32, #tpu.memory_space<vmem>> -> memref<1000xi32, #tpu.memory_space<vmem>>
    %dma_wait3A_50 = arith.constant 0 : i32
    %dma_wait3A_51 = arith.constant 0 : i32
    %dma_wait3A_52 = tpu.memref_slice %arg20[%dma_wait3A_50, %dma_wait3A_51] : memref<10240x16xf32, #tpu.memory_space<vmem_shared>> -> memref<10240x16xf32, #tpu.memory_space<vmem_shared>>
    tpu.wait_indirect_dma semaphore(%arg19 : memref<!tpu.dma_semaphore, #tpu.memory_space<semaphore_mem>>) src(%dma_wait3A_52 : memref<10240x16xf32, #tpu.memory_space<vmem_shared>>) dst(%arg13 : memref<1000x16xf32, #tpu.memory_space<vmem>>)
    %run_scoped3A_53 = arith.constant 1 : i32
    "tpu.region"() ({
      %run_scoped3A_168 = tpu.sem_alloc : memref<!tpu.dma_semaphore, #tpu.memory_space<semaphore_mem>>
      %dma_start3A_169 = arith.constant 0 : i32
      %dma_start3A_170 = tpu.memref_slice %arg11[%run_scoped3A_53, %dma_start3A_169] : memref<10x1000xi32, #tpu.memory_space<vmem>> -> memref<1x1000xi32, #tpu.memory_space<vmem>>
      %dma_start3A_171 = tpu.memref_squeeze %dma_start3A_170 : memref<1x1000xi32, #tpu.memory_space<vmem>> -> memref<1000xi32, #tpu.memory_space<vmem>>
      %dma_start3A_172 = arith.constant 0 : i32
      %dma_start3A_173 = arith.constant 0 : i32
      %dma_start3A_174 = tpu.memref_slice %arg21[%dma_start3A_172, %dma_start3A_173] : memref<10240x16xf32, #tpu.memory_space<vmem_shared>> -> memref<10240x16xf32, #tpu.memory_space<vmem_shared>>
      tpu.enqueue_indirect_dma source(%arg13 : memref<1000x16xf32, #tpu.memory_space<vmem>>) target(%dma_start3A_174 : memref<10240x16xf32, #tpu.memory_space<vmem_shared>>) offsets(%dma_start3A_171 : memref<1000xi32, #tpu.memory_space<vmem>>) semaphore(%run_scoped3A_168 : memref<!tpu.dma_semaphore, #tpu.memory_space<semaphore_mem>>) {add = true}
      %dma_wait3A_175 = arith.constant 0 : i32
      %dma_wait3A_176 = tpu.memref_slice %arg11[%run_scoped3A_53, %dma_wait3A_175] : memref<10x1000xi32, #tpu.memory_space<vmem>> -> memref<1x1000xi32, #tpu.memory_space<vmem>>
      %dma_wait3A_177 = tpu.memref_squeeze %dma_wait3A_176 : memref<1x1000xi32, #tpu.memory_space<vmem>> -> memref<1000xi32, #tpu.memory_space<vmem>>
      %dma_wait3A_178 = arith.constant 0 : i32
      %dma_wait3A_179 = arith.constant 0 : i32
      %dma_wait3A_180 = tpu.memref_slice %arg21[%dma_wait3A_178, %dma_wait3A_179] : memref<10240x16xf32, #tpu.memory_space<vmem_shared>> -> memref<10240x16xf32, #tpu.memory_space<vmem_shared>>
      tpu.wait_indirect_dma semaphore(%run_scoped3A_168 : memref<!tpu.dma_semaphore, #tpu.memory_space<semaphore_mem>>) src(%arg13 : memref<1000x16xf32, #tpu.memory_space<vmem>>) dst(%dma_wait3A_180 : memref<10240x16xf32, #tpu.memory_space<vmem_shared>>)
      tpu.yield
    }) : () -> ()
    %dma_start3A_54 = arith.constant 3 : i32
    %dma_start3A_55 = arith.constant 0 : i32
    %dma_start3A_56 = tpu.memref_slice %arg10[%dma_start3A_54, %dma_start3A_55] : memref<10x1000xi32, #tpu.memory_space<vmem>> -> memref<1x1000xi32, #tpu.memory_space<vmem>>
    %dma_start3A_57 = tpu.memref_squeeze %dma_start3A_56 : memref<1x1000xi32, #tpu.memory_space<vmem>> -> memref<1000xi32, #tpu.memory_space<vmem>>
    %dma_start3A_58 = arith.constant 0 : i32
    %dma_start3A_59 = arith.constant 0 : i32
    %dma_start3A_60 = tpu.memref_slice %arg20[%dma_start3A_58, %dma_start3A_59] : memref<10240x16xf32, #tpu.memory_space<vmem_shared>> -> memref<10240x16xf32, #tpu.memory_space<vmem_shared>>
    tpu.enqueue_indirect_dma source(%dma_start3A_60 : memref<10240x16xf32, #tpu.memory_space<vmem_shared>>) target(%arg13 : memref<1000x16xf32, #tpu.memory_space<vmem>>) offsets(%dma_start3A_57 : memref<1000xi32, #tpu.memory_space<vmem>>) semaphore(%arg19 : memref<!tpu.dma_semaphore, #tpu.memory_space<semaphore_mem>>)
    %dma_wait3A_61 = arith.constant 2 : i32
    %dma_wait3A_62 = arith.constant 0 : i32
    %dma_wait3A_63 = tpu.memref_slice %arg10[%dma_wait3A_61, %dma_wait3A_62] : memref<10x1000xi32, #tpu.memory_space<vmem>> -> memref<1x1000xi32, #tpu.memory_space<vmem>>
    %dma_wait3A_64 = tpu.memref_squeeze %dma_wait3A_63 : memref<1x1000xi32, #tpu.memory_space<vmem>> -> memref<1000xi32, #tpu.memory_space<vmem>>
    %dma_wait3A_65 = arith.constant 0 : i32
    %dma_wait3A_66 = arith.constant 0 : i32
    %dma_wait3A_67 = tpu.memref_slice %arg20[%dma_wait3A_65, %dma_wait3A_66] : memref<10240x16xf32, #tpu.memory_space<vmem_shared>> -> memref<10240x16xf32, #tpu.memory_space<vmem_shared>>
    tpu.wait_indirect_dma semaphore(%arg18 : memref<!tpu.dma_semaphore, #tpu.memory_space<semaphore_mem>>) src(%dma_wait3A_67 : memref<10240x16xf32, #tpu.memory_space<vmem_shared>>) dst(%arg12 : memref<1000x16xf32, #tpu.memory_space<vmem>>)
    %run_scoped3A_68 = arith.constant 2 : i32
    "tpu.region"() ({
      %run_scoped3A_168 = tpu.sem_alloc : memref<!tpu.dma_semaphore, #tpu.memory_space<semaphore_mem>>
      %dma_start3A_169 = arith.constant 0 : i32
      %dma_start3A_170 = tpu.memref_slice %arg11[%run_scoped3A_68, %dma_start3A_169] : memref<10x1000xi32, #tpu.memory_space<vmem>> -> memref<1x1000xi32, #tpu.memory_space<vmem>>
      %dma_start3A_171 = tpu.memref_squeeze %dma_start3A_170 : memref<1x1000xi32, #tpu.memory_space<vmem>> -> memref<1000xi32, #tpu.memory_space<vmem>>
      %dma_start3A_172 = arith.constant 0 : i32
      %dma_start3A_173 = arith.constant 0 : i32
      %dma_start3A_174 = tpu.memref_slice %arg21[%dma_start3A_172, %dma_start3A_173] : memref<10240x16xf32, #tpu.memory_space<vmem_shared>> -> memref<10240x16xf32, #tpu.memory_space<vmem_shared>>
      tpu.enqueue_indirect_dma source(%arg12 : memref<1000x16xf32, #tpu.memory_space<vmem>>) target(%dma_start3A_174 : memref<10240x16xf32, #tpu.memory_space<vmem_shared>>) offsets(%dma_start3A_171 : memref<1000xi32, #tpu.memory_space<vmem>>) semaphore(%run_scoped3A_168 : memref<!tpu.dma_semaphore, #tpu.memory_space<semaphore_mem>>) {add = true}
      %dma_wait3A_175 = arith.constant 0 : i32
      %dma_wait3A_176 = tpu.memref_slice %arg11[%run_scoped3A_68, %dma_wait3A_175] : memref<10x1000xi32, #tpu.memory_space<vmem>> -> memref<1x1000xi32, #tpu.memory_space<vmem>>
      %dma_wait3A_177 = tpu.memref_squeeze %dma_wait3A_176 : memref<1x1000xi32, #tpu.memory_space<vmem>> -> memref<1000xi32, #tpu.memory_space<vmem>>
      %dma_wait3A_178 = arith.constant 0 : i32
      %dma_wait3A_179 = arith.constant 0 : i32
      %dma_wait3A_180 = tpu.memref_slice %arg21[%dma_wait3A_178, %dma_wait3A_179] : memref<10240x16xf32, #tpu.memory_space<vmem_shared>> -> memref<10240x16xf32, #tpu.memory_space<vmem_shared>>
      tpu.wait_indirect_dma semaphore(%run_scoped3A_168 : memref<!tpu.dma_semaphore, #tpu.memory_space<semaphore_mem>>) src(%arg12 : memref<1000x16xf32, #tpu.memory_space<vmem>>) dst(%dma_wait3A_180 : memref<10240x16xf32, #tpu.memory_space<vmem_shared>>)
      tpu.yield
    }) : () -> ()
    %dma_start3A_69 = arith.constant 4 : i32
    %dma_start3A_70 = arith.constant 0 : i32
    %dma_start3A_71 = tpu.memref_slice %arg10[%dma_start3A_69, %dma_start3A_70] : memref<10x1000xi32, #tpu.memory_space<vmem>> -> memref<1x1000xi32, #tpu.memory_space<vmem>>
    %dma_start3A_72 = tpu.memref_squeeze %dma_start3A_71 : memref<1x1000xi32, #tpu.memory_space<vmem>> -> memref<1000xi32, #tpu.memory_space<vmem>>
    %dma_start3A_73 = arith.constant 0 : i32
    %dma_start3A_74 = arith.constant 0 : i32
    %dma_start3A_75 = tpu.memref_slice %arg20[%dma_start3A_73, %dma_start3A_74] : memref<10240x16xf32, #tpu.memory_space<vmem_shared>> -> memref<10240x16xf32, #tpu.memory_space<vmem_shared>>
    tpu.enqueue_indirect_dma source(%dma_start3A_75 : memref<10240x16xf32, #tpu.memory_space<vmem_shared>>) target(%arg12 : memref<1000x16xf32, #tpu.memory_space<vmem>>) offsets(%dma_start3A_72 : memref<1000xi32, #tpu.memory_space<vmem>>) semaphore(%arg18 : memref<!tpu.dma_semaphore, #tpu.memory_space<semaphore_mem>>)
    %dma_wait3A_76 = arith.constant 3 : i32
    %dma_wait3A_77 = arith.constant 0 : i32
    %dma_wait3A_78 = tpu.memref_slice %arg10[%dma_wait3A_76, %dma_wait3A_77] : memref<10x1000xi32, #tpu.memory_space<vmem>> -> memref<1x1000xi32, #tpu.memory_space<vmem>>
    %dma_wait3A_79 = tpu.memref_squeeze %dma_wait3A_78 : memref<1x1000xi32, #tpu.memory_space<vmem>> -> memref<1000xi32, #tpu.memory_space<vmem>>
    %dma_wait3A_80 = arith.constant 0 : i32
    %dma_wait3A_81 = arith.constant 0 : i32
    %dma_wait3A_82 = tpu.memref_slice %arg20[%dma_wait3A_80, %dma_wait3A_81] : memref<10240x16xf32, #tpu.memory_space<vmem_shared>> -> memref<10240x16xf32, #tpu.memory_space<vmem_shared>>
    tpu.wait_indirect_dma semaphore(%arg19 : memref<!tpu.dma_semaphore, #tpu.memory_space<semaphore_mem>>) src(%dma_wait3A_82 : memref<10240x16xf32, #tpu.memory_space<vmem_shared>>) dst(%arg13 : memref<1000x16xf32, #tpu.memory_space<vmem>>)
    %run_scoped3A_83 = arith.constant 3 : i32
    "tpu.region"() ({
      %run_scoped3A_168 = tpu.sem_alloc : memref<!tpu.dma_semaphore, #tpu.memory_space<semaphore_mem>>
      %dma_start3A_169 = arith.constant 0 : i32
      %dma_start3A_170 = tpu.memref_slice %arg11[%run_scoped3A_83, %dma_start3A_169] : memref<10x1000xi32, #tpu.memory_space<vmem>> -> memref<1x1000xi32, #tpu.memory_space<vmem>>
      %dma_start3A_171 = tpu.memref_squeeze %dma_start3A_170 : memref<1x1000xi32, #tpu.memory_space<vmem>> -> memref<1000xi32, #tpu.memory_space<vmem>>
      %dma_start3A_172 = arith.constant 0 : i32
      %dma_start3A_173 = arith.constant 0 : i32
      %dma_start3A_174 = tpu.memref_slice %arg21[%dma_start3A_172, %dma_start3A_173] : memref<10240x16xf32, #tpu.memory_space<vmem_shared>> -> memref<10240x16xf32, #tpu.memory_space<vmem_shared>>
      tpu.enqueue_indirect_dma source(%arg13 : memref<1000x16xf32, #tpu.memory_space<vmem>>) target(%dma_start3A_174 : memref<10240x16xf32, #tpu.memory_space<vmem_shared>>) offsets(%dma_start3A_171 : memref<1000xi32, #tpu.memory_space<vmem>>) semaphore(%run_scoped3A_168 : memref<!tpu.dma_semaphore, #tpu.memory_space<semaphore_mem>>) {add = true}
      %dma_wait3A_175 = arith.constant 0 : i32
      %dma_wait3A_176 = tpu.memref_slice %arg11[%run_scoped3A_83, %dma_wait3A_175] : memref<10x1000xi32, #tpu.memory_space<vmem>> -> memref<1x1000xi32, #tpu.memory_space<vmem>>
      %dma_wait3A_177 = tpu.memref_squeeze %dma_wait3A_176 : memref<1x1000xi32, #tpu.memory_space<vmem>> -> memref<1000xi32, #tpu.memory_space<vmem>>
      %dma_wait3A_178 = arith.constant 0 : i32
      %dma_wait3A_179 = arith.constant 0 : i32
      %dma_wait3A_180 = tpu.memref_slice %arg21[%dma_wait3A_178, %dma_wait3A_179] : memref<10240x16xf32, #tpu.memory_space<vmem_shared>> -> memref<10240x16xf32, #tpu.memory_space<vmem_shared>>
      tpu.wait_indirect_dma semaphore(%run_scoped3A_168 : memref<!tpu.dma_semaphore, #tpu.memory_space<semaphore_mem>>) src(%arg13 : memref<1000x16xf32, #tpu.memory_space<vmem>>) dst(%dma_wait3A_180 : memref<10240x16xf32, #tpu.memory_space<vmem_shared>>)
      tpu.yield
    }) : () -> ()
    %dma_start3A_84 = arith.constant 5 : i32
    %dma_start3A_85 = arith.constant 0 : i32
    %dma_start3A_86 = tpu.memref_slice %arg10[%dma_start3A_84, %dma_start3A_85] : memref<10x1000xi32, #tpu.memory_space<vmem>> -> memref<1x1000xi32, #tpu.memory_space<vmem>>
    %dma_start3A_87 = tpu.memref_squeeze %dma_start3A_86 : memref<1x1000xi32, #tpu.memory_space<vmem>> -> memref<1000xi32, #tpu.memory_space<vmem>>
    %dma_start3A_88 = arith.constant 0 : i32
    %dma_start3A_89 = arith.constant 0 : i32
    %dma_start3A_90 = tpu.memref_slice %arg20[%dma_start3A_88, %dma_start3A_89] : memref<10240x16xf32, #tpu.memory_space<vmem_shared>> -> memref<10240x16xf32, #tpu.memory_space<vmem_shared>>
    tpu.enqueue_indirect_dma source(%dma_start3A_90 : memref<10240x16xf32, #tpu.memory_space<vmem_shared>>) target(%arg13 : memref<1000x16xf32, #tpu.memory_space<vmem>>) offsets(%dma_start3A_87 : memref<1000xi32, #tpu.memory_space<vmem>>) semaphore(%arg19 : memref<!tpu.dma_semaphore, #tpu.memory_space<semaphore_mem>>)
    %dma_wait3A_91 = arith.constant 4 : i32
    %dma_wait3A_92 = arith.constant 0 : i32
    %dma_wait3A_93 = tpu.memref_slice %arg10[%dma_wait3A_91, %dma_wait3A_92] : memref<10x1000xi32, #tpu.memory_space<vmem>> -> memref<1x1000xi32, #tpu.memory_space<vmem>>
    %dma_wait3A_94 = tpu.memref_squeeze %dma_wait3A_93 : memref<1x1000xi32, #tpu.memory_space<vmem>> -> memref<1000xi32, #tpu.memory_space<vmem>>
    %dma_wait3A_95 = arith.constant 0 : i32
    %dma_wait3A_96 = arith.constant 0 : i32
    %dma_wait3A_97 = tpu.memref_slice %arg20[%dma_wait3A_95, %dma_wait3A_96] : memref<10240x16xf32, #tpu.memory_space<vmem_shared>> -> memref<10240x16xf32, #tpu.memory_space<vmem_shared>>
    tpu.wait_indirect_dma semaphore(%arg18 : memref<!tpu.dma_semaphore, #tpu.memory_space<semaphore_mem>>) src(%dma_wait3A_97 : memref<10240x16xf32, #tpu.memory_space<vmem_shared>>) dst(%arg12 : memref<1000x16xf32, #tpu.memory_space<vmem>>)
    %run_scoped3A_98 = arith.constant 4 : i32
    "tpu.region"() ({
      %run_scoped3A_168 = tpu.sem_alloc : memref<!tpu.dma_semaphore, #tpu.memory_space<semaphore_mem>>
      %dma_start3A_169 = arith.constant 0 : i32
      %dma_start3A_170 = tpu.memref_slice %arg11[%run_scoped3A_98, %dma_start3A_169] : memref<10x1000xi32, #tpu.memory_space<vmem>> -> memref<1x1000xi32, #tpu.memory_space<vmem>>
      %dma_start3A_171 = tpu.memref_squeeze %dma_start3A_170 : memref<1x1000xi32, #tpu.memory_space<vmem>> -> memref<1000xi32, #tpu.memory_space<vmem>>
      %dma_start3A_172 = arith.constant 0 : i32
      %dma_start3A_173 = arith.constant 0 : i32
      %dma_start3A_174 = tpu.memref_slice %arg21[%dma_start3A_172, %dma_start3A_173] : memref<10240x16xf32, #tpu.memory_space<vmem_shared>> -> memref<10240x16xf32, #tpu.memory_space<vmem_shared>>
      tpu.enqueue_indirect_dma source(%arg12 : memref<1000x16xf32, #tpu.memory_space<vmem>>) target(%dma_start3A_174 : memref<10240x16xf32, #tpu.memory_space<vmem_shared>>) offsets(%dma_start3A_171 : memref<1000xi32, #tpu.memory_space<vmem>>) semaphore(%run_scoped3A_168 : memref<!tpu.dma_semaphore, #tpu.memory_space<semaphore_mem>>) {add = true}
      %dma_wait3A_175 = arith.constant 0 : i32
      %dma_wait3A_176 = tpu.memref_slice %arg11[%run_scoped3A_98, %dma_wait3A_175] : memref<10x1000xi32, #tpu.memory_space<vmem>> -> memref<1x1000xi32, #tpu.memory_space<vmem>>
      %dma_wait3A_177 = tpu.memref_squeeze %dma_wait3A_176 : memref<1x1000xi32, #tpu.memory_space<vmem>> -> memref<1000xi32, #tpu.memory_space<vmem>>
      %dma_wait3A_178 = arith.constant 0 : i32
      %dma_wait3A_179 = arith.constant 0 : i32
      %dma_wait3A_180 = tpu.memref_slice %arg21[%dma_wait3A_178, %dma_wait3A_179] : memref<10240x16xf32, #tpu.memory_space<vmem_shared>> -> memref<10240x16xf32, #tpu.memory_space<vmem_shared>>
      tpu.wait_indirect_dma semaphore(%run_scoped3A_168 : memref<!tpu.dma_semaphore, #tpu.memory_space<semaphore_mem>>) src(%arg12 : memref<1000x16xf32, #tpu.memory_space<vmem>>) dst(%dma_wait3A_180 : memref<10240x16xf32, #tpu.memory_space<vmem_shared>>)
      tpu.yield
    }) : () -> ()
    %dma_start3A_99 = arith.constant 6 : i32
    %dma_start3A_100 = arith.constant 0 : i32
    %dma_start3A_101 = tpu.memref_slice %arg10[%dma_start3A_99, %dma_start3A_100] : memref<10x1000xi32, #tpu.memory_space<vmem>> -> memref<1x1000xi32, #tpu.memory_space<vmem>>
    %dma_start3A_102 = tpu.memref_squeeze %dma_start3A_101 : memref<1x1000xi32, #tpu.memory_space<vmem>> -> memref<1000xi32, #tpu.memory_space<vmem>>
    %dma_start3A_103 = arith.constant 0 : i32
    %dma_start3A_104 = arith.constant 0 : i32
    %dma_start3A_105 = tpu.memref_slice %arg20[%dma_start3A_103, %dma_start3A_104] : memref<10240x16xf32, #tpu.memory_space<vmem_shared>> -> memref<10240x16xf32, #tpu.memory_space<vmem_shared>>
    tpu.enqueue_indirect_dma source(%dma_start3A_105 : memref<10240x16xf32, #tpu.memory_space<vmem_shared>>) target(%arg12 : memref<1000x16xf32, #tpu.memory_space<vmem>>) offsets(%dma_start3A_102 : memref<1000xi32, #tpu.memory_space<vmem>>) semaphore(%arg18 : memref<!tpu.dma_semaphore, #tpu.memory_space<semaphore_mem>>)
    %dma_wait3A_106 = arith.constant 5 : i32
    %dma_wait3A_107 = arith.constant 0 : i32
    %dma_wait3A_108 = tpu.memref_slice %arg10[%dma_wait3A_106, %dma_wait3A_107] : memref<10x1000xi32, #tpu.memory_space<vmem>> -> memref<1x1000xi32, #tpu.memory_space<vmem>>
    %dma_wait3A_109 = tpu.memref_squeeze %dma_wait3A_108 : memref<1x1000xi32, #tpu.memory_space<vmem>> -> memref<1000xi32, #tpu.memory_space<vmem>>
    %dma_wait3A_110 = arith.constant 0 : i32
    %dma_wait3A_111 = arith.constant 0 : i32
    %dma_wait3A_112 = tpu.memref_slice %arg20[%dma_wait3A_110, %dma_wait3A_111] : memref<10240x16xf32, #tpu.memory_space<vmem_shared>> -> memref<10240x16xf32, #tpu.memory_space<vmem_shared>>
    tpu.wait_indirect_dma semaphore(%arg19 : memref<!tpu.dma_semaphore, #tpu.memory_space<semaphore_mem>>) src(%dma_wait3A_112 : memref<10240x16xf32, #tpu.memory_space<vmem_shared>>) dst(%arg13 : memref<1000x16xf32, #tpu.memory_space<vmem>>)
    %run_scoped3A_113 = arith.constant 5 : i32
    "tpu.region"() ({
      %run_scoped3A_168 = tpu.sem_alloc : memref<!tpu.dma_semaphore, #tpu.memory_space<semaphore_mem>>
      %dma_start3A_169 = arith.constant 0 : i32
      %dma_start3A_170 = tpu.memref_slice %arg11[%run_scoped3A_113, %dma_start3A_169] : memref<10x1000xi32, #tpu.memory_space<vmem>> -> memref<1x1000xi32, #tpu.memory_space<vmem>>
      %dma_start3A_171 = tpu.memref_squeeze %dma_start3A_170 : memref<1x1000xi32, #tpu.memory_space<vmem>> -> memref<1000xi32, #tpu.memory_space<vmem>>
      %dma_start3A_172 = arith.constant 0 : i32
      %dma_start3A_173 = arith.constant 0 : i32
      %dma_start3A_174 = tpu.memref_slice %arg21[%dma_start3A_172, %dma_start3A_173] : memref<10240x16xf32, #tpu.memory_space<vmem_shared>> -> memref<10240x16xf32, #tpu.memory_space<vmem_shared>>
      tpu.enqueue_indirect_dma source(%arg13 : memref<1000x16xf32, #tpu.memory_space<vmem>>) target(%dma_start3A_174 : memref<10240x16xf32, #tpu.memory_space<vmem_shared>>) offsets(%dma_start3A_171 : memref<1000xi32, #tpu.memory_space<vmem>>) semaphore(%run_scoped3A_168 : memref<!tpu.dma_semaphore, #tpu.memory_space<semaphore_mem>>) {add = true}
      %dma_wait3A_175 = arith.constant 0 : i32
      %dma_wait3A_176 = tpu.memref_slice %arg11[%run_scoped3A_113, %dma_wait3A_175] : memref<10x1000xi32, #tpu.memory_space<vmem>> -> memref<1x1000xi32, #tpu.memory_space<vmem>>
      %dma_wait3A_177 = tpu.memref_squeeze %dma_wait3A_176 : memref<1x1000xi32, #tpu.memory_space<vmem>> -> memref<1000xi32, #tpu.memory_space<vmem>>
      %dma_wait3A_178 = arith.constant 0 : i32
      %dma_wait3A_179 = arith.constant 0 : i32
      %dma_wait3A_180 = tpu.memref_slice %arg21[%dma_wait3A_178, %dma_wait3A_179] : memref<10240x16xf32, #tpu.memory_space<vmem_shared>> -> memref<10240x16xf32, #tpu.memory_space<vmem_shared>>
      tpu.wait_indirect_dma semaphore(%run_scoped3A_168 : memref<!tpu.dma_semaphore, #tpu.memory_space<semaphore_mem>>) src(%arg13 : memref<1000x16xf32, #tpu.memory_space<vmem>>) dst(%dma_wait3A_180 : memref<10240x16xf32, #tpu.memory_space<vmem_shared>>)
      tpu.yield
    }) : () -> ()
    %dma_start3A_114 = arith.constant 7 : i32
    %dma_start3A_115 = arith.constant 0 : i32
    %dma_start3A_116 = tpu.memref_slice %arg10[%dma_start3A_114, %dma_start3A_115] : memref<10x1000xi32, #tpu.memory_space<vmem>> -> memref<1x1000xi32, #tpu.memory_space<vmem>>
    %dma_start3A_117 = tpu.memref_squeeze %dma_start3A_116 : memref<1x1000xi32, #tpu.memory_space<vmem>> -> memref<1000xi32, #tpu.memory_space<vmem>>
    %dma_start3A_118 = arith.constant 0 : i32
    %dma_start3A_119 = arith.constant 0 : i32
    %dma_start3A_120 = tpu.memref_slice %arg20[%dma_start3A_118, %dma_start3A_119] : memref<10240x16xf32, #tpu.memory_space<vmem_shared>> -> memref<10240x16xf32, #tpu.memory_space<vmem_shared>>
    tpu.enqueue_indirect_dma source(%dma_start3A_120 : memref<10240x16xf32, #tpu.memory_space<vmem_shared>>) target(%arg13 : memref<1000x16xf32, #tpu.memory_space<vmem>>) offsets(%dma_start3A_117 : memref<1000xi32, #tpu.memory_space<vmem>>) semaphore(%arg19 : memref<!tpu.dma_semaphore, #tpu.memory_space<semaphore_mem>>)
    %dma_wait3A_121 = arith.constant 6 : i32
    %dma_wait3A_122 = arith.constant 0 : i32
    %dma_wait3A_123 = tpu.memref_slice %arg10[%dma_wait3A_121, %dma_wait3A_122] : memref<10x1000xi32, #tpu.memory_space<vmem>> -> memref<1x1000xi32, #tpu.memory_space<vmem>>
    %dma_wait3A_124 = tpu.memref_squeeze %dma_wait3A_123 : memref<1x1000xi32, #tpu.memory_space<vmem>> -> memref<1000xi32, #tpu.memory_space<vmem>>
    %dma_wait3A_125 = arith.constant 0 : i32
    %dma_wait3A_126 = arith.constant 0 : i32
    %dma_wait3A_127 = tpu.memref_slice %arg20[%dma_wait3A_125, %dma_wait3A_126] : memref<10240x16xf32, #tpu.memory_space<vmem_shared>> -> memref<10240x16xf32, #tpu.memory_space<vmem_shared>>
    tpu.wait_indirect_dma semaphore(%arg18 : memref<!tpu.dma_semaphore, #tpu.memory_space<semaphore_mem>>) src(%dma_wait3A_127 : memref<10240x16xf32, #tpu.memory_space<vmem_shared>>) dst(%arg12 : memref<1000x16xf32, #tpu.memory_space<vmem>>)
    %run_scoped3A_128 = arith.constant 6 : i32
    "tpu.region"() ({
      %run_scoped3A_168 = tpu.sem_alloc : memref<!tpu.dma_semaphore, #tpu.memory_space<semaphore_mem>>
      %dma_start3A_169 = arith.constant 0 : i32
      %dma_start3A_170 = tpu.memref_slice %arg11[%run_scoped3A_128, %dma_start3A_169] : memref<10x1000xi32, #tpu.memory_space<vmem>> -> memref<1x1000xi32, #tpu.memory_space<vmem>>
      %dma_start3A_171 = tpu.memref_squeeze %dma_start3A_170 : memref<1x1000xi32, #tpu.memory_space<vmem>> -> memref<1000xi32, #tpu.memory_space<vmem>>
      %dma_start3A_172 = arith.constant 0 : i32
      %dma_start3A_173 = arith.constant 0 : i32
      %dma_start3A_174 = tpu.memref_slice %arg21[%dma_start3A_172, %dma_start3A_173] : memref<10240x16xf32, #tpu.memory_space<vmem_shared>> -> memref<10240x16xf32, #tpu.memory_space<vmem_shared>>
      tpu.enqueue_indirect_dma source(%arg12 : memref<1000x16xf32, #tpu.memory_space<vmem>>) target(%dma_start3A_174 : memref<10240x16xf32, #tpu.memory_space<vmem_shared>>) offsets(%dma_start3A_171 : memref<1000xi32, #tpu.memory_space<vmem>>) semaphore(%run_scoped3A_168 : memref<!tpu.dma_semaphore, #tpu.memory_space<semaphore_mem>>) {add = true}
      %dma_wait3A_175 = arith.constant 0 : i32
      %dma_wait3A_176 = tpu.memref_slice %arg11[%run_scoped3A_128, %dma_wait3A_175] : memref<10x1000xi32, #tpu.memory_space<vmem>> -> memref<1x1000xi32, #tpu.memory_space<vmem>>
      %dma_wait3A_177 = tpu.memref_squeeze %dma_wait3A_176 : memref<1x1000xi32, #tpu.memory_space<vmem>> -> memref<1000xi32, #tpu.memory_space<vmem>>
      %dma_wait3A_178 = arith.constant 0 : i32
      %dma_wait3A_179 = arith.constant 0 : i32
      %dma_wait3A_180 = tpu.memref_slice %arg21[%dma_wait3A_178, %dma_wait3A_179] : memref<10240x16xf32, #tpu.memory_space<vmem_shared>> -> memref<10240x16xf32, #tpu.memory_space<vmem_shared>>
      tpu.wait_indirect_dma semaphore(%run_scoped3A_168 : memref<!tpu.dma_semaphore, #tpu.memory_space<semaphore_mem>>) src(%arg12 : memref<1000x16xf32, #tpu.memory_space<vmem>>) dst(%dma_wait3A_180 : memref<10240x16xf32, #tpu.memory_space<vmem_shared>>)
      tpu.yield
    }) : () -> ()
    %dma_start3A_129 = arith.constant 8 : i32
    %dma_start3A_130 = arith.constant 0 : i32
    %dma_start3A_131 = tpu.memref_slice %arg10[%dma_start3A_129, %dma_start3A_130] : memref<10x1000xi32, #tpu.memory_space<vmem>> -> memref<1x1000xi32, #tpu.memory_space<vmem>>
    %dma_start3A_132 = tpu.memref_squeeze %dma_start3A_131 : memref<1x1000xi32, #tpu.memory_space<vmem>> -> memref<1000xi32, #tpu.memory_space<vmem>>
    %dma_start3A_133 = arith.constant 0 : i32
    %dma_start3A_134 = arith.constant 0 : i32
    %dma_start3A_135 = tpu.memref_slice %arg20[%dma_start3A_133, %dma_start3A_134] : memref<10240x16xf32, #tpu.memory_space<vmem_shared>> -> memref<10240x16xf32, #tpu.memory_space<vmem_shared>>
    tpu.enqueue_indirect_dma source(%dma_start3A_135 : memref<10240x16xf32, #tpu.memory_space<vmem_shared>>) target(%arg12 : memref<1000x16xf32, #tpu.memory_space<vmem>>) offsets(%dma_start3A_132 : memref<1000xi32, #tpu.memory_space<vmem>>) semaphore(%arg18 : memref<!tpu.dma_semaphore, #tpu.memory_space<semaphore_mem>>)
    %dma_wait3A_136 = arith.constant 7 : i32
    %dma_wait3A_137 = arith.constant 0 : i32
    %dma_wait3A_138 = tpu.memref_slice %arg10[%dma_wait3A_136, %dma_wait3A_137] : memref<10x1000xi32, #tpu.memory_space<vmem>> -> memref<1x1000xi32, #tpu.memory_space<vmem>>
    %dma_wait3A_139 = tpu.memref_squeeze %dma_wait3A_138 : memref<1x1000xi32, #tpu.memory_space<vmem>> -> memref<1000xi32, #tpu.memory_space<vmem>>
    %dma_wait3A_140 = arith.constant 0 : i32
    %dma_wait3A_141 = arith.constant 0 : i32
    %dma_wait3A_142 = tpu.memref_slice %arg20[%dma_wait3A_140, %dma_wait3A_141] : memref<10240x16xf32, #tpu.memory_space<vmem_shared>> -> memref<10240x16xf32, #tpu.memory_space<vmem_shared>>
    tpu.wait_indirect_dma semaphore(%arg19 : memref<!tpu.dma_semaphore, #tpu.memory_space<semaphore_mem>>) src(%dma_wait3A_142 : memref<10240x16xf32, #tpu.memory_space<vmem_shared>>) dst(%arg13 : memref<1000x16xf32, #tpu.memory_space<vmem>>)
    %run_scoped3A_143 = arith.constant 7 : i32
    "tpu.region"() ({
      %run_scoped3A_168 = tpu.sem_alloc : memref<!tpu.dma_semaphore, #tpu.memory_space<semaphore_mem>>
      %dma_start3A_169 = arith.constant 0 : i32
      %dma_start3A_170 = tpu.memref_slice %arg11[%run_scoped3A_143, %dma_start3A_169] : memref<10x1000xi32, #tpu.memory_space<vmem>> -> memref<1x1000xi32, #tpu.memory_space<vmem>>
      %dma_start3A_171 = tpu.memref_squeeze %dma_start3A_170 : memref<1x1000xi32, #tpu.memory_space<vmem>> -> memref<1000xi32, #tpu.memory_space<vmem>>
      %dma_start3A_172 = arith.constant 0 : i32
      %dma_start3A_173 = arith.constant 0 : i32
      %dma_start3A_174 = tpu.memref_slice %arg21[%dma_start3A_172, %dma_start3A_173] : memref<10240x16xf32, #tpu.memory_space<vmem_shared>> -> memref<10240x16xf32, #tpu.memory_space<vmem_shared>>
      tpu.enqueue_indirect_dma source(%arg13 : memref<1000x16xf32, #tpu.memory_space<vmem>>) target(%dma_start3A_174 : memref<10240x16xf32, #tpu.memory_space<vmem_shared>>) offsets(%dma_start3A_171 : memref<1000xi32, #tpu.memory_space<vmem>>) semaphore(%run_scoped3A_168 : memref<!tpu.dma_semaphore, #tpu.memory_space<semaphore_mem>>) {add = true}
      %dma_wait3A_175 = arith.constant 0 : i32
      %dma_wait3A_176 = tpu.memref_slice %arg11[%run_scoped3A_143, %dma_wait3A_175] : memref<10x1000xi32, #tpu.memory_space<vmem>> -> memref<1x1000xi32, #tpu.memory_space<vmem>>
      %dma_wait3A_177 = tpu.memref_squeeze %dma_wait3A_176 : memref<1x1000xi32, #tpu.memory_space<vmem>> -> memref<1000xi32, #tpu.memory_space<vmem>>
      %dma_wait3A_178 = arith.constant 0 : i32
      %dma_wait3A_179 = arith.constant 0 : i32
      %dma_wait3A_180 = tpu.memref_slice %arg21[%dma_wait3A_178, %dma_wait3A_179] : memref<10240x16xf32, #tpu.memory_space<vmem_shared>> -> memref<10240x16xf32, #tpu.memory_space<vmem_shared>>
      tpu.wait_indirect_dma semaphore(%run_scoped3A_168 : memref<!tpu.dma_semaphore, #tpu.memory_space<semaphore_mem>>) src(%arg13 : memref<1000x16xf32, #tpu.memory_space<vmem>>) dst(%dma_wait3A_180 : memref<10240x16xf32, #tpu.memory_space<vmem_shared>>)
      tpu.yield
    }) : () -> ()
    %dma_start3A_144 = arith.constant 9 : i32
    %dma_start3A_145 = arith.constant 0 : i32
    %dma_start3A_146 = tpu.memref_slice %arg10[%dma_start3A_144, %dma_start3A_145] : memref<10x1000xi32, #tpu.memory_space<vmem>> -> memref<1x1000xi32, #tpu.memory_space<vmem>>
    %dma_start3A_147 = tpu.memref_squeeze %dma_start3A_146 : memref<1x1000xi32, #tpu.memory_space<vmem>> -> memref<1000xi32, #tpu.memory_space<vmem>>
    %dma_start3A_148 = arith.constant 0 : i32
    %dma_start3A_149 = arith.constant 0 : i32
    %dma_start3A_150 = tpu.memref_slice %arg20[%dma_start3A_148, %dma_start3A_149] : memref<10240x16xf32, #tpu.memory_space<vmem_shared>> -> memref<10240x16xf32, #tpu.memory_space<vmem_shared>>
    tpu.enqueue_indirect_dma source(%dma_start3A_150 : memref<10240x16xf32, #tpu.memory_space<vmem_shared>>) target(%arg13 : memref<1000x16xf32, #tpu.memory_space<vmem>>) offsets(%dma_start3A_147 : memref<1000xi32, #tpu.memory_space<vmem>>) semaphore(%arg19 : memref<!tpu.dma_semaphore, #tpu.memory_space<semaphore_mem>>)
    %dma_wait3A_151 = arith.constant 8 : i32
    %dma_wait3A_152 = arith.constant 0 : i32
    %dma_wait3A_153 = tpu.memref_slice %arg10[%dma_wait3A_151, %dma_wait3A_152] : memref<10x1000xi32, #tpu.memory_space<vmem>> -> memref<1x1000xi32, #tpu.memory_space<vmem>>
    %dma_wait3A_154 = tpu.memref_squeeze %dma_wait3A_153 : memref<1x1000xi32, #tpu.memory_space<vmem>> -> memref<1000xi32, #tpu.memory_space<vmem>>
    %dma_wait3A_155 = arith.constant 0 : i32
    %dma_wait3A_156 = arith.constant 0 : i32
    %dma_wait3A_157 = tpu.memref_slice %arg20[%dma_wait3A_155, %dma_wait3A_156] : memref<10240x16xf32, #tpu.memory_space<vmem_shared>> -> memref<10240x16xf32, #tpu.memory_space<vmem_shared>>
    tpu.wait_indirect_dma semaphore(%arg18 : memref<!tpu.dma_semaphore, #tpu.memory_space<semaphore_mem>>) src(%dma_wait3A_157 : memref<10240x16xf32, #tpu.memory_space<vmem_shared>>) dst(%arg12 : memref<1000x16xf32, #tpu.memory_space<vmem>>)
    %run_scoped3A_158 = arith.constant 8 : i32
    "tpu.region"() ({
      %run_scoped3A_168 = tpu.sem_alloc : memref<!tpu.dma_semaphore, #tpu.memory_space<semaphore_mem>>
      %dma_start3A_169 = arith.constant 0 : i32
      %dma_start3A_170 = tpu.memref_slice %arg11[%run_scoped3A_158, %dma_start3A_169] : memref<10x1000xi32, #tpu.memory_space<vmem>> -> memref<1x1000xi32, #tpu.memory_space<vmem>>
      %dma_start3A_171 = tpu.memref_squeeze %dma_start3A_170 : memref<1x1000xi32, #tpu.memory_space<vmem>> -> memref<1000xi32, #tpu.memory_space<vmem>>
      %dma_start3A_172 = arith.constant 0 : i32
      %dma_start3A_173 = arith.constant 0 : i32
      %dma_start3A_174 = tpu.memref_slice %arg21[%dma_start3A_172, %dma_start3A_173] : memref<10240x16xf32, #tpu.memory_space<vmem_shared>> -> memref<10240x16xf32, #tpu.memory_space<vmem_shared>>
      tpu.enqueue_indirect_dma source(%arg12 : memref<1000x16xf32, #tpu.memory_space<vmem>>) target(%dma_start3A_174 : memref<10240x16xf32, #tpu.memory_space<vmem_shared>>) offsets(%dma_start3A_171 : memref<1000xi32, #tpu.memory_space<vmem>>) semaphore(%run_scoped3A_168 : memref<!tpu.dma_semaphore, #tpu.memory_space<semaphore_mem>>) {add = true}
      %dma_wait3A_175 = arith.constant 0 : i32
      %dma_wait3A_176 = tpu.memref_slice %arg11[%run_scoped3A_158, %dma_wait3A_175] : memref<10x1000xi32, #tpu.memory_space<vmem>> -> memref<1x1000xi32, #tpu.memory_space<vmem>>
      %dma_wait3A_177 = tpu.memref_squeeze %dma_wait3A_176 : memref<1x1000xi32, #tpu.memory_space<vmem>> -> memref<1000xi32, #tpu.memory_space<vmem>>
      %dma_wait3A_178 = arith.constant 0 : i32
      %dma_wait3A_179 = arith.constant 0 : i32
      %dma_wait3A_180 = tpu.memref_slice %arg21[%dma_wait3A_178, %dma_wait3A_179] : memref<10240x16xf32, #tpu.memory_space<vmem_shared>> -> memref<10240x16xf32, #tpu.memory_space<vmem_shared>>
      tpu.wait_indirect_dma semaphore(%run_scoped3A_168 : memref<!tpu.dma_semaphore, #tpu.memory_space<semaphore_mem>>) src(%arg12 : memref<1000x16xf32, #tpu.memory_space<vmem>>) dst(%dma_wait3A_180 : memref<10240x16xf32, #tpu.memory_space<vmem_shared>>)
      tpu.yield
    }) : () -> ()
    %dma_wait3A_159 = arith.constant 9 : i32
    %dma_wait3A_160 = arith.constant 0 : i32
    %dma_wait3A_161 = tpu.memref_slice %arg10[%dma_wait3A_159, %dma_wait3A_160] : memref<10x1000xi32, #tpu.memory_space<vmem>> -> memref<1x1000xi32, #tpu.memory_space<vmem>>
    %dma_wait3A_162 = tpu.memref_squeeze %dma_wait3A_161 : memref<1x1000xi32, #tpu.memory_space<vmem>> -> memref<1000xi32, #tpu.memory_space<vmem>>
    %dma_wait3A_163 = arith.constant 0 : i32
    %dma_wait3A_164 = arith.constant 0 : i32
    %dma_wait3A_165 = tpu.memref_slice %arg20[%dma_wait3A_163, %dma_wait3A_164] : memref<10240x16xf32, #tpu.memory_space<vmem_shared>> -> memref<10240x16xf32, #tpu.memory_space<vmem_shared>>
    tpu.wait_indirect_dma semaphore(%arg19 : memref<!tpu.dma_semaphore, #tpu.memory_space<semaphore_mem>>) src(%dma_wait3A_165 : memref<10240x16xf32, #tpu.memory_space<vmem_shared>>) dst(%arg13 : memref<1000x16xf32, #tpu.memory_space<vmem>>)
    %run_scoped3A_166 = arith.constant 9 : i32
    "tpu.region"() ({
      %run_scoped3A_168 = tpu.sem_alloc : memref<!tpu.dma_semaphore, #tpu.memory_space<semaphore_mem>>
      %dma_start3A_169 = arith.constant 0 : i32
      %dma_start3A_170 = tpu.memref_slice %arg11[%run_scoped3A_166, %dma_start3A_169] : memref<10x1000xi32, #tpu.memory_space<vmem>> -> memref<1x1000xi32, #tpu.memory_space<vmem>>
      %dma_start3A_171 = tpu.memref_squeeze %dma_start3A_170 : memref<1x1000xi32, #tpu.memory_space<vmem>> -> memref<1000xi32, #tpu.memory_space<vmem>>
      %dma_start3A_172 = arith.constant 0 : i32
      %dma_start3A_173 = arith.constant 0 : i32
      %dma_start3A_174 = tpu.memref_slice %arg21[%dma_start3A_172, %dma_start3A_173] : memref<10240x16xf32, #tpu.memory_space<vmem_shared>> -> memref<10240x16xf32, #tpu.memory_space<vmem_shared>>
      tpu.enqueue_indirect_dma source(%arg13 : memref<1000x16xf32, #tpu.memory_space<vmem>>) target(%dma_start3A_174 : memref<10240x16xf32, #tpu.memory_space<vmem_shared>>) offsets(%dma_start3A_171 : memref<1000xi32, #tpu.memory_space<vmem>>) semaphore(%run_scoped3A_168 : memref<!tpu.dma_semaphore, #tpu.memory_space<semaphore_mem>>) {add = true}
      %dma_wait3A_175 = arith.constant 0 : i32
      %dma_wait3A_176 = tpu.memref_slice %arg11[%run_scoped3A_166, %dma_wait3A_175] : memref<10x1000xi32, #tpu.memory_space<vmem>> -> memref<1x1000xi32, #tpu.memory_space<vmem>>
      %dma_wait3A_177 = tpu.memref_squeeze %dma_wait3A_176 : memref<1x1000xi32, #tpu.memory_space<vmem>> -> memref<1000xi32, #tpu.memory_space<vmem>>
      %dma_wait3A_178 = arith.constant 0 : i32
      %dma_wait3A_179 = arith.constant 0 : i32
      %dma_wait3A_180 = tpu.memref_slice %arg21[%dma_wait3A_178, %dma_wait3A_179] : memref<10240x16xf32, #tpu.memory_space<vmem_shared>> -> memref<10240x16xf32, #tpu.memory_space<vmem_shared>>
      tpu.wait_indirect_dma semaphore(%run_scoped3A_168 : memref<!tpu.dma_semaphore, #tpu.memory_space<semaphore_mem>>) src(%arg13 : memref<1000x16xf32, #tpu.memory_space<vmem>>) dst(%dma_wait3A_180 : memref<10240x16xf32, #tpu.memory_space<vmem_shared>>)
      tpu.yield
    }) : () -> ()
    %barrier3A_167 = arith.constant 0 : index
    tpu.barrier barrier_id(%barrier3A_167)
    "tpu.region"() ({
      %run_scoped3A_168 = tpu.sem_alloc : memref<!tpu.dma_semaphore, #tpu.memory_space<semaphore_mem>>
      %dma_start3A_169 = arith.constant 0 : i32
      %dma_start3A_170 = arith.constant 0 : i32
      %dma_start3A_171 = tpu.memref_slice %arg6[%arg0, %dma_start3A_169, %dma_start3A_170] : memref<2x10240x16xf32, #tpu.memory_space<hbm>> -> memref<1x10240x16xf32, #tpu.memory_space<hbm>>
      %dma_start3A_172 = tpu.memref_squeeze %dma_start3A_171 : memref<1x10240x16xf32, #tpu.memory_space<hbm>> -> memref<10240x16xf32, #tpu.memory_space<hbm>>
      %dma_start3A_173 = arith.constant 0 : i32
      %dma_start3A_174 = tpu.memref_slice %dma_start3A_172[%mul3A_2, %dma_start3A_173] : memref<10240x16xf32, #tpu.memory_space<hbm>> -> memref<640x16xf32, #tpu.memory_space<hbm>>
      %dma_start3A_175 = arith.constant 0 : i32
      %dma_start3A_176 = tpu.memref_slice %arg21[%mul3A_2, %dma_start3A_175] : memref<10240x16xf32, #tpu.memory_space<vmem_shared>> -> memref<640x16xf32, #tpu.memory_space<vmem_shared>>
      tpu.enqueue_dma source(%dma_start3A_176 : memref<640x16xf32, #tpu.memory_space<vmem_shared>>) target(%dma_start3A_174 : memref<640x16xf32, #tpu.memory_space<hbm>>) target_semaphore(%run_scoped3A_168 : memref<!tpu.dma_semaphore, #tpu.memory_space<semaphore_mem>>)
      %dma_wait3A_177 = arith.constant 0 : i32
      %dma_wait3A_178 = arith.constant 0 : i32
      %dma_wait3A_179 = tpu.memref_slice %arg6[%arg0, %dma_wait3A_177, %dma_wait3A_178] : memref<2x10240x16xf32, #tpu.memory_space<hbm>> -> memref<1x10240x16xf32, #tpu.memory_space<hbm>>
      %dma_wait3A_180 = tpu.memref_squeeze %dma_wait3A_179 : memref<1x10240x16xf32, #tpu.memory_space<hbm>> -> memref<10240x16xf32, #tpu.memory_space<hbm>>
      %dma_wait3A_181 = arith.constant 0 : i32
      %dma_wait3A_182 = tpu.memref_slice %dma_wait3A_180[%mul3A_2, %dma_wait3A_181] : memref<10240x16xf32, #tpu.memory_space<hbm>> -> memref<640x16xf32, #tpu.memory_space<hbm>>
      %dma_wait3A_183 = arith.constant 0 : i32
      %dma_wait3A_184 = tpu.memref_slice %arg21[%mul3A_2, %dma_wait3A_183] : memref<10240x16xf32, #tpu.memory_space<vmem_shared>> -> memref<640x16xf32, #tpu.memory_space<vmem_shared>>
      tpu.wait_dma2 semaphore(%run_scoped3A_168 : memref<!tpu.dma_semaphore, #tpu.memory_space<semaphore_mem>>) src(%dma_wait3A_184 : memref<640x16xf32, #tpu.memory_space<vmem_shared>>) dst(%dma_wait3A_182 : memref<640x16xf32, #tpu.memory_space<hbm>>)
      tpu.yield
    }) : () -> ()
    return
  }
}

#map = affine_map<(d0, d1) -> (0, 0)>
#map1 = affine_map<(d0, d1) -> (0, 0, 0)>
module attributes {stable_mosaic.version = 14 : i64} {
  func.func @_sc_agg(%arg0: i32, %arg1: i32, %arg2: memref<10240x16xf32, #tpu.memory_space<hbm>>, %arg3: memref<32x10x1000xi32, #tpu.memory_space<hbm>>, %arg4: memref<32x10x1000xi32, #tpu.memory_space<hbm>>, %arg5: memref<2x10240x16xf32, #tpu.memory_space<hbm>>, %arg6: memref<128x16xf32, #tpu.memory_space<vmem>>, %arg7: memref<10x1000xi32, #tpu.memory_space<vmem>>, %arg8: memref<10x1000xi32, #tpu.memory_space<vmem>>, %arg9: memref<1000x16xf32, #tpu.memory_space<vmem>>, %arg10: memref<1000x16xf32, #tpu.memory_space<vmem>>, %arg11: memref<!tpu.dma_semaphore, #tpu.memory_space<semaphore_mem>>, %arg12: memref<!tpu.dma_semaphore, #tpu.memory_space<semaphore_mem>>, %arg13: memref<10240x16xf32, #tpu.memory_space<vmem_shared>>, %arg14: memref<10240x16xf32, #tpu.memory_space<vmem_shared>>) attributes {dimension_semantics = [#tpu.dimension_semantics<core_parallel>, #tpu.dimension_semantics<subcore_parallel>], iteration_bounds = array<i64: 2, 16>, scalar_prefetch = 0 : i64, scratch_operands = 9 : i64, tpu.core_type = #tpu.core_type<sc_vector_subcore>, window_params = [{transform_indices = #map}, {transform_indices = #map1}, {transform_indices = #map1}, {transform_indices = #map1}]} {
    %mul3A = arith.constant 16 : i32
    %mul3A_0 = arith.muli %arg0, %mul3A : i32
    %add3A = arith.addi %mul3A_0, %arg1 : i32
    %broadcast_in_dim3A = arith.constant 0.000000e+00 : f32
    %broadcast_in_dim3A_1 = vector.broadcast %broadcast_in_dim3A : f32 to vector<16xf32>
    %scan3A = arith.constant 0 : i32
    %scan3A_2 = arith.constant 128 : i32
    %scan3A_3 = arith.addi %scan3A, %scan3A_2 : i32
    %scan3A_4 = arith.constant 1 : i32
    scf.for %scan3A_167 = %scan3A to %scan3A_3 step %scan3A_4  : i32 {
      %mul3A_168 = arith.constant 1 : i32
      %mul3A_169 = arith.muli %scan3A_167, %mul3A_168 : i32
      %add3A_170 = arith.constant 0 : i32
      %add3A_171 = arith.addi %add3A_170, %mul3A_169 : i32
      %swap3A = arith.index_cast %add3A_171 : i32 to index
      %swap3A_172 = arith.constant 0 : index
      %swap3A_173 = tpu.vector_load %arg6[%swap3A, %swap3A_172] {strides = array<i32>} : memref<128x16xf32, #tpu.memory_space<vmem>>, vector<1x16xf32>,
      %swap3A_174 = vector.shape_cast %swap3A_173 : vector<1x16xf32> to vector<16xf32>
      %swap3A_175 = vector.shape_cast %broadcast_in_dim3A_1 : vector<16xf32> to vector<1x16xf32>
      tpu.vector_store %arg6[%swap3A, %swap3A_172], %swap3A_175 {strides = array<i32>} : memref<128x16xf32, #tpu.memory_space<vmem>>, vector<1x16xf32>,
    }
    %scan3A_5 = arith.constant 128 : i32
    %scan3A_6 = arith.constant 0 : i32
    %scan3A_7 = arith.constant 5 : i32
    %scan3A_8 = arith.addi %scan3A_6, %scan3A_7 : i32
    %scan3A_9 = arith.constant 1 : i32
    scf.for %scan3A_167 = %scan3A_6 to %scan3A_8 step %scan3A_9  : i32 {
      %mul3A_168 = arith.constant 1 : i32
      %mul3A_169 = arith.muli %scan3A_167, %mul3A_168 : i32
      %add3A_170 = arith.constant 0 : i32
      %add3A_171 = arith.addi %add3A_170, %mul3A_169 : i32
      %mul3A_172 = arith.constant 640 : i32
      %mul3A_173 = arith.muli %arg1, %mul3A_172 : i32
      %mul3A_174 = arith.constant 128 : i32
      %mul3A_175 = arith.muli %add3A_171, %mul3A_174 : i32
      %add3A_176 = arith.addi %mul3A_173, %mul3A_175 : i32
      "tpu.region"() ({
        %run_scoped3A_177 = tpu.sem_alloc : memref<!tpu.dma_semaphore, #tpu.memory_space<semaphore_mem>>
        %dma_start3A_178 = arith.constant 0 : i32
        %dma_start3A_179 = tpu.memref_slice %arg14[%add3A_176, %dma_start3A_178] : memref<10240x16xf32, #tpu.memory_space<vmem_shared>> -> memref<128x16xf32, #tpu.memory_space<vmem_shared>>
        %dma_start3A_180 = arith.constant 0 : i32
        %dma_start3A_181 = tpu.memref_slice %arg14[%add3A_176, %dma_start3A_180] : memref<10240x16xf32, #tpu.memory_space<vmem_shared>> -> memref<128x16xf32, #tpu.memory_space<vmem_shared>>
        tpu.enqueue_dma source(%arg6 : memref<128x16xf32, #tpu.memory_space<vmem>>) target(%dma_start3A_181 : memref<128x16xf32, #tpu.memory_space<vmem_shared>>) target_semaphore(%run_scoped3A_177 : memref<!tpu.dma_semaphore, #tpu.memory_space<semaphore_mem>>)
        %dma_wait3A_182 = arith.constant 0 : i32
        %dma_wait3A_183 = tpu.memref_slice %arg14[%add3A_176, %dma_wait3A_182] : memref<10240x16xf32, #tpu.memory_space<vmem_shared>> -> memref<128x16xf32, #tpu.memory_space<vmem_shared>>
        %dma_wait3A_184 = arith.constant 0 : i32
        %dma_wait3A_185 = tpu.memref_slice %arg14[%add3A_176, %dma_wait3A_184] : memref<10240x16xf32, #tpu.memory_space<vmem_shared>> -> memref<128x16xf32, #tpu.memory_space<vmem_shared>>
        tpu.wait_dma2 semaphore(%run_scoped3A_177 : memref<!tpu.dma_semaphore, #tpu.memory_space<semaphore_mem>>) src(%arg6 : memref<128x16xf32, #tpu.memory_space<vmem>>) dst(%dma_wait3A_185 : memref<128x16xf32, #tpu.memory_space<vmem_shared>>)
        tpu.yield
      }) : () -> ()
    }
    %scan3A_10 = arith.constant 5 : i32
    %mul3A_11 = arith.constant 640 : i32
    %mul3A_12 = arith.muli %arg1, %mul3A_11 : i32
    %mul3A_13 = arith.constant 640 : i32
    %mul3A_14 = arith.muli %arg1, %mul3A_13 : i32
    "tpu.region"() ({
      %run_scoped3A_167 = tpu.sem_alloc : memref<!tpu.dma_semaphore, #tpu.memory_space<semaphore_mem>>
      %dma_start3A_168 = arith.constant 0 : i32
      %dma_start3A_169 = tpu.memref_slice %arg13[%mul3A_14, %dma_start3A_168] : memref<10240x16xf32, #tpu.memory_space<vmem_shared>> -> memref<640x16xf32, #tpu.memory_space<vmem_shared>>
      %dma_start3A_170 = arith.constant 0 : i32
      %dma_start3A_171 = tpu.memref_slice %arg2[%mul3A_12, %dma_start3A_170] : memref<10240x16xf32, #tpu.memory_space<hbm>> -> memref<640x16xf32, #tpu.memory_space<hbm>>
      tpu.enqueue_dma source(%dma_start3A_171 : memref<640x16xf32, #tpu.memory_space<hbm>>) target(%dma_start3A_169 : memref<640x16xf32, #tpu.memory_space<vmem_shared>>) target_semaphore(%run_scoped3A_167 : memref<!tpu.dma_semaphore, #tpu.memory_space<semaphore_mem>>)
      %dma_wait3A_172 = arith.constant 0 : i32
      %dma_wait3A_173 = tpu.memref_slice %arg13[%mul3A_14, %dma_wait3A_172] : memref<10240x16xf32, #tpu.memory_space<vmem_shared>> -> memref<640x16xf32, #tpu.memory_space<vmem_shared>>
      %dma_wait3A_174 = arith.constant 0 : i32
      %dma_wait3A_175 = tpu.memref_slice %arg2[%mul3A_12, %dma_wait3A_174] : memref<10240x16xf32, #tpu.memory_space<hbm>> -> memref<640x16xf32, #tpu.memory_space<hbm>>
      tpu.wait_dma2 semaphore(%run_scoped3A_167 : memref<!tpu.dma_semaphore, #tpu.memory_space<semaphore_mem>>) src(%dma_wait3A_175 : memref<640x16xf32, #tpu.memory_space<hbm>>) dst(%dma_wait3A_173 : memref<640x16xf32, #tpu.memory_space<vmem_shared>>)
      tpu.yield
    }) : () -> ()
    "tpu.region"() ({
      %run_scoped3A_167 = tpu.sem_alloc : memref<!tpu.dma_semaphore, #tpu.memory_space<semaphore_mem>>
      %dma_start3A_168 = arith.constant 0 : i32
      %dma_start3A_169 = arith.constant 0 : i32
      %dma_start3A_170 = tpu.memref_slice %arg3[%add3A, %dma_start3A_168, %dma_start3A_169] : memref<32x10x1000xi32, #tpu.memory_space<hbm>> -> memref<1x10x1000xi32, #tpu.memory_space<hbm>>
      %dma_start3A_171 = tpu.memref_squeeze %dma_start3A_170 : memref<1x10x1000xi32, #tpu.memory_space<hbm>> -> memref<10x1000xi32, #tpu.memory_space<hbm>>
      %dma_start3A_172 = arith.constant 0 : i32
      %dma_start3A_173 = arith.constant 0 : i32
      %dma_start3A_174 = tpu.memref_slice %arg3[%add3A, %dma_start3A_172, %dma_start3A_173] : memref<32x10x1000xi32, #tpu.memory_space<hbm>> -> memref<1x10x1000xi32, #tpu.memory_space<hbm>>
      %dma_start3A_175 = tpu.memref_squeeze %dma_start3A_174 : memref<1x10x1000xi32, #tpu.memory_space<hbm>> -> memref<10x1000xi32, #tpu.memory_space<hbm>>
      tpu.enqueue_dma source(%dma_start3A_175 : memref<10x1000xi32, #tpu.memory_space<hbm>>) target(%arg7 : memref<10x1000xi32, #tpu.memory_space<vmem>>) target_semaphore(%run_scoped3A_167 : memref<!tpu.dma_semaphore, #tpu.memory_space<semaphore_mem>>)
      %dma_wait3A_176 = arith.constant 0 : i32
      %dma_wait3A_177 = arith.constant 0 : i32
      %dma_wait3A_178 = tpu.memref_slice %arg3[%add3A, %dma_wait3A_176, %dma_wait3A_177] : memref<32x10x1000xi32, #tpu.memory_space<hbm>> -> memref<1x10x1000xi32, #tpu.memory_space<hbm>>
      %dma_wait3A_179 = tpu.memref_squeeze %dma_wait3A_178 : memref<1x10x1000xi32, #tpu.memory_space<hbm>> -> memref<10x1000xi32, #tpu.memory_space<hbm>>
      %dma_wait3A_180 = arith.constant 0 : i32
      %dma_wait3A_181 = arith.constant 0 : i32
      %dma_wait3A_182 = tpu.memref_slice %arg3[%add3A, %dma_wait3A_180, %dma_wait3A_181] : memref<32x10x1000xi32, #tpu.memory_space<hbm>> -> memref<1x10x1000xi32, #tpu.memory_space<hbm>>
      %dma_wait3A_183 = tpu.memref_squeeze %dma_wait3A_182 : memref<1x10x1000xi32, #tpu.memory_space<hbm>> -> memref<10x1000xi32, #tpu.memory_space<hbm>>
      tpu.wait_dma2 semaphore(%run_scoped3A_167 : memref<!tpu.dma_semaphore, #tpu.memory_space<semaphore_mem>>) src(%dma_wait3A_183 : memref<10x1000xi32, #tpu.memory_space<hbm>>) dst(%arg7 : memref<10x1000xi32, #tpu.memory_space<vmem>>)
      tpu.yield
    }) : () -> ()
    "tpu.region"() ({
      %run_scoped3A_167 = tpu.sem_alloc : memref<!tpu.dma_semaphore, #tpu.memory_space<semaphore_mem>>
      %dma_start3A_168 = arith.constant 0 : i32
      %dma_start3A_169 = arith.constant 0 : i32
      %dma_start3A_170 = tpu.memref_slice %arg4[%add3A, %dma_start3A_168, %dma_start3A_169] : memref<32x10x1000xi32, #tpu.memory_space<hbm>> -> memref<1x10x1000xi32, #tpu.memory_space<hbm>>
      %dma_start3A_171 = tpu.memref_squeeze %dma_start3A_170 : memref<1x10x1000xi32, #tpu.memory_space<hbm>> -> memref<10x1000xi32, #tpu.memory_space<hbm>>
      %dma_start3A_172 = arith.constant 0 : i32
      %dma_start3A_173 = arith.constant 0 : i32
      %dma_start3A_174 = tpu.memref_slice %arg4[%add3A, %dma_start3A_172, %dma_start3A_173] : memref<32x10x1000xi32, #tpu.memory_space<hbm>> -> memref<1x10x1000xi32, #tpu.memory_space<hbm>>
      %dma_start3A_175 = tpu.memref_squeeze %dma_start3A_174 : memref<1x10x1000xi32, #tpu.memory_space<hbm>> -> memref<10x1000xi32, #tpu.memory_space<hbm>>
      tpu.enqueue_dma source(%dma_start3A_175 : memref<10x1000xi32, #tpu.memory_space<hbm>>) target(%arg8 : memref<10x1000xi32, #tpu.memory_space<vmem>>) target_semaphore(%run_scoped3A_167 : memref<!tpu.dma_semaphore, #tpu.memory_space<semaphore_mem>>)
      %dma_wait3A_176 = arith.constant 0 : i32
      %dma_wait3A_177 = arith.constant 0 : i32
      %dma_wait3A_178 = tpu.memref_slice %arg4[%add3A, %dma_wait3A_176, %dma_wait3A_177] : memref<32x10x1000xi32, #tpu.memory_space<hbm>> -> memref<1x10x1000xi32, #tpu.memory_space<hbm>>
      %dma_wait3A_179 = tpu.memref_squeeze %dma_wait3A_178 : memref<1x10x1000xi32, #tpu.memory_space<hbm>> -> memref<10x1000xi32, #tpu.memory_space<hbm>>
      %dma_wait3A_180 = arith.constant 0 : i32
      %dma_wait3A_181 = arith.constant 0 : i32
      %dma_wait3A_182 = tpu.memref_slice %arg4[%add3A, %dma_wait3A_180, %dma_wait3A_181] : memref<32x10x1000xi32, #tpu.memory_space<hbm>> -> memref<1x10x1000xi32, #tpu.memory_space<hbm>>
      %dma_wait3A_183 = tpu.memref_squeeze %dma_wait3A_182 : memref<1x10x1000xi32, #tpu.memory_space<hbm>> -> memref<10x1000xi32, #tpu.memory_space<hbm>>
      tpu.wait_dma2 semaphore(%run_scoped3A_167 : memref<!tpu.dma_semaphore, #tpu.memory_space<semaphore_mem>>) src(%dma_wait3A_183 : memref<10x1000xi32, #tpu.memory_space<hbm>>) dst(%arg8 : memref<10x1000xi32, #tpu.memory_space<vmem>>)
      tpu.yield
    }) : () -> ()
    %barrier3A = arith.constant 0 : index
    tpu.barrier barrier_id(%barrier3A)
    %dma_start3A = arith.constant 0 : i32
    %dma_start3A_15 = arith.constant 0 : i32
    %dma_start3A_16 = tpu.memref_slice %arg7[%dma_start3A, %dma_start3A_15] : memref<10x1000xi32, #tpu.memory_space<vmem>> -> memref<1x1000xi32, #tpu.memory_space<vmem>>
    %dma_start3A_17 = tpu.memref_squeeze %dma_start3A_16 : memref<1x1000xi32, #tpu.memory_space<vmem>> -> memref<1000xi32, #tpu.memory_space<vmem>>
    %dma_start3A_18 = arith.constant 0 : i32
    %dma_start3A_19 = arith.constant 0 : i32
    %dma_start3A_20 = tpu.memref_slice %arg13[%dma_start3A_18, %dma_start3A_19] : memref<10240x16xf32, #tpu.memory_space<vmem_shared>> -> memref<10240x16xf32, #tpu.memory_space<vmem_shared>>
    tpu.enqueue_indirect_dma source(%dma_start3A_20 : memref<10240x16xf32, #tpu.memory_space<vmem_shared>>) target(%arg9 : memref<1000x16xf32, #tpu.memory_space<vmem>>) offsets(%dma_start3A_17 : memref<1000xi32, #tpu.memory_space<vmem>>) semaphore(%arg11 : memref<!tpu.dma_semaphore, #tpu.memory_space<semaphore_mem>>)
    %dma_start3A_21 = arith.constant 1 : i32
    %dma_start3A_22 = arith.constant 0 : i32
    %dma_start3A_23 = tpu.memref_slice %arg7[%dma_start3A_21, %dma_start3A_22] : memref<10x1000xi32, #tpu.memory_space<vmem>> -> memref<1x1000xi32, #tpu.memory_space<vmem>>
    %dma_start3A_24 = tpu.memref_squeeze %dma_start3A_23 : memref<1x1000xi32, #tpu.memory_space<vmem>> -> memref<1000xi32, #tpu.memory_space<vmem>>
    %dma_start3A_25 = arith.constant 0 : i32
    %dma_start3A_26 = arith.constant 0 : i32
    %dma_start3A_27 = tpu.memref_slice %arg13[%dma_start3A_25, %dma_start3A_26] : memref<10240x16xf32, #tpu.memory_space<vmem_shared>> -> memref<10240x16xf32, #tpu.memory_space<vmem_shared>>
    tpu.enqueue_indirect_dma source(%dma_start3A_27 : memref<10240x16xf32, #tpu.memory_space<vmem_shared>>) target(%arg10 : memref<1000x16xf32, #tpu.memory_space<vmem>>) offsets(%dma_start3A_24 : memref<1000xi32, #tpu.memory_space<vmem>>) semaphore(%arg12 : memref<!tpu.dma_semaphore, #tpu.memory_space<semaphore_mem>>)
    %dma_wait3A = arith.constant 0 : i32
    %dma_wait3A_28 = arith.constant 0 : i32
    %dma_wait3A_29 = tpu.memref_slice %arg7[%dma_wait3A, %dma_wait3A_28] : memref<10x1000xi32, #tpu.memory_space<vmem>> -> memref<1x1000xi32, #tpu.memory_space<vmem>>
    %dma_wait3A_30 = tpu.memref_squeeze %dma_wait3A_29 : memref<1x1000xi32, #tpu.memory_space<vmem>> -> memref<1000xi32, #tpu.memory_space<vmem>>
    %dma_wait3A_31 = arith.constant 0 : i32
    %dma_wait3A_32 = arith.constant 0 : i32
    %dma_wait3A_33 = tpu.memref_slice %arg13[%dma_wait3A_31, %dma_wait3A_32] : memref<10240x16xf32, #tpu.memory_space<vmem_shared>> -> memref<10240x16xf32, #tpu.memory_space<vmem_shared>>
    tpu.wait_indirect_dma semaphore(%arg11 : memref<!tpu.dma_semaphore, #tpu.memory_space<semaphore_mem>>) src(%dma_wait3A_33 : memref<10240x16xf32, #tpu.memory_space<vmem_shared>>) dst(%arg9 : memref<1000x16xf32, #tpu.memory_space<vmem>>)
    %run_scoped3A = arith.constant 0 : i32
    "tpu.region"() ({
      %run_scoped3A_167 = tpu.sem_alloc : memref<!tpu.dma_semaphore, #tpu.memory_space<semaphore_mem>>
      %dma_start3A_168 = arith.constant 0 : i32
      %dma_start3A_169 = tpu.memref_slice %arg8[%run_scoped3A, %dma_start3A_168] : memref<10x1000xi32, #tpu.memory_space<vmem>> -> memref<1x1000xi32, #tpu.memory_space<vmem>>
      %dma_start3A_170 = tpu.memref_squeeze %dma_start3A_169 : memref<1x1000xi32, #tpu.memory_space<vmem>> -> memref<1000xi32, #tpu.memory_space<vmem>>
      %dma_start3A_171 = arith.constant 0 : i32
      %dma_start3A_172 = arith.constant 0 : i32
      %dma_start3A_173 = tpu.memref_slice %arg14[%dma_start3A_171, %dma_start3A_172] : memref<10240x16xf32, #tpu.memory_space<vmem_shared>> -> memref<10240x16xf32, #tpu.memory_space<vmem_shared>>
      tpu.enqueue_indirect_dma source(%arg9 : memref<1000x16xf32, #tpu.memory_space<vmem>>) target(%dma_start3A_173 : memref<10240x16xf32, #tpu.memory_space<vmem_shared>>) offsets(%dma_start3A_170 : memref<1000xi32, #tpu.memory_space<vmem>>) semaphore(%run_scoped3A_167 : memref<!tpu.dma_semaphore, #tpu.memory_space<semaphore_mem>>) {add = true}
      %dma_wait3A_174 = arith.constant 0 : i32
      %dma_wait3A_175 = tpu.memref_slice %arg8[%run_scoped3A, %dma_wait3A_174] : memref<10x1000xi32, #tpu.memory_space<vmem>> -> memref<1x1000xi32, #tpu.memory_space<vmem>>
      %dma_wait3A_176 = tpu.memref_squeeze %dma_wait3A_175 : memref<1x1000xi32, #tpu.memory_space<vmem>> -> memref<1000xi32, #tpu.memory_space<vmem>>
      %dma_wait3A_177 = arith.constant 0 : i32
      %dma_wait3A_178 = arith.constant 0 : i32
      %dma_wait3A_179 = tpu.memref_slice %arg14[%dma_wait3A_177, %dma_wait3A_178] : memref<10240x16xf32, #tpu.memory_space<vmem_shared>> -> memref<10240x16xf32, #tpu.memory_space<vmem_shared>>
      tpu.wait_indirect_dma semaphore(%run_scoped3A_167 : memref<!tpu.dma_semaphore, #tpu.memory_space<semaphore_mem>>) src(%arg9 : memref<1000x16xf32, #tpu.memory_space<vmem>>) dst(%dma_wait3A_179 : memref<10240x16xf32, #tpu.memory_space<vmem_shared>>)
      tpu.yield
    }) : () -> ()
    %dma_start3A_34 = arith.constant 2 : i32
    %dma_start3A_35 = arith.constant 0 : i32
    %dma_start3A_36 = tpu.memref_slice %arg7[%dma_start3A_34, %dma_start3A_35] : memref<10x1000xi32, #tpu.memory_space<vmem>> -> memref<1x1000xi32, #tpu.memory_space<vmem>>
    %dma_start3A_37 = tpu.memref_squeeze %dma_start3A_36 : memref<1x1000xi32, #tpu.memory_space<vmem>> -> memref<1000xi32, #tpu.memory_space<vmem>>
    %dma_start3A_38 = arith.constant 0 : i32
    %dma_start3A_39 = arith.constant 0 : i32
    %dma_start3A_40 = tpu.memref_slice %arg13[%dma_start3A_38, %dma_start3A_39] : memref<10240x16xf32, #tpu.memory_space<vmem_shared>> -> memref<10240x16xf32, #tpu.memory_space<vmem_shared>>
    tpu.enqueue_indirect_dma source(%dma_start3A_40 : memref<10240x16xf32, #tpu.memory_space<vmem_shared>>) target(%arg9 : memref<1000x16xf32, #tpu.memory_space<vmem>>) offsets(%dma_start3A_37 : memref<1000xi32, #tpu.memory_space<vmem>>) semaphore(%arg11 : memref<!tpu.dma_semaphore, #tpu.memory_space<semaphore_mem>>)
    %dma_wait3A_41 = arith.constant 1 : i32
    %dma_wait3A_42 = arith.constant 0 : i32
    %dma_wait3A_43 = tpu.memref_slice %arg7[%dma_wait3A_41, %dma_wait3A_42] : memref<10x1000xi32, #tpu.memory_space<vmem>> -> memref<1x1000xi32, #tpu.memory_space<vmem>>
    %dma_wait3A_44 = tpu.memref_squeeze %dma_wait3A_43 : memref<1x1000xi32, #tpu.memory_space<vmem>> -> memref<1000xi32, #tpu.memory_space<vmem>>
    %dma_wait3A_45 = arith.constant 0 : i32
    %dma_wait3A_46 = arith.constant 0 : i32
    %dma_wait3A_47 = tpu.memref_slice %arg13[%dma_wait3A_45, %dma_wait3A_46] : memref<10240x16xf32, #tpu.memory_space<vmem_shared>> -> memref<10240x16xf32, #tpu.memory_space<vmem_shared>>
    tpu.wait_indirect_dma semaphore(%arg12 : memref<!tpu.dma_semaphore, #tpu.memory_space<semaphore_mem>>) src(%dma_wait3A_47 : memref<10240x16xf32, #tpu.memory_space<vmem_shared>>) dst(%arg10 : memref<1000x16xf32, #tpu.memory_space<vmem>>)
    %run_scoped3A_48 = arith.constant 1 : i32
    "tpu.region"() ({
      %run_scoped3A_167 = tpu.sem_alloc : memref<!tpu.dma_semaphore, #tpu.memory_space<semaphore_mem>>
      %dma_start3A_168 = arith.constant 0 : i32
      %dma_start3A_169 = tpu.memref_slice %arg8[%run_scoped3A_48, %dma_start3A_168] : memref<10x1000xi32, #tpu.memory_space<vmem>> -> memref<1x1000xi32, #tpu.memory_space<vmem>>
      %dma_start3A_170 = tpu.memref_squeeze %dma_start3A_169 : memref<1x1000xi32, #tpu.memory_space<vmem>> -> memref<1000xi32, #tpu.memory_space<vmem>>
      %dma_start3A_171 = arith.constant 0 : i32
      %dma_start3A_172 = arith.constant 0 : i32
      %dma_start3A_173 = tpu.memref_slice %arg14[%dma_start3A_171, %dma_start3A_172] : memref<10240x16xf32, #tpu.memory_space<vmem_shared>> -> memref<10240x16xf32, #tpu.memory_space<vmem_shared>>
      tpu.enqueue_indirect_dma source(%arg10 : memref<1000x16xf32, #tpu.memory_space<vmem>>) target(%dma_start3A_173 : memref<10240x16xf32, #tpu.memory_space<vmem_shared>>) offsets(%dma_start3A_170 : memref<1000xi32, #tpu.memory_space<vmem>>) semaphore(%run_scoped3A_167 : memref<!tpu.dma_semaphore, #tpu.memory_space<semaphore_mem>>) {add = true}
      %dma_wait3A_174 = arith.constant 0 : i32
      %dma_wait3A_175 = tpu.memref_slice %arg8[%run_scoped3A_48, %dma_wait3A_174] : memref<10x1000xi32, #tpu.memory_space<vmem>> -> memref<1x1000xi32, #tpu.memory_space<vmem>>
      %dma_wait3A_176 = tpu.memref_squeeze %dma_wait3A_175 : memref<1x1000xi32, #tpu.memory_space<vmem>> -> memref<1000xi32, #tpu.memory_space<vmem>>
      %dma_wait3A_177 = arith.constant 0 : i32
      %dma_wait3A_178 = arith.constant 0 : i32
      %dma_wait3A_179 = tpu.memref_slice %arg14[%dma_wait3A_177, %dma_wait3A_178] : memref<10240x16xf32, #tpu.memory_space<vmem_shared>> -> memref<10240x16xf32, #tpu.memory_space<vmem_shared>>
      tpu.wait_indirect_dma semaphore(%run_scoped3A_167 : memref<!tpu.dma_semaphore, #tpu.memory_space<semaphore_mem>>) src(%arg10 : memref<1000x16xf32, #tpu.memory_space<vmem>>) dst(%dma_wait3A_179 : memref<10240x16xf32, #tpu.memory_space<vmem_shared>>)
      tpu.yield
    }) : () -> ()
    %dma_start3A_49 = arith.constant 3 : i32
    %dma_start3A_50 = arith.constant 0 : i32
    %dma_start3A_51 = tpu.memref_slice %arg7[%dma_start3A_49, %dma_start3A_50] : memref<10x1000xi32, #tpu.memory_space<vmem>> -> memref<1x1000xi32, #tpu.memory_space<vmem>>
    %dma_start3A_52 = tpu.memref_squeeze %dma_start3A_51 : memref<1x1000xi32, #tpu.memory_space<vmem>> -> memref<1000xi32, #tpu.memory_space<vmem>>
    %dma_start3A_53 = arith.constant 0 : i32
    %dma_start3A_54 = arith.constant 0 : i32
    %dma_start3A_55 = tpu.memref_slice %arg13[%dma_start3A_53, %dma_start3A_54] : memref<10240x16xf32, #tpu.memory_space<vmem_shared>> -> memref<10240x16xf32, #tpu.memory_space<vmem_shared>>
    tpu.enqueue_indirect_dma source(%dma_start3A_55 : memref<10240x16xf32, #tpu.memory_space<vmem_shared>>) target(%arg10 : memref<1000x16xf32, #tpu.memory_space<vmem>>) offsets(%dma_start3A_52 : memref<1000xi32, #tpu.memory_space<vmem>>) semaphore(%arg12 : memref<!tpu.dma_semaphore, #tpu.memory_space<semaphore_mem>>)
    %dma_wait3A_56 = arith.constant 2 : i32
    %dma_wait3A_57 = arith.constant 0 : i32
    %dma_wait3A_58 = tpu.memref_slice %arg7[%dma_wait3A_56, %dma_wait3A_57] : memref<10x1000xi32, #tpu.memory_space<vmem>> -> memref<1x1000xi32, #tpu.memory_space<vmem>>
    %dma_wait3A_59 = tpu.memref_squeeze %dma_wait3A_58 : memref<1x1000xi32, #tpu.memory_space<vmem>> -> memref<1000xi32, #tpu.memory_space<vmem>>
    %dma_wait3A_60 = arith.constant 0 : i32
    %dma_wait3A_61 = arith.constant 0 : i32
    %dma_wait3A_62 = tpu.memref_slice %arg13[%dma_wait3A_60, %dma_wait3A_61] : memref<10240x16xf32, #tpu.memory_space<vmem_shared>> -> memref<10240x16xf32, #tpu.memory_space<vmem_shared>>
    tpu.wait_indirect_dma semaphore(%arg11 : memref<!tpu.dma_semaphore, #tpu.memory_space<semaphore_mem>>) src(%dma_wait3A_62 : memref<10240x16xf32, #tpu.memory_space<vmem_shared>>) dst(%arg9 : memref<1000x16xf32, #tpu.memory_space<vmem>>)
    %run_scoped3A_63 = arith.constant 2 : i32
    "tpu.region"() ({
      %run_scoped3A_167 = tpu.sem_alloc : memref<!tpu.dma_semaphore, #tpu.memory_space<semaphore_mem>>
      %dma_start3A_168 = arith.constant 0 : i32
      %dma_start3A_169 = tpu.memref_slice %arg8[%run_scoped3A_63, %dma_start3A_168] : memref<10x1000xi32, #tpu.memory_space<vmem>> -> memref<1x1000xi32, #tpu.memory_space<vmem>>
      %dma_start3A_170 = tpu.memref_squeeze %dma_start3A_169 : memref<1x1000xi32, #tpu.memory_space<vmem>> -> memref<1000xi32, #tpu.memory_space<vmem>>
      %dma_start3A_171 = arith.constant 0 : i32
      %dma_start3A_172 = arith.constant 0 : i32
      %dma_start3A_173 = tpu.memref_slice %arg14[%dma_start3A_171, %dma_start3A_172] : memref<10240x16xf32, #tpu.memory_space<vmem_shared>> -> memref<10240x16xf32, #tpu.memory_space<vmem_shared>>
      tpu.enqueue_indirect_dma source(%arg9 : memref<1000x16xf32, #tpu.memory_space<vmem>>) target(%dma_start3A_173 : memref<10240x16xf32, #tpu.memory_space<vmem_shared>>) offsets(%dma_start3A_170 : memref<1000xi32, #tpu.memory_space<vmem>>) semaphore(%run_scoped3A_167 : memref<!tpu.dma_semaphore, #tpu.memory_space<semaphore_mem>>) {add = true}
      %dma_wait3A_174 = arith.constant 0 : i32
      %dma_wait3A_175 = tpu.memref_slice %arg8[%run_scoped3A_63, %dma_wait3A_174] : memref<10x1000xi32, #tpu.memory_space<vmem>> -> memref<1x1000xi32, #tpu.memory_space<vmem>>
      %dma_wait3A_176 = tpu.memref_squeeze %dma_wait3A_175 : memref<1x1000xi32, #tpu.memory_space<vmem>> -> memref<1000xi32, #tpu.memory_space<vmem>>
      %dma_wait3A_177 = arith.constant 0 : i32
      %dma_wait3A_178 = arith.constant 0 : i32
      %dma_wait3A_179 = tpu.memref_slice %arg14[%dma_wait3A_177, %dma_wait3A_178] : memref<10240x16xf32, #tpu.memory_space<vmem_shared>> -> memref<10240x16xf32, #tpu.memory_space<vmem_shared>>
      tpu.wait_indirect_dma semaphore(%run_scoped3A_167 : memref<!tpu.dma_semaphore, #tpu.memory_space<semaphore_mem>>) src(%arg9 : memref<1000x16xf32, #tpu.memory_space<vmem>>) dst(%dma_wait3A_179 : memref<10240x16xf32, #tpu.memory_space<vmem_shared>>)
      tpu.yield
    }) : () -> ()
    %dma_start3A_64 = arith.constant 4 : i32
    %dma_start3A_65 = arith.constant 0 : i32
    %dma_start3A_66 = tpu.memref_slice %arg7[%dma_start3A_64, %dma_start3A_65] : memref<10x1000xi32, #tpu.memory_space<vmem>> -> memref<1x1000xi32, #tpu.memory_space<vmem>>
    %dma_start3A_67 = tpu.memref_squeeze %dma_start3A_66 : memref<1x1000xi32, #tpu.memory_space<vmem>> -> memref<1000xi32, #tpu.memory_space<vmem>>
    %dma_start3A_68 = arith.constant 0 : i32
    %dma_start3A_69 = arith.constant 0 : i32
    %dma_start3A_70 = tpu.memref_slice %arg13[%dma_start3A_68, %dma_start3A_69] : memref<10240x16xf32, #tpu.memory_space<vmem_shared>> -> memref<10240x16xf32, #tpu.memory_space<vmem_shared>>
    tpu.enqueue_indirect_dma source(%dma_start3A_70 : memref<10240x16xf32, #tpu.memory_space<vmem_shared>>) target(%arg9 : memref<1000x16xf32, #tpu.memory_space<vmem>>) offsets(%dma_start3A_67 : memref<1000xi32, #tpu.memory_space<vmem>>) semaphore(%arg11 : memref<!tpu.dma_semaphore, #tpu.memory_space<semaphore_mem>>)
    %dma_wait3A_71 = arith.constant 3 : i32
    %dma_wait3A_72 = arith.constant 0 : i32
    %dma_wait3A_73 = tpu.memref_slice %arg7[%dma_wait3A_71, %dma_wait3A_72] : memref<10x1000xi32, #tpu.memory_space<vmem>> -> memref<1x1000xi32, #tpu.memory_space<vmem>>
    %dma_wait3A_74 = tpu.memref_squeeze %dma_wait3A_73 : memref<1x1000xi32, #tpu.memory_space<vmem>> -> memref<1000xi32, #tpu.memory_space<vmem>>
    %dma_wait3A_75 = arith.constant 0 : i32
    %dma_wait3A_76 = arith.constant 0 : i32
    %dma_wait3A_77 = tpu.memref_slice %arg13[%dma_wait3A_75, %dma_wait3A_76] : memref<10240x16xf32, #tpu.memory_space<vmem_shared>> -> memref<10240x16xf32, #tpu.memory_space<vmem_shared>>
    tpu.wait_indirect_dma semaphore(%arg12 : memref<!tpu.dma_semaphore, #tpu.memory_space<semaphore_mem>>) src(%dma_wait3A_77 : memref<10240x16xf32, #tpu.memory_space<vmem_shared>>) dst(%arg10 : memref<1000x16xf32, #tpu.memory_space<vmem>>)
    %run_scoped3A_78 = arith.constant 3 : i32
    "tpu.region"() ({
      %run_scoped3A_167 = tpu.sem_alloc : memref<!tpu.dma_semaphore, #tpu.memory_space<semaphore_mem>>
      %dma_start3A_168 = arith.constant 0 : i32
      %dma_start3A_169 = tpu.memref_slice %arg8[%run_scoped3A_78, %dma_start3A_168] : memref<10x1000xi32, #tpu.memory_space<vmem>> -> memref<1x1000xi32, #tpu.memory_space<vmem>>
      %dma_start3A_170 = tpu.memref_squeeze %dma_start3A_169 : memref<1x1000xi32, #tpu.memory_space<vmem>> -> memref<1000xi32, #tpu.memory_space<vmem>>
      %dma_start3A_171 = arith.constant 0 : i32
      %dma_start3A_172 = arith.constant 0 : i32
      %dma_start3A_173 = tpu.memref_slice %arg14[%dma_start3A_171, %dma_start3A_172] : memref<10240x16xf32, #tpu.memory_space<vmem_shared>> -> memref<10240x16xf32, #tpu.memory_space<vmem_shared>>
      tpu.enqueue_indirect_dma source(%arg10 : memref<1000x16xf32, #tpu.memory_space<vmem>>) target(%dma_start3A_173 : memref<10240x16xf32, #tpu.memory_space<vmem_shared>>) offsets(%dma_start3A_170 : memref<1000xi32, #tpu.memory_space<vmem>>) semaphore(%run_scoped3A_167 : memref<!tpu.dma_semaphore, #tpu.memory_space<semaphore_mem>>) {add = true}
      %dma_wait3A_174 = arith.constant 0 : i32
      %dma_wait3A_175 = tpu.memref_slice %arg8[%run_scoped3A_78, %dma_wait3A_174] : memref<10x1000xi32, #tpu.memory_space<vmem>> -> memref<1x1000xi32, #tpu.memory_space<vmem>>
      %dma_wait3A_176 = tpu.memref_squeeze %dma_wait3A_175 : memref<1x1000xi32, #tpu.memory_space<vmem>> -> memref<1000xi32, #tpu.memory_space<vmem>>
      %dma_wait3A_177 = arith.constant 0 : i32
      %dma_wait3A_178 = arith.constant 0 : i32
      %dma_wait3A_179 = tpu.memref_slice %arg14[%dma_wait3A_177, %dma_wait3A_178] : memref<10240x16xf32, #tpu.memory_space<vmem_shared>> -> memref<10240x16xf32, #tpu.memory_space<vmem_shared>>
      tpu.wait_indirect_dma semaphore(%run_scoped3A_167 : memref<!tpu.dma_semaphore, #tpu.memory_space<semaphore_mem>>) src(%arg10 : memref<1000x16xf32, #tpu.memory_space<vmem>>) dst(%dma_wait3A_179 : memref<10240x16xf32, #tpu.memory_space<vmem_shared>>)
      tpu.yield
    }) : () -> ()
    %dma_start3A_79 = arith.constant 5 : i32
    %dma_start3A_80 = arith.constant 0 : i32
    %dma_start3A_81 = tpu.memref_slice %arg7[%dma_start3A_79, %dma_start3A_80] : memref<10x1000xi32, #tpu.memory_space<vmem>> -> memref<1x1000xi32, #tpu.memory_space<vmem>>
    %dma_start3A_82 = tpu.memref_squeeze %dma_start3A_81 : memref<1x1000xi32, #tpu.memory_space<vmem>> -> memref<1000xi32, #tpu.memory_space<vmem>>
    %dma_start3A_83 = arith.constant 0 : i32
    %dma_start3A_84 = arith.constant 0 : i32
    %dma_start3A_85 = tpu.memref_slice %arg13[%dma_start3A_83, %dma_start3A_84] : memref<10240x16xf32, #tpu.memory_space<vmem_shared>> -> memref<10240x16xf32, #tpu.memory_space<vmem_shared>>
    tpu.enqueue_indirect_dma source(%dma_start3A_85 : memref<10240x16xf32, #tpu.memory_space<vmem_shared>>) target(%arg10 : memref<1000x16xf32, #tpu.memory_space<vmem>>) offsets(%dma_start3A_82 : memref<1000xi32, #tpu.memory_space<vmem>>) semaphore(%arg12 : memref<!tpu.dma_semaphore, #tpu.memory_space<semaphore_mem>>)
    %dma_wait3A_86 = arith.constant 4 : i32
    %dma_wait3A_87 = arith.constant 0 : i32
    %dma_wait3A_88 = tpu.memref_slice %arg7[%dma_wait3A_86, %dma_wait3A_87] : memref<10x1000xi32, #tpu.memory_space<vmem>> -> memref<1x1000xi32, #tpu.memory_space<vmem>>
    %dma_wait3A_89 = tpu.memref_squeeze %dma_wait3A_88 : memref<1x1000xi32, #tpu.memory_space<vmem>> -> memref<1000xi32, #tpu.memory_space<vmem>>
    %dma_wait3A_90 = arith.constant 0 : i32
    %dma_wait3A_91 = arith.constant 0 : i32
    %dma_wait3A_92 = tpu.memref_slice %arg13[%dma_wait3A_90, %dma_wait3A_91] : memref<10240x16xf32, #tpu.memory_space<vmem_shared>> -> memref<10240x16xf32, #tpu.memory_space<vmem_shared>>
    tpu.wait_indirect_dma semaphore(%arg11 : memref<!tpu.dma_semaphore, #tpu.memory_space<semaphore_mem>>) src(%dma_wait3A_92 : memref<10240x16xf32, #tpu.memory_space<vmem_shared>>) dst(%arg9 : memref<1000x16xf32, #tpu.memory_space<vmem>>)
    %run_scoped3A_93 = arith.constant 4 : i32
    "tpu.region"() ({
      %run_scoped3A_167 = tpu.sem_alloc : memref<!tpu.dma_semaphore, #tpu.memory_space<semaphore_mem>>
      %dma_start3A_168 = arith.constant 0 : i32
      %dma_start3A_169 = tpu.memref_slice %arg8[%run_scoped3A_93, %dma_start3A_168] : memref<10x1000xi32, #tpu.memory_space<vmem>> -> memref<1x1000xi32, #tpu.memory_space<vmem>>
      %dma_start3A_170 = tpu.memref_squeeze %dma_start3A_169 : memref<1x1000xi32, #tpu.memory_space<vmem>> -> memref<1000xi32, #tpu.memory_space<vmem>>
      %dma_start3A_171 = arith.constant 0 : i32
      %dma_start3A_172 = arith.constant 0 : i32
      %dma_start3A_173 = tpu.memref_slice %arg14[%dma_start3A_171, %dma_start3A_172] : memref<10240x16xf32, #tpu.memory_space<vmem_shared>> -> memref<10240x16xf32, #tpu.memory_space<vmem_shared>>
      tpu.enqueue_indirect_dma source(%arg9 : memref<1000x16xf32, #tpu.memory_space<vmem>>) target(%dma_start3A_173 : memref<10240x16xf32, #tpu.memory_space<vmem_shared>>) offsets(%dma_start3A_170 : memref<1000xi32, #tpu.memory_space<vmem>>) semaphore(%run_scoped3A_167 : memref<!tpu.dma_semaphore, #tpu.memory_space<semaphore_mem>>) {add = true}
      %dma_wait3A_174 = arith.constant 0 : i32
      %dma_wait3A_175 = tpu.memref_slice %arg8[%run_scoped3A_93, %dma_wait3A_174] : memref<10x1000xi32, #tpu.memory_space<vmem>> -> memref<1x1000xi32, #tpu.memory_space<vmem>>
      %dma_wait3A_176 = tpu.memref_squeeze %dma_wait3A_175 : memref<1x1000xi32, #tpu.memory_space<vmem>> -> memref<1000xi32, #tpu.memory_space<vmem>>
      %dma_wait3A_177 = arith.constant 0 : i32
      %dma_wait3A_178 = arith.constant 0 : i32
      %dma_wait3A_179 = tpu.memref_slice %arg14[%dma_wait3A_177, %dma_wait3A_178] : memref<10240x16xf32, #tpu.memory_space<vmem_shared>> -> memref<10240x16xf32, #tpu.memory_space<vmem_shared>>
      tpu.wait_indirect_dma semaphore(%run_scoped3A_167 : memref<!tpu.dma_semaphore, #tpu.memory_space<semaphore_mem>>) src(%arg9 : memref<1000x16xf32, #tpu.memory_space<vmem>>) dst(%dma_wait3A_179 : memref<10240x16xf32, #tpu.memory_space<vmem_shared>>)
      tpu.yield
    }) : () -> ()
    %dma_start3A_94 = arith.constant 6 : i32
    %dma_start3A_95 = arith.constant 0 : i32
    %dma_start3A_96 = tpu.memref_slice %arg7[%dma_start3A_94, %dma_start3A_95] : memref<10x1000xi32, #tpu.memory_space<vmem>> -> memref<1x1000xi32, #tpu.memory_space<vmem>>
    %dma_start3A_97 = tpu.memref_squeeze %dma_start3A_96 : memref<1x1000xi32, #tpu.memory_space<vmem>> -> memref<1000xi32, #tpu.memory_space<vmem>>
    %dma_start3A_98 = arith.constant 0 : i32
    %dma_start3A_99 = arith.constant 0 : i32
    %dma_start3A_100 = tpu.memref_slice %arg13[%dma_start3A_98, %dma_start3A_99] : memref<10240x16xf32, #tpu.memory_space<vmem_shared>> -> memref<10240x16xf32, #tpu.memory_space<vmem_shared>>
    tpu.enqueue_indirect_dma source(%dma_start3A_100 : memref<10240x16xf32, #tpu.memory_space<vmem_shared>>) target(%arg9 : memref<1000x16xf32, #tpu.memory_space<vmem>>) offsets(%dma_start3A_97 : memref<1000xi32, #tpu.memory_space<vmem>>) semaphore(%arg11 : memref<!tpu.dma_semaphore, #tpu.memory_space<semaphore_mem>>)
    %dma_wait3A_101 = arith.constant 5 : i32
    %dma_wait3A_102 = arith.constant 0 : i32
    %dma_wait3A_103 = tpu.memref_slice %arg7[%dma_wait3A_101, %dma_wait3A_102] : memref<10x1000xi32, #tpu.memory_space<vmem>> -> memref<1x1000xi32, #tpu.memory_space<vmem>>
    %dma_wait3A_104 = tpu.memref_squeeze %dma_wait3A_103 : memref<1x1000xi32, #tpu.memory_space<vmem>> -> memref<1000xi32, #tpu.memory_space<vmem>>
    %dma_wait3A_105 = arith.constant 0 : i32
    %dma_wait3A_106 = arith.constant 0 : i32
    %dma_wait3A_107 = tpu.memref_slice %arg13[%dma_wait3A_105, %dma_wait3A_106] : memref<10240x16xf32, #tpu.memory_space<vmem_shared>> -> memref<10240x16xf32, #tpu.memory_space<vmem_shared>>
    tpu.wait_indirect_dma semaphore(%arg12 : memref<!tpu.dma_semaphore, #tpu.memory_space<semaphore_mem>>) src(%dma_wait3A_107 : memref<10240x16xf32, #tpu.memory_space<vmem_shared>>) dst(%arg10 : memref<1000x16xf32, #tpu.memory_space<vmem>>)
    %run_scoped3A_108 = arith.constant 5 : i32
    "tpu.region"() ({
      %run_scoped3A_167 = tpu.sem_alloc : memref<!tpu.dma_semaphore, #tpu.memory_space<semaphore_mem>>
      %dma_start3A_168 = arith.constant 0 : i32
      %dma_start3A_169 = tpu.memref_slice %arg8[%run_scoped3A_108, %dma_start3A_168] : memref<10x1000xi32, #tpu.memory_space<vmem>> -> memref<1x1000xi32, #tpu.memory_space<vmem>>
      %dma_start3A_170 = tpu.memref_squeeze %dma_start3A_169 : memref<1x1000xi32, #tpu.memory_space<vmem>> -> memref<1000xi32, #tpu.memory_space<vmem>>
      %dma_start3A_171 = arith.constant 0 : i32
      %dma_start3A_172 = arith.constant 0 : i32
      %dma_start3A_173 = tpu.memref_slice %arg14[%dma_start3A_171, %dma_start3A_172] : memref<10240x16xf32, #tpu.memory_space<vmem_shared>> -> memref<10240x16xf32, #tpu.memory_space<vmem_shared>>
      tpu.enqueue_indirect_dma source(%arg10 : memref<1000x16xf32, #tpu.memory_space<vmem>>) target(%dma_start3A_173 : memref<10240x16xf32, #tpu.memory_space<vmem_shared>>) offsets(%dma_start3A_170 : memref<1000xi32, #tpu.memory_space<vmem>>) semaphore(%run_scoped3A_167 : memref<!tpu.dma_semaphore, #tpu.memory_space<semaphore_mem>>) {add = true}
      %dma_wait3A_174 = arith.constant 0 : i32
      %dma_wait3A_175 = tpu.memref_slice %arg8[%run_scoped3A_108, %dma_wait3A_174] : memref<10x1000xi32, #tpu.memory_space<vmem>> -> memref<1x1000xi32, #tpu.memory_space<vmem>>
      %dma_wait3A_176 = tpu.memref_squeeze %dma_wait3A_175 : memref<1x1000xi32, #tpu.memory_space<vmem>> -> memref<1000xi32, #tpu.memory_space<vmem>>
      %dma_wait3A_177 = arith.constant 0 : i32
      %dma_wait3A_178 = arith.constant 0 : i32
      %dma_wait3A_179 = tpu.memref_slice %arg14[%dma_wait3A_177, %dma_wait3A_178] : memref<10240x16xf32, #tpu.memory_space<vmem_shared>> -> memref<10240x16xf32, #tpu.memory_space<vmem_shared>>
      tpu.wait_indirect_dma semaphore(%run_scoped3A_167 : memref<!tpu.dma_semaphore, #tpu.memory_space<semaphore_mem>>) src(%arg10 : memref<1000x16xf32, #tpu.memory_space<vmem>>) dst(%dma_wait3A_179 : memref<10240x16xf32, #tpu.memory_space<vmem_shared>>)
      tpu.yield
    }) : () -> ()
    %dma_start3A_109 = arith.constant 7 : i32
    %dma_start3A_110 = arith.constant 0 : i32
    %dma_start3A_111 = tpu.memref_slice %arg7[%dma_start3A_109, %dma_start3A_110] : memref<10x1000xi32, #tpu.memory_space<vmem>> -> memref<1x1000xi32, #tpu.memory_space<vmem>>
    %dma_start3A_112 = tpu.memref_squeeze %dma_start3A_111 : memref<1x1000xi32, #tpu.memory_space<vmem>> -> memref<1000xi32, #tpu.memory_space<vmem>>
    %dma_start3A_113 = arith.constant 0 : i32
    %dma_start3A_114 = arith.constant 0 : i32
    %dma_start3A_115 = tpu.memref_slice %arg13[%dma_start3A_113, %dma_start3A_114] : memref<10240x16xf32, #tpu.memory_space<vmem_shared>> -> memref<10240x16xf32, #tpu.memory_space<vmem_shared>>
    tpu.enqueue_indirect_dma source(%dma_start3A_115 : memref<10240x16xf32, #tpu.memory_space<vmem_shared>>) target(%arg10 : memref<1000x16xf32, #tpu.memory_space<vmem>>) offsets(%dma_start3A_112 : memref<1000xi32, #tpu.memory_space<vmem>>) semaphore(%arg12 : memref<!tpu.dma_semaphore, #tpu.memory_space<semaphore_mem>>)
    %dma_wait3A_116 = arith.constant 6 : i32
    %dma_wait3A_117 = arith.constant 0 : i32
    %dma_wait3A_118 = tpu.memref_slice %arg7[%dma_wait3A_116, %dma_wait3A_117] : memref<10x1000xi32, #tpu.memory_space<vmem>> -> memref<1x1000xi32, #tpu.memory_space<vmem>>
    %dma_wait3A_119 = tpu.memref_squeeze %dma_wait3A_118 : memref<1x1000xi32, #tpu.memory_space<vmem>> -> memref<1000xi32, #tpu.memory_space<vmem>>
    %dma_wait3A_120 = arith.constant 0 : i32
    %dma_wait3A_121 = arith.constant 0 : i32
    %dma_wait3A_122 = tpu.memref_slice %arg13[%dma_wait3A_120, %dma_wait3A_121] : memref<10240x16xf32, #tpu.memory_space<vmem_shared>> -> memref<10240x16xf32, #tpu.memory_space<vmem_shared>>
    tpu.wait_indirect_dma semaphore(%arg11 : memref<!tpu.dma_semaphore, #tpu.memory_space<semaphore_mem>>) src(%dma_wait3A_122 : memref<10240x16xf32, #tpu.memory_space<vmem_shared>>) dst(%arg9 : memref<1000x16xf32, #tpu.memory_space<vmem>>)
    %run_scoped3A_123 = arith.constant 6 : i32
    "tpu.region"() ({
      %run_scoped3A_167 = tpu.sem_alloc : memref<!tpu.dma_semaphore, #tpu.memory_space<semaphore_mem>>
      %dma_start3A_168 = arith.constant 0 : i32
      %dma_start3A_169 = tpu.memref_slice %arg8[%run_scoped3A_123, %dma_start3A_168] : memref<10x1000xi32, #tpu.memory_space<vmem>> -> memref<1x1000xi32, #tpu.memory_space<vmem>>
      %dma_start3A_170 = tpu.memref_squeeze %dma_start3A_169 : memref<1x1000xi32, #tpu.memory_space<vmem>> -> memref<1000xi32, #tpu.memory_space<vmem>>
      %dma_start3A_171 = arith.constant 0 : i32
      %dma_start3A_172 = arith.constant 0 : i32
      %dma_start3A_173 = tpu.memref_slice %arg14[%dma_start3A_171, %dma_start3A_172] : memref<10240x16xf32, #tpu.memory_space<vmem_shared>> -> memref<10240x16xf32, #tpu.memory_space<vmem_shared>>
      tpu.enqueue_indirect_dma source(%arg9 : memref<1000x16xf32, #tpu.memory_space<vmem>>) target(%dma_start3A_173 : memref<10240x16xf32, #tpu.memory_space<vmem_shared>>) offsets(%dma_start3A_170 : memref<1000xi32, #tpu.memory_space<vmem>>) semaphore(%run_scoped3A_167 : memref<!tpu.dma_semaphore, #tpu.memory_space<semaphore_mem>>) {add = true}
      %dma_wait3A_174 = arith.constant 0 : i32
      %dma_wait3A_175 = tpu.memref_slice %arg8[%run_scoped3A_123, %dma_wait3A_174] : memref<10x1000xi32, #tpu.memory_space<vmem>> -> memref<1x1000xi32, #tpu.memory_space<vmem>>
      %dma_wait3A_176 = tpu.memref_squeeze %dma_wait3A_175 : memref<1x1000xi32, #tpu.memory_space<vmem>> -> memref<1000xi32, #tpu.memory_space<vmem>>
      %dma_wait3A_177 = arith.constant 0 : i32
      %dma_wait3A_178 = arith.constant 0 : i32
      %dma_wait3A_179 = tpu.memref_slice %arg14[%dma_wait3A_177, %dma_wait3A_178] : memref<10240x16xf32, #tpu.memory_space<vmem_shared>> -> memref<10240x16xf32, #tpu.memory_space<vmem_shared>>
      tpu.wait_indirect_dma semaphore(%run_scoped3A_167 : memref<!tpu.dma_semaphore, #tpu.memory_space<semaphore_mem>>) src(%arg9 : memref<1000x16xf32, #tpu.memory_space<vmem>>) dst(%dma_wait3A_179 : memref<10240x16xf32, #tpu.memory_space<vmem_shared>>)
      tpu.yield
    }) : () -> ()
    %dma_start3A_124 = arith.constant 8 : i32
    %dma_start3A_125 = arith.constant 0 : i32
    %dma_start3A_126 = tpu.memref_slice %arg7[%dma_start3A_124, %dma_start3A_125] : memref<10x1000xi32, #tpu.memory_space<vmem>> -> memref<1x1000xi32, #tpu.memory_space<vmem>>
    %dma_start3A_127 = tpu.memref_squeeze %dma_start3A_126 : memref<1x1000xi32, #tpu.memory_space<vmem>> -> memref<1000xi32, #tpu.memory_space<vmem>>
    %dma_start3A_128 = arith.constant 0 : i32
    %dma_start3A_129 = arith.constant 0 : i32
    %dma_start3A_130 = tpu.memref_slice %arg13[%dma_start3A_128, %dma_start3A_129] : memref<10240x16xf32, #tpu.memory_space<vmem_shared>> -> memref<10240x16xf32, #tpu.memory_space<vmem_shared>>
    tpu.enqueue_indirect_dma source(%dma_start3A_130 : memref<10240x16xf32, #tpu.memory_space<vmem_shared>>) target(%arg9 : memref<1000x16xf32, #tpu.memory_space<vmem>>) offsets(%dma_start3A_127 : memref<1000xi32, #tpu.memory_space<vmem>>) semaphore(%arg11 : memref<!tpu.dma_semaphore, #tpu.memory_space<semaphore_mem>>)
    %dma_wait3A_131 = arith.constant 7 : i32
    %dma_wait3A_132 = arith.constant 0 : i32
    %dma_wait3A_133 = tpu.memref_slice %arg7[%dma_wait3A_131, %dma_wait3A_132] : memref<10x1000xi32, #tpu.memory_space<vmem>> -> memref<1x1000xi32, #tpu.memory_space<vmem>>
    %dma_wait3A_134 = tpu.memref_squeeze %dma_wait3A_133 : memref<1x1000xi32, #tpu.memory_space<vmem>> -> memref<1000xi32, #tpu.memory_space<vmem>>
    %dma_wait3A_135 = arith.constant 0 : i32
    %dma_wait3A_136 = arith.constant 0 : i32
    %dma_wait3A_137 = tpu.memref_slice %arg13[%dma_wait3A_135, %dma_wait3A_136] : memref<10240x16xf32, #tpu.memory_space<vmem_shared>> -> memref<10240x16xf32, #tpu.memory_space<vmem_shared>>
    tpu.wait_indirect_dma semaphore(%arg12 : memref<!tpu.dma_semaphore, #tpu.memory_space<semaphore_mem>>) src(%dma_wait3A_137 : memref<10240x16xf32, #tpu.memory_space<vmem_shared>>) dst(%arg10 : memref<1000x16xf32, #tpu.memory_space<vmem>>)
    %run_scoped3A_138 = arith.constant 7 : i32
    "tpu.region"() ({
      %run_scoped3A_167 = tpu.sem_alloc : memref<!tpu.dma_semaphore, #tpu.memory_space<semaphore_mem>>
      %dma_start3A_168 = arith.constant 0 : i32
      %dma_start3A_169 = tpu.memref_slice %arg8[%run_scoped3A_138, %dma_start3A_168] : memref<10x1000xi32, #tpu.memory_space<vmem>> -> memref<1x1000xi32, #tpu.memory_space<vmem>>
      %dma_start3A_170 = tpu.memref_squeeze %dma_start3A_169 : memref<1x1000xi32, #tpu.memory_space<vmem>> -> memref<1000xi32, #tpu.memory_space<vmem>>
      %dma_start3A_171 = arith.constant 0 : i32
      %dma_start3A_172 = arith.constant 0 : i32
      %dma_start3A_173 = tpu.memref_slice %arg14[%dma_start3A_171, %dma_start3A_172] : memref<10240x16xf32, #tpu.memory_space<vmem_shared>> -> memref<10240x16xf32, #tpu.memory_space<vmem_shared>>
      tpu.enqueue_indirect_dma source(%arg10 : memref<1000x16xf32, #tpu.memory_space<vmem>>) target(%dma_start3A_173 : memref<10240x16xf32, #tpu.memory_space<vmem_shared>>) offsets(%dma_start3A_170 : memref<1000xi32, #tpu.memory_space<vmem>>) semaphore(%run_scoped3A_167 : memref<!tpu.dma_semaphore, #tpu.memory_space<semaphore_mem>>) {add = true}
      %dma_wait3A_174 = arith.constant 0 : i32
      %dma_wait3A_175 = tpu.memref_slice %arg8[%run_scoped3A_138, %dma_wait3A_174] : memref<10x1000xi32, #tpu.memory_space<vmem>> -> memref<1x1000xi32, #tpu.memory_space<vmem>>
      %dma_wait3A_176 = tpu.memref_squeeze %dma_wait3A_175 : memref<1x1000xi32, #tpu.memory_space<vmem>> -> memref<1000xi32, #tpu.memory_space<vmem>>
      %dma_wait3A_177 = arith.constant 0 : i32
      %dma_wait3A_178 = arith.constant 0 : i32
      %dma_wait3A_179 = tpu.memref_slice %arg14[%dma_wait3A_177, %dma_wait3A_178] : memref<10240x16xf32, #tpu.memory_space<vmem_shared>> -> memref<10240x16xf32, #tpu.memory_space<vmem_shared>>
      tpu.wait_indirect_dma semaphore(%run_scoped3A_167 : memref<!tpu.dma_semaphore, #tpu.memory_space<semaphore_mem>>) src(%arg10 : memref<1000x16xf32, #tpu.memory_space<vmem>>) dst(%dma_wait3A_179 : memref<10240x16xf32, #tpu.memory_space<vmem_shared>>)
      tpu.yield
    }) : () -> ()
    %dma_start3A_139 = arith.constant 9 : i32
    %dma_start3A_140 = arith.constant 0 : i32
    %dma_start3A_141 = tpu.memref_slice %arg7[%dma_start3A_139, %dma_start3A_140] : memref<10x1000xi32, #tpu.memory_space<vmem>> -> memref<1x1000xi32, #tpu.memory_space<vmem>>
    %dma_start3A_142 = tpu.memref_squeeze %dma_start3A_141 : memref<1x1000xi32, #tpu.memory_space<vmem>> -> memref<1000xi32, #tpu.memory_space<vmem>>
    %dma_start3A_143 = arith.constant 0 : i32
    %dma_start3A_144 = arith.constant 0 : i32
    %dma_start3A_145 = tpu.memref_slice %arg13[%dma_start3A_143, %dma_start3A_144] : memref<10240x16xf32, #tpu.memory_space<vmem_shared>> -> memref<10240x16xf32, #tpu.memory_space<vmem_shared>>
    tpu.enqueue_indirect_dma source(%dma_start3A_145 : memref<10240x16xf32, #tpu.memory_space<vmem_shared>>) target(%arg10 : memref<1000x16xf32, #tpu.memory_space<vmem>>) offsets(%dma_start3A_142 : memref<1000xi32, #tpu.memory_space<vmem>>) semaphore(%arg12 : memref<!tpu.dma_semaphore, #tpu.memory_space<semaphore_mem>>)
    %dma_wait3A_146 = arith.constant 8 : i32
    %dma_wait3A_147 = arith.constant 0 : i32
    %dma_wait3A_148 = tpu.memref_slice %arg7[%dma_wait3A_146, %dma_wait3A_147] : memref<10x1000xi32, #tpu.memory_space<vmem>> -> memref<1x1000xi32, #tpu.memory_space<vmem>>
    %dma_wait3A_149 = tpu.memref_squeeze %dma_wait3A_148 : memref<1x1000xi32, #tpu.memory_space<vmem>> -> memref<1000xi32, #tpu.memory_space<vmem>>
    %dma_wait3A_150 = arith.constant 0 : i32
    %dma_wait3A_151 = arith.constant 0 : i32
    %dma_wait3A_152 = tpu.memref_slice %arg13[%dma_wait3A_150, %dma_wait3A_151] : memref<10240x16xf32, #tpu.memory_space<vmem_shared>> -> memref<10240x16xf32, #tpu.memory_space<vmem_shared>>
    tpu.wait_indirect_dma semaphore(%arg11 : memref<!tpu.dma_semaphore, #tpu.memory_space<semaphore_mem>>) src(%dma_wait3A_152 : memref<10240x16xf32, #tpu.memory_space<vmem_shared>>) dst(%arg9 : memref<1000x16xf32, #tpu.memory_space<vmem>>)
    %run_scoped3A_153 = arith.constant 8 : i32
    "tpu.region"() ({
      %run_scoped3A_167 = tpu.sem_alloc : memref<!tpu.dma_semaphore, #tpu.memory_space<semaphore_mem>>
      %dma_start3A_168 = arith.constant 0 : i32
      %dma_start3A_169 = tpu.memref_slice %arg8[%run_scoped3A_153, %dma_start3A_168] : memref<10x1000xi32, #tpu.memory_space<vmem>> -> memref<1x1000xi32, #tpu.memory_space<vmem>>
      %dma_start3A_170 = tpu.memref_squeeze %dma_start3A_169 : memref<1x1000xi32, #tpu.memory_space<vmem>> -> memref<1000xi32, #tpu.memory_space<vmem>>
      %dma_start3A_171 = arith.constant 0 : i32
      %dma_start3A_172 = arith.constant 0 : i32
      %dma_start3A_173 = tpu.memref_slice %arg14[%dma_start3A_171, %dma_start3A_172] : memref<10240x16xf32, #tpu.memory_space<vmem_shared>> -> memref<10240x16xf32, #tpu.memory_space<vmem_shared>>
      tpu.enqueue_indirect_dma source(%arg9 : memref<1000x16xf32, #tpu.memory_space<vmem>>) target(%dma_start3A_173 : memref<10240x16xf32, #tpu.memory_space<vmem_shared>>) offsets(%dma_start3A_170 : memref<1000xi32, #tpu.memory_space<vmem>>) semaphore(%run_scoped3A_167 : memref<!tpu.dma_semaphore, #tpu.memory_space<semaphore_mem>>) {add = true}
      %dma_wait3A_174 = arith.constant 0 : i32
      %dma_wait3A_175 = tpu.memref_slice %arg8[%run_scoped3A_153, %dma_wait3A_174] : memref<10x1000xi32, #tpu.memory_space<vmem>> -> memref<1x1000xi32, #tpu.memory_space<vmem>>
      %dma_wait3A_176 = tpu.memref_squeeze %dma_wait3A_175 : memref<1x1000xi32, #tpu.memory_space<vmem>> -> memref<1000xi32, #tpu.memory_space<vmem>>
      %dma_wait3A_177 = arith.constant 0 : i32
      %dma_wait3A_178 = arith.constant 0 : i32
      %dma_wait3A_179 = tpu.memref_slice %arg14[%dma_wait3A_177, %dma_wait3A_178] : memref<10240x16xf32, #tpu.memory_space<vmem_shared>> -> memref<10240x16xf32, #tpu.memory_space<vmem_shared>>
      tpu.wait_indirect_dma semaphore(%run_scoped3A_167 : memref<!tpu.dma_semaphore, #tpu.memory_space<semaphore_mem>>) src(%arg9 : memref<1000x16xf32, #tpu.memory_space<vmem>>) dst(%dma_wait3A_179 : memref<10240x16xf32, #tpu.memory_space<vmem_shared>>)
      tpu.yield
    }) : () -> ()
    %dma_wait3A_154 = arith.constant 9 : i32
    %dma_wait3A_155 = arith.constant 0 : i32
    %dma_wait3A_156 = tpu.memref_slice %arg7[%dma_wait3A_154, %dma_wait3A_155] : memref<10x1000xi32, #tpu.memory_space<vmem>> -> memref<1x1000xi32, #tpu.memory_space<vmem>>
    %dma_wait3A_157 = tpu.memref_squeeze %dma_wait3A_156 : memref<1x1000xi32, #tpu.memory_space<vmem>> -> memref<1000xi32, #tpu.memory_space<vmem>>
    %dma_wait3A_158 = arith.constant 0 : i32
    %dma_wait3A_159 = arith.constant 0 : i32
    %dma_wait3A_160 = tpu.memref_slice %arg13[%dma_wait3A_158, %dma_wait3A_159] : memref<10240x16xf32, #tpu.memory_space<vmem_shared>> -> memref<10240x16xf32, #tpu.memory_space<vmem_shared>>
    tpu.wait_indirect_dma semaphore(%arg12 : memref<!tpu.dma_semaphore, #tpu.memory_space<semaphore_mem>>) src(%dma_wait3A_160 : memref<10240x16xf32, #tpu.memory_space<vmem_shared>>) dst(%arg10 : memref<1000x16xf32, #tpu.memory_space<vmem>>)
    %run_scoped3A_161 = arith.constant 9 : i32
    "tpu.region"() ({
      %run_scoped3A_167 = tpu.sem_alloc : memref<!tpu.dma_semaphore, #tpu.memory_space<semaphore_mem>>
      %dma_start3A_168 = arith.constant 0 : i32
      %dma_start3A_169 = tpu.memref_slice %arg8[%run_scoped3A_161, %dma_start3A_168] : memref<10x1000xi32, #tpu.memory_space<vmem>> -> memref<1x1000xi32, #tpu.memory_space<vmem>>
      %dma_start3A_170 = tpu.memref_squeeze %dma_start3A_169 : memref<1x1000xi32, #tpu.memory_space<vmem>> -> memref<1000xi32, #tpu.memory_space<vmem>>
      %dma_start3A_171 = arith.constant 0 : i32
      %dma_start3A_172 = arith.constant 0 : i32
      %dma_start3A_173 = tpu.memref_slice %arg14[%dma_start3A_171, %dma_start3A_172] : memref<10240x16xf32, #tpu.memory_space<vmem_shared>> -> memref<10240x16xf32, #tpu.memory_space<vmem_shared>>
      tpu.enqueue_indirect_dma source(%arg10 : memref<1000x16xf32, #tpu.memory_space<vmem>>) target(%dma_start3A_173 : memref<10240x16xf32, #tpu.memory_space<vmem_shared>>) offsets(%dma_start3A_170 : memref<1000xi32, #tpu.memory_space<vmem>>) semaphore(%run_scoped3A_167 : memref<!tpu.dma_semaphore, #tpu.memory_space<semaphore_mem>>) {add = true}
      %dma_wait3A_174 = arith.constant 0 : i32
      %dma_wait3A_175 = tpu.memref_slice %arg8[%run_scoped3A_161, %dma_wait3A_174] : memref<10x1000xi32, #tpu.memory_space<vmem>> -> memref<1x1000xi32, #tpu.memory_space<vmem>>
      %dma_wait3A_176 = tpu.memref_squeeze %dma_wait3A_175 : memref<1x1000xi32, #tpu.memory_space<vmem>> -> memref<1000xi32, #tpu.memory_space<vmem>>
      %dma_wait3A_177 = arith.constant 0 : i32
      %dma_wait3A_178 = arith.constant 0 : i32
      %dma_wait3A_179 = tpu.memref_slice %arg14[%dma_wait3A_177, %dma_wait3A_178] : memref<10240x16xf32, #tpu.memory_space<vmem_shared>> -> memref<10240x16xf32, #tpu.memory_space<vmem_shared>>
      tpu.wait_indirect_dma semaphore(%run_scoped3A_167 : memref<!tpu.dma_semaphore, #tpu.memory_space<semaphore_mem>>) src(%arg10 : memref<1000x16xf32, #tpu.memory_space<vmem>>) dst(%dma_wait3A_179 : memref<10240x16xf32, #tpu.memory_space<vmem_shared>>)
      tpu.yield
    }) : () -> ()
    %barrier3A_162 = arith.constant 0 : index
    tpu.barrier barrier_id(%barrier3A_162)
    %mul3A_163 = arith.constant 640 : i32
    %mul3A_164 = arith.muli %arg1, %mul3A_163 : i32
    %mul3A_165 = arith.constant 640 : i32
    %mul3A_166 = arith.muli %arg1, %mul3A_165 : i32
    "tpu.region"() ({
      %run_scoped3A_167 = tpu.sem_alloc : memref<!tpu.dma_semaphore, #tpu.memory_space<semaphore_mem>>
      %dma_start3A_168 = arith.constant 0 : i32
      %dma_start3A_169 = arith.constant 0 : i32
      %dma_start3A_170 = tpu.memref_slice %arg5[%arg0, %dma_start3A_168, %dma_start3A_169] : memref<2x10240x16xf32, #tpu.memory_space<hbm>> -> memref<1x10240x16xf32, #tpu.memory_space<hbm>>
      %dma_start3A_171 = tpu.memref_squeeze %dma_start3A_170 : memref<1x10240x16xf32, #tpu.memory_space<hbm>> -> memref<10240x16xf32, #tpu.memory_space<hbm>>
      %dma_start3A_172 = arith.constant 0 : i32
      %dma_start3A_173 = tpu.memref_slice %dma_start3A_171[%mul3A_166, %dma_start3A_172] : memref<10240x16xf32, #tpu.memory_space<hbm>> -> memref<640x16xf32, #tpu.memory_space<hbm>>
      %dma_start3A_174 = arith.constant 0 : i32
      %dma_start3A_175 = tpu.memref_slice %arg14[%mul3A_164, %dma_start3A_174] : memref<10240x16xf32, #tpu.memory_space<vmem_shared>> -> memref<640x16xf32, #tpu.memory_space<vmem_shared>>
      tpu.enqueue_dma source(%dma_start3A_175 : memref<640x16xf32, #tpu.memory_space<vmem_shared>>) target(%dma_start3A_173 : memref<640x16xf32, #tpu.memory_space<hbm>>) target_semaphore(%run_scoped3A_167 : memref<!tpu.dma_semaphore, #tpu.memory_space<semaphore_mem>>)
      %dma_wait3A_176 = arith.constant 0 : i32
      %dma_wait3A_177 = arith.constant 0 : i32
      %dma_wait3A_178 = tpu.memref_slice %arg5[%arg0, %dma_wait3A_176, %dma_wait3A_177] : memref<2x10240x16xf32, #tpu.memory_space<hbm>> -> memref<1x10240x16xf32, #tpu.memory_space<hbm>>
      %dma_wait3A_179 = tpu.memref_squeeze %dma_wait3A_178 : memref<1x10240x16xf32, #tpu.memory_space<hbm>> -> memref<10240x16xf32, #tpu.memory_space<hbm>>
      %dma_wait3A_180 = arith.constant 0 : i32
      %dma_wait3A_181 = tpu.memref_slice %dma_wait3A_179[%mul3A_166, %dma_wait3A_180] : memref<10240x16xf32, #tpu.memory_space<hbm>> -> memref<640x16xf32, #tpu.memory_space<hbm>>
      %dma_wait3A_182 = arith.constant 0 : i32
      %dma_wait3A_183 = tpu.memref_slice %arg14[%mul3A_164, %dma_wait3A_182] : memref<10240x16xf32, #tpu.memory_space<vmem_shared>> -> memref<640x16xf32, #tpu.memory_space<vmem_shared>>
      tpu.wait_dma2 semaphore(%run_scoped3A_167 : memref<!tpu.dma_semaphore, #tpu.memory_space<semaphore_mem>>) src(%dma_wait3A_183 : memref<640x16xf32, #tpu.memory_space<vmem_shared>>) dst(%dma_wait3A_181 : memref<640x16xf32, #tpu.memory_space<hbm>>)
      tpu.yield
    }) : () -> ()
    return
  }
}

module attributes {stable_mosaic.version = 14 : i64} {
  func.func @_mm_body(%arg0: i32, %arg1: memref<2048x128xf32, #tpu.memory_space<vmem>>, %arg2: memref<128x16xf32, #tpu.memory_space<vmem>>, %arg3: memref<2048x16xf32, #tpu.memory_space<vmem>>) attributes {dimension_semantics = [#tpu.dimension_semantics<arbitrary>], iteration_bounds = array<i64: 5>, scalar_prefetch = 0 : i64, scratch_operands = 0 : i64, tpu.core_type = #tpu.core_type<tc>, window_params = [{transform_indices = @transform_0, window_bounds = array<i64: 2048, 128>}, {pipeline_mode = #tpu.pipeline_mode<synchronous>, transform_indices = @transform_1, window_bounds = array<i64: 128, 16>}, {transform_indices = @transform_2, window_bounds = array<i64: 2048, 16>}]} {
    %get3A = arith.constant 0 : index
    %get3A_0 = arith.constant 0 : index
    %get3A_1 = vector.load %arg1[%get3A, %get3A_0] : memref<2048x128xf32, #tpu.memory_space<vmem>>, vector<2048x128xf32>
    %get3A_2 = arith.constant 0 : index
    %get3A_3 = arith.constant 0 : index
    %get3A_4 = vector.load %arg2[%get3A_2, %get3A_3] : memref<128x16xf32, #tpu.memory_space<vmem>>, vector<128x16xf32>
    %dot_general3A = arith.constant dense<0.000000e+00> : vector<2048x16xf32>
    %dot_general3A_5 = tpu.matmul %get3A_1, %get3A_4, %dot_general3A {dimension_numbers = #tpu.dot_dimension_numbers<[1], [0], [0], [1], [0, 0, 1, 1], [], []>, transpose_lhs_hint = false} : vector<2048x128xf32>, vector<128x16xf32>, vector<2048x16xf32> -> vector<2048x16xf32>
    %swap3A = arith.constant 0 : index
    %swap3A_6 = arith.constant 0 : index
    %swap3A_7 = vector.load %arg3[%swap3A, %swap3A_6] : memref<2048x16xf32, #tpu.memory_space<vmem>>, vector<2048x16xf32>
    tpu.vector_store %arg3[%swap3A, %swap3A_6], %dot_general3A_5 {strides = array<i32>} : memref<2048x16xf32, #tpu.memory_space<vmem>>, vector<2048x16xf32>,
    return
  }
  func.func @transform_0(%arg0: i32) -> (i32, i32) {
    %c0_i32 = arith.constant 0 : i32
    %c0_i32_0 = arith.constant 0 : i32
    return %arg0, %c0_i32 : i32, i32
  }
  func.func @transform_1(%arg0: i32) -> (i32, i32) {
    %c0_i32 = arith.constant 0 : i32
    %c0_i32_0 = arith.constant 0 : i32
    %c0_i32_1 = arith.constant 0 : i32
    return %c0_i32, %c0_i32_0 : i32, i32
  }
  func.func @transform_2(%arg0: i32) -> (i32, i32) {
    %c0_i32 = arith.constant 0 : i32
    %c0_i32_0 = arith.constant 0 : i32
    return %arg0, %c0_i32 : i32, i32
  }
}

module attributes {stable_mosaic.version = 14 : i64} {
  func.func @_mid_body(%arg0: i32, %arg1: memref<2x2048x16xf32, #tpu.memory_space<vmem>>, %arg2: memref<1x2048x16xf32, #tpu.memory_space<vmem>>, %arg3: memref<1x2048x16xf32, #tpu.memory_space<vmem>>, %arg4: memref<16x7xf32, #tpu.memory_space<vmem>>, %arg5: memref<16xf32, #tpu.memory_space<vmem>>, %arg6: memref<2048x16xf32, #tpu.memory_space<vmem>>) attributes {dimension_semantics = [#tpu.dimension_semantics<arbitrary>], iteration_bounds = array<i64: 5>, scalar_prefetch = 0 : i64, scratch_operands = 0 : i64, tpu.core_type = #tpu.core_type<tc>, window_params = [{transform_indices = @transform_0, window_bounds = array<i64: 2, 2048, 16>}, {transform_indices = @transform_1, window_bounds = array<i64: 1, 2048, 16>}, {transform_indices = @transform_2, window_bounds = array<i64: 1, 2048, 16>}, {pipeline_mode = #tpu.pipeline_mode<synchronous>, transform_indices = @transform_3, window_bounds = array<i64: 16, 7>}, {pipeline_mode = #tpu.pipeline_mode<synchronous>, transform_indices = @transform_4, window_bounds = array<i64: 16>}, {transform_indices = @transform_5, window_bounds = array<i64: 2048, 16>}]} {
    %get3A = arith.constant 0 : index
    %get3A_0 = arith.constant 0 : index
    %get3A_1 = arith.constant 0 : index
    %get3A_2 = vector.load %arg1[%get3A, %get3A_0, %get3A_1] : memref<2x2048x16xf32, #tpu.memory_space<vmem>>, vector<1x2048x16xf32>
    %get3A_3 = vector.shape_cast %get3A_2 : vector<1x2048x16xf32> to vector<2048x16xf32>
    %get3A_4 = arith.constant 1 : index
    %get3A_5 = arith.constant 0 : index
    %get3A_6 = arith.constant 0 : index
    %get3A_7 = vector.load %arg1[%get3A_4, %get3A_5, %get3A_6] : memref<2x2048x16xf32, #tpu.memory_space<vmem>>, vector<1x2048x16xf32>
    %get3A_8 = vector.shape_cast %get3A_7 : vector<1x2048x16xf32> to vector<2048x16xf32>
    %add3A = arith.addf %get3A_3, %get3A_8 : vector<2048x16xf32>
    %get3A_9 = arith.constant 0 : index
    %get3A_10 = arith.constant 0 : index
    %get3A_11 = arith.constant 0 : index
    %get3A_12 = vector.load %arg2[%get3A_9, %get3A_10, %get3A_11] : memref<1x2048x16xf32, #tpu.memory_space<vmem>>, vector<1x2048x16xf32>
    %get3A_13 = vector.shape_cast %get3A_12 : vector<1x2048x16xf32> to vector<2048x16xf32>
    %add3A_14 = arith.addf %add3A, %get3A_13 : vector<2048x16xf32>
    %get3A_15 = arith.constant 0 : index
    %get3A_16 = arith.constant 0 : index
    %get3A_17 = arith.constant 0 : index
    %get3A_18 = vector.load %arg3[%get3A_15, %get3A_16, %get3A_17] : memref<1x2048x16xf32, #tpu.memory_space<vmem>>, vector<1x2048x16xf32>
    %get3A_19 = vector.shape_cast %get3A_18 : vector<1x2048x16xf32> to vector<2048x16xf32>
    %mul3A = arith.mulf %get3A_19, %add3A_14 : vector<2048x16xf32>
    %get3A_20 = arith.constant 0 : index
    %get3A_21 = vector.load %arg5[%get3A_20] : memref<16xf32, #tpu.memory_space<vmem>>, vector<16xf32>
    %broadcast_in_dim3A = vector.shape_cast %get3A_21 : vector<16xf32> to vector<1x16xf32>
    %add3A_22 = vector.broadcast %broadcast_in_dim3A : vector<1x16xf32> to vector<2048x16xf32>
    %add3A_23 = arith.addf %mul3A, %add3A_22 : vector<2048x16xf32>
    %max3A = arith.constant 0.000000e+00 : f32
    %max3A_24 = vector.broadcast %max3A : f32 to vector<2048x16xf32>
    %max3A_25 = arith.maximumf %add3A_23, %max3A_24 : vector<2048x16xf32>
    %get3A_26 = arith.constant 0 : index
    %get3A_27 = arith.constant 0 : index
    %get3A_28 = vector.load %arg4[%get3A_26, %get3A_27] : memref<16x7xf32, #tpu.memory_space<vmem>>, vector<16x7xf32>
    %dot_general3A = arith.constant dense<0.000000e+00> : vector<2048x7xf32>
    %dot_general3A_29 = tpu.matmul %max3A_25, %get3A_28, %dot_general3A {dimension_numbers = #tpu.dot_dimension_numbers<[1], [0], [0], [1], [0, 0, 1, 1], [], []>, transpose_lhs_hint = false} : vector<2048x16xf32>, vector<16x7xf32>, vector<2048x7xf32> -> vector<2048x7xf32>
    %slice3A = vector.extract_strided_slice %get3A_19 {offsets = [0, 0], sizes = [2048, 7], strides = [1, 1]} : vector<2048x16xf32> to vector<2048x7xf32>
    %mul3A_30 = arith.mulf %dot_general3A_29, %slice3A : vector<2048x7xf32>
    %broadcast_in_dim3A_31 = arith.constant 0.000000e+00 : f32
    %broadcast_in_dim3A_32 = vector.broadcast %broadcast_in_dim3A_31 : f32 to vector<2048x9xf32>
    %concatenate3A = tpu.concatenate %mul3A_30, %broadcast_in_dim3A_32 in 1 : vector<2048x7xf32>, vector<2048x9xf32> -> vector<2048x16xf32>
    %swap3A = arith.constant 0 : index
    %swap3A_33 = arith.constant 0 : index
    %swap3A_34 = vector.load %arg6[%swap3A, %swap3A_33] : memref<2048x16xf32, #tpu.memory_space<vmem>>, vector<2048x16xf32>
    tpu.vector_store %arg6[%swap3A, %swap3A_33], %concatenate3A {strides = array<i32>} : memref<2048x16xf32, #tpu.memory_space<vmem>>, vector<2048x16xf32>,
    return
  }
  func.func @transform_0(%arg0: i32) -> (i32, i32, i32) {
    %c0_i32 = arith.constant 0 : i32
    %c0_i32_0 = arith.constant 0 : i32
    %c0_i32_1 = arith.constant 0 : i32
    return %c0_i32, %arg0, %c0_i32_0 : i32, i32, i32
  }
  func.func @transform_1(%arg0: i32) -> (i32, i32, i32) {
    %c0_i32 = arith.constant 0 : i32
    %c0_i32_0 = arith.constant 0 : i32
    %c0_i32_1 = arith.constant 0 : i32
    return %c0_i32, %arg0, %c0_i32_0 : i32, i32, i32
  }
  func.func @transform_2(%arg0: i32) -> (i32, i32, i32) {
    %c0_i32 = arith.constant 0 : i32
    %c0_i32_0 = arith.constant 0 : i32
    %c0_i32_1 = arith.constant 0 : i32
    return %c0_i32, %arg0, %c0_i32_0 : i32, i32, i32
  }
  func.func @transform_3(%arg0: i32) -> (i32, i32) {
    %c0_i32 = arith.constant 0 : i32
    %c0_i32_0 = arith.constant 0 : i32
    %c0_i32_1 = arith.constant 0 : i32
    return %c0_i32, %c0_i32_0 : i32, i32
  }
  func.func @transform_4(%arg0: i32) -> i32 {
    %c0_i32 = arith.constant 0 : i32
    %c0_i32_0 = arith.constant 0 : i32
    return %c0_i32 : i32
  }
  func.func @transform_5(%arg0: i32) -> (i32, i32) {
    %c0_i32 = arith.constant 0 : i32
    %c0_i32_0 = arith.constant 0 : i32
    return %arg0, %c0_i32 : i32, i32
  }
}

module attributes {stable_mosaic.version = 14 : i64} {
  func.func @_out_body(%arg0: i32, %arg1: memref<2x2048x16xf32, #tpu.memory_space<vmem>>, %arg2: memref<2048x16xf32, #tpu.memory_space<vmem>>, %arg3: memref<1x2048x16xf32, #tpu.memory_space<vmem>>, %arg4: memref<7xf32, #tpu.memory_space<vmem>>, %arg5: memref<2048x7xf32, #tpu.memory_space<vmem>>) attributes {dimension_semantics = [#tpu.dimension_semantics<arbitrary>], iteration_bounds = array<i64: 5>, scalar_prefetch = 0 : i64, scratch_operands = 0 : i64, tpu.core_type = #tpu.core_type<tc>, window_params = [{transform_indices = @transform_0, window_bounds = array<i64: 2, 2048, 16>}, {transform_indices = @transform_1, window_bounds = array<i64: 2048, 16>}, {transform_indices = @transform_2, window_bounds = array<i64: 1, 2048, 16>}, {pipeline_mode = #tpu.pipeline_mode<synchronous>, transform_indices = @transform_3, window_bounds = array<i64: 7>}, {transform_indices = @transform_4, window_bounds = array<i64: 2048, 7>}]} {
    %get3A = arith.constant 0 : index
    %get3A_0 = arith.constant 0 : index
    %get3A_1 = arith.constant 0 : index
    %get3A_2 = vector.load %arg1[%get3A, %get3A_0, %get3A_1] : memref<2x2048x16xf32, #tpu.memory_space<vmem>>, vector<1x2048x16xf32>
    %get3A_3 = vector.shape_cast %get3A_2 : vector<1x2048x16xf32> to vector<2048x16xf32>
    %get3A_4 = arith.constant 1 : index
    %get3A_5 = arith.constant 0 : index
    %get3A_6 = arith.constant 0 : index
    %get3A_7 = vector.load %arg1[%get3A_4, %get3A_5, %get3A_6] : memref<2x2048x16xf32, #tpu.memory_space<vmem>>, vector<1x2048x16xf32>
    %get3A_8 = vector.shape_cast %get3A_7 : vector<1x2048x16xf32> to vector<2048x16xf32>
    %add3A = arith.addf %get3A_3, %get3A_8 : vector<2048x16xf32>
    %get3A_9 = arith.constant 0 : index
    %get3A_10 = arith.constant 0 : index
    %get3A_11 = vector.load %arg2[%get3A_9, %get3A_10] : memref<2048x16xf32, #tpu.memory_space<vmem>>, vector<2048x16xf32>
    %add3A_12 = arith.addf %add3A, %get3A_11 : vector<2048x16xf32>
    %slice3A = vector.extract_strided_slice %add3A_12 {offsets = [0, 0], sizes = [2048, 7], strides = [1, 1]} : vector<2048x16xf32> to vector<2048x7xf32>
    %get3A_13 = arith.constant 0 : index
    %get3A_14 = arith.constant 0 : index
    %get3A_15 = arith.constant 0 : index
    %get3A_16 = vector.load %arg3[%get3A_13, %get3A_14, %get3A_15] : memref<1x2048x16xf32, #tpu.memory_space<vmem>>, vector<1x2048x16xf32>
    %get3A_17 = vector.shape_cast %get3A_16 : vector<1x2048x16xf32> to vector<2048x16xf32>
    %slice3A_18 = vector.extract_strided_slice %get3A_17 {offsets = [0, 0], sizes = [2048, 7], strides = [1, 1]} : vector<2048x16xf32> to vector<2048x7xf32>
    %mul3A = arith.mulf %slice3A_18, %slice3A : vector<2048x7xf32>
    %get3A_19 = arith.constant 0 : index
    %get3A_20 = vector.load %arg4[%get3A_19] : memref<7xf32, #tpu.memory_space<vmem>>, vector<7xf32>
    %broadcast_in_dim3A = vector.shape_cast %get3A_20 : vector<7xf32> to vector<1x7xf32>
    %add3A_21 = vector.broadcast %broadcast_in_dim3A : vector<1x7xf32> to vector<2048x7xf32>
    %add3A_22 = arith.addf %mul3A, %add3A_21 : vector<2048x7xf32>
    %reduce_max3A = arith.constant dense<0xFF800000> : vector<2048xf32>
    %reduce_max3A_23 = vector.multi_reduction <maximumf>, %add3A_22, %reduce_max3A [1] : vector<2048x7xf32> to vector<2048xf32>
    %broadcast_in_dim3A_24 = vector.shape_cast %reduce_max3A_23 : vector<2048xf32> to vector<2048x1xf32>
    %sub3A = vector.broadcast %broadcast_in_dim3A_24 : vector<2048x1xf32> to vector<2048x7xf32>
    %sub3A_25 = arith.subf %add3A_22, %sub3A : vector<2048x7xf32>
    %exp3A = math.exp %sub3A_25 : vector<2048x7xf32>
    %reduce_sum3A = arith.constant dense<0.000000e+00> : vector<2048xf32>
    %reduce_sum3A_26 = vector.multi_reduction <add>, %exp3A, %reduce_sum3A [1] : vector<2048x7xf32> to vector<2048xf32>
    %broadcast_in_dim3A_27 = vector.shape_cast %reduce_sum3A_26 : vector<2048xf32> to vector<2048x1xf32>
    %log3A = math.log %broadcast_in_dim3A_27 : vector<2048x1xf32>
    %add3A_28 = arith.addf %log3A, %broadcast_in_dim3A_24 : vector<2048x1xf32>
    %sub3A_29 = vector.broadcast %add3A_28 : vector<2048x1xf32> to vector<2048x7xf32>
    %sub3A_30 = arith.subf %add3A_22, %sub3A_29 : vector<2048x7xf32>
    %swap3A = arith.constant 0 : index
    %swap3A_31 = arith.constant 0 : index
    %swap3A_32 = vector.load %arg5[%swap3A, %swap3A_31] : memref<2048x7xf32, #tpu.memory_space<vmem>>, vector<2048x7xf32>
    tpu.vector_store %arg5[%swap3A, %swap3A_31], %sub3A_30 {strides = array<i32>} : memref<2048x7xf32, #tpu.memory_space<vmem>>, vector<2048x7xf32>,
    return
  }
  func.func @transform_0(%arg0: i32) -> (i32, i32, i32) {
    %c0_i32 = arith.constant 0 : i32
    %c0_i32_0 = arith.constant 0 : i32
    %c0_i32_1 = arith.constant 0 : i32
    return %c0_i32, %arg0, %c0_i32_0 : i32, i32, i32
  }
  func.func @transform_1(%arg0: i32) -> (i32, i32) {
    %c0_i32 = arith.constant 0 : i32
    %c0_i32_0 = arith.constant 0 : i32
    return %arg0, %c0_i32 : i32, i32
  }
  func.func @transform_2(%arg0: i32) -> (i32, i32, i32) {
    %c0_i32 = arith.constant 0 : i32
    %c0_i32_0 = arith.constant 0 : i32
    %c0_i32_1 = arith.constant 0 : i32
    return %c0_i32, %arg0, %c0_i32_0 : i32, i32, i32
  }
  func.func @transform_3(%arg0: i32) -> i32 {
    %c0_i32 = arith.constant 0 : i32
    %c0_i32_0 = arith.constant 0 : i32
    return %c0_i32 : i32
  }
  func.func @transform_4(%arg0: i32) -> (i32, i32) {
    %c0_i32 = arith.constant 0 : i32
    %c0_i32_0 = arith.constant 0 : i32
    return %arg0, %c0_i32 : i32, i32
  }
}

</mosaic_0001>

<sc_bundles>
// kernel: kernel.11.cloned.1.call-start
scs
__scs_entry_jumppad:
0x0: {  	(pc) =	sbr.rel $0x88, $3  }
0x1: {  	(tag) =	ssettag $0x0;
	lr =	simm.s32 $0x1  }
0x2: {  	[smem:$0x3F9B] =	sst lr;
	_ =	strace $0xD0000000  }
0x3: {  	_ = 	snop  }
0x4: {  	_ = 	snop  }
0x5: {  	_ = 	snop  }
0x6: {  	_ = 	snop  }
0x7: {  	_ = 	snop  }
__scs_overlays_trampoline_lowered:
0x8: {  	[smem:$0x3FAA] =	sst s0  }
0x9: {  	[smem:$0x3FAB] =	sst s1  }
0xa: {  	[smem:$0x3FAC] =	sst s2  }
0xb: {  	[smem:$0x3FAD] =	sst s3  }
0xc: {  	[smem:$0x3FAE] =	sst s4  }
0xd: {  	[smem:$0x3FAF] =	sst s5  }
0xe: {  	[smem:$0x3FB0] =	sst s6  }
0xf: {  	[smem:$0x3FB1] =	sst s7  }
0x10: {  	[smem:$0x3FB2] =	sst s8  }
0x11: {  	[smem:$0x3FB3] =	sst s9;
	s0 =	simm.s32 @!p0 $0x0  }
0x12: {  	s1 =	sld [smem:$0x3F99];
	s0 =	simm.s32 @p0 $0x1  }
0x13: {  	[smem:$0x3FB4] =	sst s0;
	s0 =	simm.s32 @!p1 $0x0  }
0x14: {  	s2 =	sld [smem:$0x3F98];
	s0 =	simm.s32 @p1 $0x1  }
0x15: {  	[smem:$0x3FB5] =	sst s0;
	s0 =	simm.s32 @!p2 $0x0  }
0x16: {  	s3 =	sld [smem:$0x3FDB];
	s0 =	simm.s32 @p2 $0x1  }
0x17: {  	s4 =	simm.s32 $0x1BF5;
	[smem:$0x3FB7] =	sst s0  }
0x18: {  	s0 =	sld [smem:$0x3F9A];
	_ =	swait.ge [sflag:s4], $0x0  }
0x19: {  	s7 =	sld [smem:$0x3F9B]  }
0x1a: {  	s8 =	sadd.s32 $0xFFFFE003, lr  }
0x1b: {  	s9 =	sadd.s32 $0xFFFFFEF7, lr;
	s5 =	simm.s32 $0xFFFFFFFF;
	p2 =	slt.u32 s8, $0xFFFFF086  }
0x1c: {  	p1 =	slt.u32 s9, $0xF7A;
	s5 =	simm.s32 @!p2 $0x0  }
0x1d: {  	s5 =	simm.s32 @p1 $0x1;
	p0 =	seq.s32 s7, s2  }
0x1e: {  	s7 =	smul.u32 @!p0 $0xF7A, s2;
	p2 =	seq.s32 @!p0 s5, $0x0  }
0x1f: {  	s9 =	smul.u32 $0xF7A, s1;
	s8 =	simm.s32 @!p0 $0x1BF5;
	p2 =	por !p2, p0  }
0x20: {  	[sflag:s8] =	ssyncset.s32 @!p0 $0xFFFFF086;
	s6 =	sadd.s32 @!p0 s3, s7;
	s7 =	simm.s32 @!p0 $0x108  }
0x21: {  	s3 =	sadd.s32 s3, s9;
	s6 =	sadd.s32 @!p0 $0x88, s6;
	s7 =	simm.s32 @p2 $0x1082  }
0x22: {  	[simem:s7], [sflag:s8] =	dma.local @!p0 [hbm:s6], $0xF7A  }
0x23: {  	s9 =	sor.u32 $0xD0000000, s2;
	s6 =	simm.s32 $0x108;
	_ =	swait.ge @!p0 [sflag:s8], $0x0  }
0x24: {  	s3 =	sadd.s32 $0x88, s3;
	s6 =	simm.s32 @!p1 $0x1082;
	[sflag:s4] =	ssyncset.s32 $0xFFFFF086  }
0x25: {  	[simem:s6], [sflag:s4] =	dma.local [hbm:s3], $0xF7A  }
0x26: {  	[smem:$0x3F9B] =	sst s1;
	(tag) =	ssettag s2;
	_ =	strace s9  }
0x27: {  	s1 =	sld [smem:$0x3FAB]  }
0x28: {  	s2 =	sld [smem:$0x3FAC]  }
0x29: {  	s4 =	sld [smem:$0x3FAE]  }
0x2a: {  	p0 =	seq.s32 s5, $0x0;
	s5 =	sld [smem:$0x3FAF]  }
0x2b: {  	s6 =	sld [smem:$0x3FB0]  }
0x2c: {  	s7 =	sld [smem:$0x3FB1]  }
0x2d: {  	s3 =	simm.s32 $0x108;
	s8 =	sld [smem:$0x3FB2]  }
0x2e: {  	s3 =	simm.s32 @!p0 $0x1082;
	s9 =	sld [smem:$0x3FB3]  }
0x2f: {  	lr =	sadd.s32 s0, s3;
	s0 =	sld [smem:$0x3FAA]  }
0x30: {  	s3 =	sld [smem:$0x3FAD]  }
0x31: {  	[smem:$0x3FB6] =	sst s10  }
0x32: {  	s10 =	sld [smem:$0x3FB4];
	_ =	sdelay $0x3  }
0x33: {  	p0 =	seq.s32 s10, $0x1;
	s10 =	sld [smem:$0x3FB6];
	_ =	sdelay $0x3  }
0x34: {  	[smem:$0x3FB6] =	sst s10  }
0x35: {  	s10 =	sld [smem:$0x3FB5];
	_ =	sdelay $0x3  }
0x36: {  	p1 =	seq.s32 s10, $0x1;
	s10 =	sld [smem:$0x3FB6];
	_ =	sdelay $0x3  }
0x37: {  	[smem:$0x3FB6] =	sst s10  }
0x38: {  	s10 =	sld [smem:$0x3FB7]  }
0x39: {  	_ = 	snop;
	(pc) =	sbr.ind lr, $3  }
0x3a: {  	_ = 	snop  }
0x3b: {  	_ = 	snop  }
0x3c: {  	p2 =	seq.s32 s10, $0x1;
	s10 =	sld [smem:$0x3FB6]  }
0x3d: {  	_ =	shalt  }
0x3e: {  	_ =	shalt  }
0x3f: {  	_ =	shalt  }
0x40: {  	_ =	shalt  }
0x41: {  	_ =	shalt  }
0x42: {  	_ =	shalt  }
0x43: {  	_ =	shalt  }
0x44: {  	_ =	shalt  }
0x45: {  	_ =	shalt  }
0x46: {  	_ =	shalt  }
0x47: {  	_ =	shalt  }
0x48: {  	_ =	shalt  }
0x49: {  	_ =	shalt  }
0x4a: {  	_ =	shalt  }
0x4b: {  	_ =	shalt  }
0x4c: {  	_ =	shalt  }
0x4d: {  	_ =	shalt  }
0x4e: {  	_ =	shalt  }
0x4f: {  	_ =	shalt  }
0x50: {  	_ =	shalt  }
0x51: {  	_ =	shalt  }
0x52: {  	_ =	shalt  }
0x53: {  	_ =	shalt  }
0x54: {  	_ =	shalt  }
0x55: {  	_ =	shalt  }
0x56: {  	_ =	shalt  }
0x57: {  	_ =	shalt  }
0x58: {  	_ =	shalt  }
0x59: {  	_ =	shalt  }
0x5a: {  	_ =	shalt  }
0x5b: {  	_ =	shalt  }
0x5c: {  	_ =	shalt  }
0x5d: {  	_ =	shalt  }
0x5e: {  	_ =	shalt  }
0x5f: {  	_ =	shalt  }
0x60: {  	_ =	shalt  }
0x61: {  	_ =	shalt  }
0x62: {  	_ =	shalt  }
0x63: {  	_ =	shalt  }
0x64: {  	_ =	shalt  }
0x65: {  	_ =	shalt  }
0x66: {  	_ =	shalt  }
0x67: {  	_ =	shalt  }
0x68: {  	_ =	shalt  }
0x69: {  	_ =	shalt  }
0x6a: {  	_ =	shalt  }
0x6b: {  	_ =	shalt  }
0x6c: {  	_ =	shalt  }
0x6d: {  	_ =	shalt  }
0x6e: {  	_ =	shalt  }
0x6f: {  	_ =	shalt  }
0x70: {  	_ =	shalt  }
0x71: {  	_ =	shalt  }
0x72: {  	_ =	shalt  }
0x73: {  	_ =	shalt  }
0x74: {  	_ =	shalt  }
0x75: {  	_ =	shalt  }
0x76: {  	_ =	shalt  }
0x77: {  	_ =	shalt  }
0x78: {  	_ =	shalt  }
0x79: {  	_ =	shalt  }
0x7a: {  	_ =	shalt  }
0x7b: {  	_ =	shalt  }
0x7c: {  	_ =	shalt  }
0x7d: {  	_ =	shalt  }
0x7e: {  	_ =	shalt  }
0x7f: {  	_ =	shalt  }
0x80: {  	_ =	shalt  }
0x81: {  	_ =	shalt  }
0x82: {  	_ =	shalt  }
0x83: {  	_ =	shalt  }
0x84: {  	_ =	shalt  }
0x85: {  	_ =	shalt  }
0x86: {  	_ =	shalt  }
0x87: {  	_ =	shalt  }
.Lfunc_end0:
.L_simem_size_0:
called_computation.1_lowered:
.L_overlay_start_0:
0x88: {  	s2 =	sld [smem:$0x3FD9]  }
0x89: {  	s3 =	sld [smem:$0x3FFE];
	_ =	sdelay $0x1  }
0x8a: {  	s1 =	srdreg.scid  }
0x8b: {  	s0 =	sand.u32 $0x1, s1  }
0x8c: {  	s16 =	sshll.u32 s0, $0xA;
	s2 =	sadd.s32 s3, s2  }
0x8d: {  	s2 =	sadd.s32 s2, s16  }
0x8e: {  	[smem:$0x3FC2] =	sst s2  }
0x8f: {  	_ = 	snop  }
0x90: {  	(tm) =	ssettm $0x1  }
0x91: {  	s17 =	sld [smem:$0x3FFB];
	_ =	sdelay $0x3  }
0x92: {  	_ =	strace s17  }
0x93: {  	s2 =	sld [smem:$0x3FFC];
	_ =	sdelay $0x3  }
0x94: {  	_ =	strace s2  }
0x95: {  	s2 =	sld [smem:$0x3FFD];
	_ =	sdelay $0x3  }
0x96: {  	_ =	strace s2  }
0x97: {  	_ =	strace $0x8FFFFFFF  }
0x98: {  	s18 =	sld [smem:$0x3FDB];
	_ =	sdelay $0x1  }
0x99: {  	s19 =	simm.s32 $_scs_section_size  }
0x9a: {  	s4 =	simm.s32 $_size__tile_overlayer_lowered;
	s5 =	simm.s32 $_tile_overlayer_lowered  }
0x9b: {  	s22 =	simm.s32 $0x1BFF;
	s21 =	sshll.u32 s5, $0x1;
	s2 =	sadd.s32 s19, s18  }
0x9c: {  	s6 =	simm.s32 $0x0;
	s20 =	sshll.u32 s4, $0x1;
	s4 =	sadd.s32 s21, s2  }
0x9d: {  	[timem:s6], [sflag:s22] =	dma.local [hbm:s4], s20  }
0x9e: {  	_ =	swait.ge [sflag:s22], s20  }
0x9f: {  	s3 =	ssub.s32 $0x0, s20;
	[sflag:s22] =	ssyncset.done $0x0  }
0xa0: {  	[sflag:s22] =	ssyncadd.s32 s3;
	_ =	sdelay $0x1  }
0xa1: {  	s23 =	simm.s32 $0x1B8B  }
0xa2: {  	_ =	swait.ge [sflag:s23], $0x1  }
0xa3: {  	[sflag:s23] =	ssyncset.done $0x0  }
0xa4: {  	s25 =	simm.s32 $0x1B8E;
	s24 =	sld [smem:$0x3FFE];
	[sflag:s23] =	ssyncadd.s32 $0xFFFFFFFF  }
0xa5: {  	s26 =	simm.s32 $execute0_lowered;
	[smem:$0x3FD2] =	sst s25  }
0xa6: {  	s4 =	sshll.u32 s26, $0x1;
	_ =	strace $0x80000049;
	[dreg:$0x1] =	wrdreg $0xFFFFFFFF  }
0xa7: {  	s28 =	simm.s32 $_size_execute0_lowered;
	s2 =	sadd.s32 s2, s4;
	[dreg:$0x0] =	wrdreg $0x0  }
0xa8: {  	s4 =	sshll.u32 s28, $0x1;
	[dreg:$0x2] =	wrdreg s2  }
0xa9: {  	[dreg:$0x3] =	wrdreg s4  }
0xaa: {  	[dreg:$0x4] =	wrdreg $0xC0  }
0xab: {  	_ =	task [dreg:s6], $0x5FFFF  }
0xac: {  	[dreg:$0x1] =	wrdreg $0xFFFFFFFF  }
0xad: {  	[dreg:$0x0] =	wrdreg $0x60  }
0xae: {  	[dreg:$0x2] =	wrdreg s24  }
0xaf: {  	[dreg:$0x3] =	wrdreg $0x19B200  }
0xb0: {  	[dreg:$0x4] =	wrdreg $0x173200  }
0xb1: {  	[dreg:$0x5] =	wrdreg $0x9  }
0xb2: {  	_ =	task.clear_ibuf [dreg:s6], $0x6FFFF;
	_ =	strace $0x90000049  }
0xb3: {  	s29 =	simm.s32 $0x9;
	_ =	strace $0x8000004B  }
0xb4: {  	_ =	swait.ge [sflag:s29], $0x1  }
0xb5: {  	[sflag:s29] =	ssyncadd.s32 $0xFFFFFFFF  }
0xb6: {  	_ =	strace $0x9000004B  }
0xb7: {  	_ =	sfence  }
0xb8: {  	s30 =	sld [smem:$0x0];
	_ =	sdelay $0x2  }
0xb9: {  	s31 =	sshll.u32 s1, $0xD;
	s1 =	sshrl.u32 s1, $0x2  }
0xba: {  	s3 =	sand.u32 $0x4000, s31;
	s1 =	sadd.s32 s1, s30  }
0xbb: {  	s0 =	sor.u32 s3, s0;
	s1 =	sshll.u32 s1, $0x11  }
0xbc: {  	s0 =	sor.u32 s1, s0  }
0xbd: {  	s0 =	sadd.s32 $0x8F2B, s0  }
0xbe: {  	[sflag:s0] =	ssyncadd.remote.s32 $0x1  }
0xbf: {  	_ =	sfence.sel $0xFFFF  }
0xc0: {  	[dreg:$0x0] =	wrdreg $0xFFFFFFFF;
	(pc) =	sbr.abs _section_cstart, $3  }
0xc1: {  	[dreg:$0x1] =	wrdreg $0xFFFFFFFF  }
0xc2: {  	_ =	task.clear_ibuf [dreg:s6], $0x2FFFF;
	_ =	strace $0x9FFFFFFF  }
0xc3: {  	(tm) =	ssettm $0x7FFFFFFF  }
tec
execute0_lowered:
.L_overlay_start_1:
0x0: {  	(tag) =	ssettag $0x1  }
0x1: {  	s0 =	rddreg [dreg:$0x0]  }
0x2: {  	s1 =	rddreg [dreg:$0x1]  }
0x3: {  	s2 =	srdreg.scid;
	s3 =	rddreg [dreg:$0x2]  }
0x4: {  	s5 =	stileid.u32;
	s7 =	simm.s32 $0x0;
	s16 =	simm.s32 $0x3  }
0x5: {  	s20 =	simm.s32 $0x12320;
	s29 =	simm.s32 $0x3E8;
	s30 =	simm.s32 $0x5620  }
0x6: {  	s31 =	simm.s32 $0x0;
	s2 =	sand.u32 $0x1, s2;
	[smem:$0x7FF] =	sst s7  }
0x7: {  	s6 =	smul.u32 $0x2800, s5;
	s4 =	sshll.u32 s2, $0x4;
	_ =	strace $0x8000004A  }
0x8: {  	s9 =	smul.u32 $0x5000, s2;
	s2 =	ssub.s32 $0x2, s2;
	s4 =	sor.u32 s5, s4  }
0x9: {  	s23 =	sshrl.u32 s6, $0x3;
	s5 =	smul.u32 $0xA000, s5;
	s10 =	sshrl.u32 s2, $0x1  }
0xa: {  	s4 =	smul.u32 $0x4E2, s4;
	s8 =	sadd.s32 s23, s0;
	s11 =	sadd.s32 s9, s0  }
0xb: {  	s2 =	ssub.s32 s2, s10;
	s10 =	sadd.s32 s6, s3;
	s6 =	sadd.s32 s6, s1  }
0xc: {  	s5 =	sshrl.u32 s5, $0x2;
	s24 =	sadd.s32 $0x15800, s8;
	s8 =	sadd.s32 $0x1F800, s8  }
0xd: {  	s26 =	sadd.s32 $0x24800, s11;
	s28 =	sadd.s32 $0x38800, s11;
	s17 =	sadd.s32 $0x2E800, s11  }
0xe: {  	s11 =	smax.u32 s2, $0x1;
	s2 =	simm.s32 $0x2;
	s4 =	sadd.s32 s4, s0  }
0xf: {  	s5 =	sadd.s32 s5, s1;
	[dreg:$0x4] =	wrdreg s24;
	s0 =	sadd.s32 $0x1A800, s0  }
0x10: {  	[dreg:$0x5] =	wrdreg s8;
	s21 =	sadd.s32 s23, s26;
	s22 =	sadd.s32 s23, s28  }
0x11: {  	s24 =	simm.s32 $0x800;
	s26 =	simm.s32 $0x2F10;
	s25 =	sadd.s32 $0x1C00, s4  }
0x12: {  	s4 =	sadd.s32 $0xBA00, s4;
	s12 =	sadd.s32 $0x800, s5;
	s13 =	sadd.s32 $0x1000, s5  }
0x13: {  	s14 =	sadd.s32 $0x1800, s5;
	s15 =	sadd.s32 $0x2000, s5;
	s18 =	sadd.s32 s23, s0  }
0x14: {  	s23 =	sadd.s32 s23, s17;
	s0 =	simm.s32 $0x94A0;
	[dreg:$0x6] =	wrdreg s25  }
0x15: {  	v0 =	vimm.f32 $0.0e+00;
	s17 =	simm.s32 $0x1;
	[dreg:$0x7] =	wrdreg s4;
	s25 =	sshrl.u32 s6, $0x3  }
.LBB2_1:
0x16: {  	s4 =	simm.s32 $0x40;
	s6 =	simm.s32 $0x0  }
.LBB2_2:
0x17: {  	p0 =	sne.s32 s4, $0x1FC0;
	[tilespmem:s6+$0x0] =	vst v0;
	s6 =	smov.u32 s4;
	s4 =	sadd.s32 $0x40, s4  }
.Ltmp0:
0x18: {  	(pc) =	sbr.rel @p0 .LBB2_2-.Ltmp0, $2  }
0x19: {  	_ =	sdelay $0x2  }
0x1a: {  	s6 =	sshra.s32 s6, $0x2  }
0x1b: {  	[tilespmem:s6+$0x0] =	vst v0;
	s4 =	simm.s32 $0x0  }
0x1c: {  	[spmem:s5] =	stream.linear.scatter [tilespmem:s4], [sflag:$0x3], $0x800, $0x38;
	[tilespmem:$0x1C320] =	vst v63  }
0x1d: {  	_ =	swait.ge [sflag:s16], $0x800  }
0x1e: {  	[sflag:s16] =	ssyncset.done $0x0  }
0x1f: {  	[sflag:s16] =	ssyncadd.s32 $0xFFFFF800  }
0x20: {  	[spmem:s12] =	stream.linear.scatter [tilespmem:s4], [sflag:$0x3], $0x800, $0x38;
	[tilespmem:$0x1C320] =	vst v63  }
0x21: {  	_ =	swait.ge [sflag:s16], $0x800  }
0x22: {  	[sflag:s16] =	ssyncset.done $0x0  }
0x23: {  	[sflag:s16] =	ssyncadd.s32 $0xFFFFF800  }
0x24: {  	[spmem:s13] =	stream.linear.scatter [tilespmem:s4], [sflag:$0x3], $0x800, $0x38;
	[tilespmem:$0x1C320] =	vst v63  }
0x25: {  	_ =	swait.ge [sflag:s16], $0x800  }
0x26: {  	[sflag:s16] =	ssyncset.done $0x0  }
0x27: {  	[sflag:s16] =	ssyncadd.s32 $0xFFFFF800  }
0x28: {  	[spmem:s14] =	stream.linear.scatter [tilespmem:s4], [sflag:$0x3], $0x800, $0x38;
	[tilespmem:$0x1C320] =	vst v63  }
0x29: {  	_ =	swait.ge [sflag:s16], $0x800  }
0x2a: {  	[sflag:s16] =	ssyncset.done $0x0  }
0x2b: {  	[sflag:s16] =	ssyncadd.s32 $0xFFFFF800  }
0x2c: {  	[spmem:s15] =	stream.linear.scatter [tilespmem:s4], [sflag:$0x3], $0x800, $0x38;
	[tilespmem:$0x1C320] =	vst v63  }
0x2d: {  	_ =	swait.ge [sflag:s16], $0x800  }
0x2e: {  	[sflag:s16] =	ssyncset.done $0x0  }
0x2f: {  	s7 =	simm.s32 $0xD320;
	s19 =	rddreg [dreg:$0x4];
	[sflag:s16] =	ssyncadd.s32 $0xFFFFF800  }
0x30: {  	[tilespmem:s7], [sflag:$0x3] =	stream.linear.gather [hbm4b:s19+s4], $0x2800, $0x38;
	[tilespmem:$0x1C320] =	vst v63  }
0x31: {  	_ =	swait.ge [sflag:s16], $0x2800  }
0x32: {  	[sflag:s16] =	ssyncset.done $0x0  }
0x33: {  	s7 =	simm.s32 $0xFB20;
	[sflag:s16] =	ssyncadd.s32 $0xFFFFD800  }
0x34: {  	[tilespmem:s7], [sflag:$0x3] =	stream.linear.gather [hbm4b:s18+s4], $0x2800, $0x38;
	[tilespmem:$0x1C320] =	vst v63  }
0x35: {  	_ =	swait.ge [sflag:s16], $0x2800  }
0x36: {  	[sflag:s16] =	ssyncset.done $0x0  }
0x37: {  	s8 =	rddreg [dreg:$0x5];
	[sflag:s16] =	ssyncadd.s32 $0xFFFFD800  }
0x38: {  	[tilespmem:s20], [sflag:$0x3] =	stream.linear.gather [hbm4b:s8+s4], $0x2800, $0x38;
	[tilespmem:$0x1C320] =	vst v63  }
0x39: {  	_ =	swait.ge [sflag:s16], $0x2800  }
0x3a: {  	[sflag:s16] =	ssyncset.done $0x0  }
0x3b: {  	s9 =	rddreg [dreg:$0x6];
	[sflag:s16] =	ssyncadd.s32 $0xFFFFD800  }
0x3c: {  	[tilespmem:s24], [sflag:$0x3] =	stream.linear.gather [hbm4b:s9+s4], $0x2710, $0x38;
	[tilespmem:$0x1C320] =	vst v63  }
0x3d: {  	_ =	swait.ge [sflag:s16], $0x2710  }
0x3e: {  	[sflag:s16] =	ssyncset.done $0x0  }
0x3f: {  	s19 =	rddreg [dreg:$0x7];
	[sflag:s16] =	ssyncadd.s32 $0xFFFFD8F0  }
0x40: {  	[tilespmem:s26], [sflag:$0x3] =	stream.linear.gather [hbm4b:s19+s4], $0x2710, $0x38;
	[tilespmem:$0x1C320] =	vst v63  }
0x41: {  	_ =	swait.ge [sflag:s16], $0x2710  }
0x42: {  	[sflag:s16] =	ssyncset.done $0x0  }
0x43: {  	s7 =	simm.s32 $0x0;
	[sflag:s16] =	ssyncadd.s32 $0xFFFFD8F0  }
0x44: {  	v1 =	vld [tilespmem:s7+$0xD320]  }
0x45: {  	v2 =	vld [tilespmem:s7+$0xFB20];
	_ =	sdelay $0x4  }
0x46: {  	v1 =	vadd.f32 v2, v1  }
0x47: {  	s28 =	simm.s32 $0x10  }
0x48: {  	v3 =	vld [tilespmem:s28+$0xFB20];
	v1 =	vadd.f32 $1.000000000e+00, v1  }
0x49: {  	v2 =	vld [tilespmem:s28+$0xD320]  }
0x4a: {  	v4 =	vshrl.u32 v1, $0x1;
	v6 =	vmul.f32 $5.000000000e-01, v1  }
0x4b: {  	v1 =	vsub.s32 $0x5F3759DF, v4  }
0x4c: {  	v4 =	vmul.f32 v1, v6;
	_ =	sdelay $0x1  }
0x4d: {  	s19 =	simm.s32 $0x20;
	v2 =	vadd.f32 v3, v2;
	v3 =	vmul.f32 v1, v4  }
0x4e: {  	v5 =	vld [tilespmem:s19+$0xFB20]  }
0x4f: {  	v2 =	vadd.f32 $1.000000000e+00, v2;
	v4 =	vld [tilespmem:s19+$0xD320];
	v3 =	vsub.f32 $1.500000000e+00, v3;
	_ =	sdelay $0x1  }
0x50: {  	v7 =	vshrl.u32 v2, $0x1;
	v2 =	vmul.f32 $5.000000000e-01, v2;
	v3 =	vmul.f32 v1, v3  }
0x51: {  	v7 =	vsub.s32 $0x5F3759DF, v7  }
0x52: {  	v1 =	vmul.f32 v7, v2;
	v8 =	vmul.f32 v3, v6  }
0x53: {  	v4 =	vadd.f32 v5, v4  }
0x54: {  	s4 =	simm.s32 $0x30;
	v1 =	vmul.f32 v7, v1;
	v5 =	vmul.f32 v8, v3  }
0x55: {  	v10 =	vld [tilespmem:s4+$0xFB20];
	v4 =	vadd.f32 $1.000000000e+00, v4  }
0x56: {  	v8 =	vld [tilespmem:s4+$0xD320];
	v9 =	vsub.f32 $1.500000000e+00, v1;
	v11 =	vsub.f32 $1.500000000e+00, v5  }
0x57: {  	v1 =	vmul.f32 $5.000000000e-01, v4;
	v5 =	vshrl.u32 v4, $0x1  }
0x58: {  	v4 =	vmul.f32 v7, v9;
	v5 =	vsub.s32 $0x5F3759DF, v5;
	v3 =	vmul.f32 v11, v3  }
0x59: {  	v7 =	vmul.f32 v5, v1  }
0x5a: {  	v9 =	vmul.f32 v4, v2;
	v11 =	vmul.f32 v3, v6  }
0x5b: {  	s6 =	simm.s32 $0x40;
	v8 =	vadd.f32 v10, v8;
	v7 =	vmul.f32 v5, v7  }
0x5c: {  	v6 =	vld [tilespmem:s6+$0xD320];
	v12 =	vmul.f32 v9, v4;
	v13 =	vmul.f32 v11, v3  }
0x5d: {  	v9 =	vadd.f32 $1.000000000e+00, v8;
	v8 =	vld [tilespmem:s7+$0x12320];
	v10 =	vsub.f32 $1.500000000e+00, v7  }
0x5e: {  	s8 =	simm.s32 $0x140;
	v7 =	vld [tilespmem:s6+$0xFB20];
	v11 =	vsub.f32 $1.500000000e+00, v12;
	v12 =	vsub.f32 $1.500000000e+00, v13  }
.LBB2_4:
0x5f: {  	p0 =	sne.s32 s8, $0x9FC0;
	v13 =	vshrl.u32 v9, $0x1;
	v9 =	vmul.f32 $5.000000000e-01, v9;
	v10 =	vmul.f32 v5, v10  }
0x60: {  	v5 =	vsub.s32 $0x5F3759DF, v13;
	v12 =	vmul.f32 v12, v3;
	v3 =	vmul.f32 v11, v4  }
0x61: {  	v11 =	vmul.f32 v5, v9;
	v13 =	vmul.f32 v10, v1;
	v4 =	vmov v10  }
.Ltmp1:
0x62: {  	v10 =	vmul.f32 v3, v2;
	[tilespmem:s7+$0x14B20] =	vst v12;
	v8 =	vmul.f32 v12, v8;
	v2 =	vmovc v1;
	v1 =	vmov v9;
	(pc) =	sbr.rel @p0 .LBB2_4-.Ltmp1, $4  }
0x63: {  	s9 =	sshra.s32 s8, $0x2;
	v7 =	vadd.f32 v7, v6;
	v11 =	vmul.f32 v5, v11  }
0x64: {  	v12 =	vmul.f32 v13, v4;
	v6 =	vld [tilespmem:s9+$0xD320];
	v13 =	vmul.f32 v10, v3;
	[tilespmem:s7+$0x12320] =	vst v8;
	s7 =	smov.u32 s28;
	s28 =	smov.u32 s19;
	s19 =	smov.u32 s4  }
0x65: {  	s4 =	smov.u32 s6;
	s6 =	smov.u32 s9;
	v9 =	vadd.f32 $1.000000000e+00, v7;
	v10 =	vsub.f32 $1.500000000e+00, v11;
	v8 =	vld [tilespmem:s7+$0x12320]  }
0x66: {  	s8 =	sadd.s32 $0x40, s8;
	v11 =	vsub.f32 $1.500000000e+00, v12;
	v7 =	vld [tilespmem:s6+$0xFB20];
	v12 =	vsub.f32 $1.500000000e+00, v13  }
0x67: {  	v13 =	vshrl.u32 v9, $0x1;
	v49 =	vmul.f32 $5.000000000e-01, v9;
	v5 =	vmul.f32 v5, v10  }
0x68: {  	v50 =	vsub.s32 $0x5F3759DF, v13;
	v4 =	vmul.f32 v11, v4;
	v3 =	vmul.f32 v12, v3  }
0x69: {  	v51 =	vmul.f32 v50, v49;
	v52 =	vmul.f32 v5, v1  }
0x6a: {  	v2 =	vmul.f32 v4, v2;
	v8 =	vmul.f32 v3, v8  }
0x6b: {  	[tilespmem:s7+$0x14B20] =	vst v3;
	v3 =	vadd.f32 v7, v6;
	v53 =	vmul.f32 v50, v51  }
0x6c: {  	v54 =	vmul.f32 v52, v5;
	[tilespmem:s7+$0x12320] =	vst v8;
	v2 =	vmul.f32 v2, v4  }
0x6d: {  	v3 =	vadd.f32 $1.000000000e+00, v3;
	v6 =	vsub.f32 $1.500000000e+00, v53;
	v8 =	vld [tilespmem:s28+$0x12320]  }
0x6e: {  	v7 =	vsub.f32 $1.500000000e+00, v54;
	v2 =	vsub.f32 $1.500000000e+00, v2  }
0x6f: {  	v55 =	vshrl.u32 v3, $0x1;
	v3 =	vmul.f32 $5.000000000e-01, v3;
	v6 =	vmul.f32 v50, v6  }
0x70: {  	v5 =	vmul.f32 v7, v5;
	v56 =	vsub.s32 $0x5F3759DF, v55;
	v2 =	vmul.f32 v2, v4  }
0x71: {  	v57 =	vmul.f32 v56, v3;
	v58 =	vmul.f32 v6, v49  }
0x72: {  	v1 =	vmul.f32 v5, v1;
	v8 =	vmul.f32 v2, v8  }
0x73: {  	[tilespmem:s28+$0x14B20] =	vst v2;
	v2 =	vmul.f32 v56, v57  }
0x74: {  	v59 =	vmul.f32 v58, v6;
	v1 =	vmul.f32 v1, v5;
	[tilespmem:s28+$0x12320] =	vst v8  }
0x75: {  	v2 =	vsub.f32 $1.500000000e+00, v2;
	v60 =	vld [tilespmem:s19+$0x12320]  }
0x76: {  	v4 =	vsub.f32 $1.500000000e+00, v59;
	v1 =	vsub.f32 $1.500000000e+00, v1  }
0x77: {  	v2 =	vmul.f32 v56, v2  }
0x78: {  	v4 =	vmul.f32 v4, v6;
	v1 =	vmul.f32 v1, v5  }
0x79: {  	v61 =	vmul.f32 v2, v3  }
0x7a: {  	v6 =	vmul.f32 v4, v49;
	v7 =	vmul.f32 v1, v60  }
0x7b: {  	[tilespmem:s19+$0x14B20] =	vst v1  }
0x7c: {  	v1 =	vmul.f32 v61, v2;
	v62 =	vmul.f32 v6, v4;
	[tilespmem:s19+$0x12320] =	vst v7  }
0x7d: {  	v63 =	vld [tilespmem:s4+$0x12320]  }
0x7e: {  	v1 =	vsub.f32 $1.500000000e+00, v1;
	v5 =	vsub.f32 $1.500000000e+00, v62;
	_ =	sdelay $0x1  }
0x7f: {  	v1 =	vmul.f32 v1, v2;
	v2 =	vmul.f32 v5, v4;
	_ =	sdelay $0x1  }
0x80: {  	v3 =	vmul.f32 v1, v3;
	v4 =	vmul.f32 v2, v63  }
0x81: {  	[tilespmem:s4+$0x14B20] =	vst v2  }
0x82: {  	v2 =	vmul.f32 v3, v1;
	[tilespmem:s4+$0x12320] =	vst v4  }
0x83: {  	v3 =	vld [tilespmem:s6+$0x12320]  }
0x84: {  	v2 =	vsub.f32 $1.500000000e+00, v2;
	_ =	sdelay $0x1  }
0x85: {  	v1 =	vmul.f32 v2, v1;
	_ =	sdelay $0x1  }
0x86: {  	v2 =	vmul.f32 v1, v3  }
0x87: {  	[tilespmem:s6+$0x14B20] =	vst v1  }
0x88: {  	[tilespmem:s6+$0x12320] =	vst v2  }
0x89: {  	[spmem:s10] =	stream.linear.scatter [tilespmem:s20], [sflag:$0x3], $0x2800, $0x38;
	[tilespmem:$0x1C320] =	vst v63  }
0x8a: {  	_ =	swait.ge [sflag:s16], $0x2800  }
0x8b: {  	[sflag:s16] =	ssyncset.done $0x0  }
0x8c: {  	s9 =	simm.s32 $0x0;
	[sflag:s16] =	ssyncadd.s32 $0xFFFFD800  }
0x8d: {  	[hbm4b:s21+s9] =	stream.linear.scatter [tilespmem:s20], [sflag:$0x3], $0x2800, $0x38;
	[tilespmem:$0x1C320] =	vst v63  }
0x8e: {  	_ =	swait.ge [sflag:s16], $0x2800  }
0x8f: {  	[sflag:s16] =	ssyncset.done $0x0  }
0x90: {  	s19 =	simm.s32 $0x14B20;
	[sflag:s16] =	ssyncadd.s32 $0xFFFFD800  }
0x91: {  	[hbm4b:s22+s9] =	stream.linear.scatter [tilespmem:s19], [sflag:$0x3], $0x2800, $0x38;
	[tilespmem:$0x1C320] =	vst v63  }
0x92: {  	_ =	swait.ge [sflag:s16], $0x2800  }
0x93: {  	[sflag:s16] =	ssyncset.done $0x0  }
0x94: {  	[sflag:s16] =	ssyncadd.s32 $0xFFFFD800  }
0x95: {  	[bflag:$0x0] =	sbarrier.arrive $0xFFFF  }
0x96: {  	[tilespmem:s30], [sflag:$0x1] =	stream.indirect.gather [spmem:s3], $0x10, s24, s29, $0xb8;
	[tilespmem:$0x1C320] =	vst v63  }
0x97: {  	s28 =	simm.s32 $0xBE8  }
0x98: {  	[tilespmem:s0], [sflag:$0x2] =	stream.indirect.gather [spmem:s3], $0x10, s28, s29, $0xb8;
	[tilespmem:$0x1C320] =	vst v63  }
0x99: {  	_ =	swait.ge [sflag:s17], $0x3E80  }
0x9a: {  	[sflag:s17] =	ssyncset.done $0x0  }
0x9b: {  	[sflag:s17] =	ssyncadd.s32 $0xFFFFC180  }
0x9c: {  	[spmem:s1] =	stream.indirect.scatter.add.f32 [tilespmem:s30], [sflag:$0x3], $0x10, s26, s29, $0xb8;
	[tilespmem:$0x1C320] =	vst v63  }
0x9d: {  	_ =	swait.ge [sflag:s16], $0x3E80  }
0x9e: {  	[sflag:s16] =	ssyncset.done $0x0  }
0x9f: {  	s6 =	simm.s32 $0xFD0;
	[sflag:s16] =	ssyncadd.s32 $0xFFFFC180  }
0xa0: {  	[tilespmem:s30], [sflag:$0x1] =	stream.indirect.gather [spmem:s3], $0x10, s6, s29, $0xb8;
	[tilespmem:$0x1C320] =	vst v63  }
0xa1: {  	_ =	swait.ge [sflag:s2], $0x3E80  }
0xa2: {  	[sflag:s2] =	ssyncset.done $0x0  }
0xa3: {  	s7 =	simm.s32 $0x32F8;
	[sflag:s2] =	ssyncadd.s32 $0xFFFFC180  }
0xa4: {  	[spmem:s1] =	stream.indirect.scatter.add.f32 [tilespmem:s0], [sflag:$0x3], $0x10, s7, s29, $0xb8;
	[tilespmem:$0x1C320] =	vst v63  }
0xa5: {  	_ =	swait.ge [sflag:s16], $0x3E80  }
0xa6: {  	[sflag:s16] =	ssyncset.done $0x0  }
0xa7: {  	s8 =	simm.s32 $0x13B8;
	[sflag:s16] =	ssyncadd.s32 $0xFFFFC180  }
0xa8: {  	[tilespmem:s0], [sflag:$0x2] =	stream.indirect.gather [spmem:s3], $0x10, s8, s29, $0xb8;
	[tilespmem:$0x1C320] =	vst v63  }
0xa9: {  	_ =	swait.ge [sflag:s17], $0x3E80  }
0xaa: {  	[sflag:s17] =	ssyncset.done $0x0  }
0xab: {  	s9 =	simm.s32 $0x36E0;
	[sflag:s17] =	ssyncadd.s32 $0xFFFFC180  }
0xac: {  	[spmem:s1] =	stream.indirect.scatter.add.f32 [tilespmem:s30], [sflag:$0x3], $0x10, s9, s29, $0xb8;
	[tilespmem:$0x1C320] =	vst v63  }
0xad: {  	_ =	swait.ge [sflag:s16], $0x3E80  }
0xae: {  	[sflag:s16] =	ssyncset.done $0x0  }
0xaf: {  	s19 =	simm.s32 $0x17A0;
	[sflag:s16] =	ssyncadd.s32 $0xFFFFC180  }
0xb0: {  	[tilespmem:s30], [sflag:$0x1] =	stream.indirect.gather [spmem:s3], $0x10, s19, s29, $0xb8;
	[tilespmem:$0x1C320] =	vst v63  }
0xb1: {  	_ =	swait.ge [sflag:s2], $0x3E80  }
0xb2: {  	[sflag:s2] =	ssyncset.done $0x0  }
0xb3: {  	s28 =	simm.s32 $0x3AC8;
	[sflag:s2] =	ssyncadd.s32 $0xFFFFC180  }
0xb4: {  	[spmem:s1] =	stream.indirect.scatter.add.f32 [tilespmem:s0], [sflag:$0x3], $0x10, s28, s29, $0xb8;
	[tilespmem:$0x1C320] =	vst v63  }
0xb5: {  	_ =	swait.ge [sflag:s16], $0x3E80  }
0xb6: {  	[sflag:s16] =	ssyncset.done $0x0  }
0xb7: {  	s6 =	simm.s32 $0x1B88;
	[sflag:s16] =	ssyncadd.s32 $0xFFFFC180  }
0xb8: {  	[tilespmem:s0], [sflag:$0x2] =	stream.indirect.gather [spmem:s3], $0x10, s6, s29, $0xb8;
	[tilespmem:$0x1C320] =	vst v63  }
0xb9: {  	_ =	swait.ge [sflag:s17], $0x3E80  }
0xba: {  	[sflag:s17] =	ssyncset.done $0x0  }
0xbb: {  	s7 =	simm.s32 $0x3EB0;
	[sflag:s17] =	ssyncadd.s32 $0xFFFFC180  }
0xbc: {  	[spmem:s1] =	stream.indirect.scatter.add.f32 [tilespmem:s30], [sflag:$0x3], $0x10, s7, s29, $0xb8;
	[tilespmem:$0x1C320] =	vst v63  }
0xbd: {  	_ =	swait.ge [sflag:s16], $0x3E80  }
0xbe: {  	[sflag:s16] =	ssyncset.done $0x0  }
0xbf: {  	s8 =	simm.s32 $0x1F70;
	[sflag:s16] =	ssyncadd.s32 $0xFFFFC180  }
0xc0: {  	[tilespmem:s30], [sflag:$0x1] =	stream.indirect.gather [spmem:s3], $0x10, s8, s29, $0xb8;
	[tilespmem:$0x1C320] =	vst v63  }
0xc1: {  	_ =	swait.ge [sflag:s2], $0x3E80  }
0xc2: {  	[sflag:s2] =	ssyncset.done $0x0  }
0xc3: {  	s9 =	simm.s32 $0x4298;
	[sflag:s2] =	ssyncadd.s32 $0xFFFFC180  }
0xc4: {  	[spmem:s1] =	stream.indirect.scatter.add.f32 [tilespmem:s0], [sflag:$0x3], $0x10, s9, s29, $0xb8;
	[tilespmem:$0x1C320] =	vst v63  }
0xc5: {  	_ =	swait.ge [sflag:s16], $0x3E80  }
0xc6: {  	[sflag:s16] =	ssyncset.done $0x0  }
0xc7: {  	s19 =	simm.s32 $0x2358;
	[sflag:s16] =	ssyncadd.s32 $0xFFFFC180  }
0xc8: {  	[tilespmem:s0], [sflag:$0x2] =	stream.indirect.gather [spmem:s3], $0x10, s19, s29, $0xb8;
	[tilespmem:$0x1C320] =	vst v63  }
0xc9: {  	_ =	swait.ge [sflag:s17], $0x3E80  }
0xca: {  	[sflag:s17] =	ssyncset.done $0x0  }
0xcb: {  	s28 =	simm.s32 $0x4680;
	[sflag:s17] =	ssyncadd.s32 $0xFFFFC180  }
0xcc: {  	[spmem:s1] =	stream.indirect.scatter.add.f32 [tilespmem:s30], [sflag:$0x3], $0x10, s28, s29, $0xb8;
	[tilespmem:$0x1C320] =	vst v63  }
0xcd: {  	_ =	swait.ge [sflag:s16], $0x3E80  }
0xce: {  	[sflag:s16] =	ssyncset.done $0x0  }
0xcf: {  	s6 =	simm.s32 $0x2740;
	[sflag:s16] =	ssyncadd.s32 $0xFFFFC180  }
0xd0: {  	[tilespmem:s30], [sflag:$0x1] =	stream.indirect.gather [spmem:s3], $0x10, s6, s29, $0xb8;
	[tilespmem:$0x1C320] =	vst v63  }
0xd1: {  	_ =	swait.ge [sflag:s2], $0x3E80  }
0xd2: {  	[sflag:s2] =	ssyncset.done $0x0  }
0xd3: {  	s7 =	simm.s32 $0x4A68;
	[sflag:s2] =	ssyncadd.s32 $0xFFFFC180  }
0xd4: {  	[spmem:s1] =	stream.indirect.scatter.add.f32 [tilespmem:s0], [sflag:$0x3], $0x10, s7, s29, $0xb8;
	[tilespmem:$0x1C320] =	vst v63  }
0xd5: {  	_ =	swait.ge [sflag:s16], $0x3E80  }
0xd6: {  	[sflag:s16] =	ssyncset.done $0x0  }
0xd7: {  	s8 =	simm.s32 $0x2B28;
	[sflag:s16] =	ssyncadd.s32 $0xFFFFC180  }
0xd8: {  	[tilespmem:s0], [sflag:$0x2] =	stream.indirect.gather [spmem:s3], $0x10, s8, s29, $0xb8;
	[tilespmem:$0x1C320] =	vst v63  }
0xd9: {  	_ =	swait.ge [sflag:s17], $0x3E80  }
0xda: {  	[sflag:s17] =	ssyncset.done $0x0  }
0xdb: {  	s9 =	simm.s32 $0x4E50;
	[sflag:s17] =	ssyncadd.s32 $0xFFFFC180  }
0xdc: {  	[spmem:s1] =	stream.indirect.scatter.add.f32 [tilespmem:s30], [sflag:$0x3], $0x10, s9, s29, $0xb8;
	[tilespmem:$0x1C320] =	vst v63  }
0xdd: {  	_ =	swait.ge [sflag:s16], $0x3E80  }
0xde: {  	[sflag:s16] =	ssyncset.done $0x0  }
0xdf: {  	[sflag:s16] =	ssyncadd.s32 $0xFFFFC180  }
0xe0: {  	_ =	swait.ge [sflag:s2], $0x3E80  }
0xe1: {  	[sflag:s2] =	ssyncset.done $0x0  }
0xe2: {  	s19 =	simm.s32 $0x5238;
	[sflag:s2] =	ssyncadd.s32 $0xFFFFC180  }
0xe3: {  	[spmem:s1] =	stream.indirect.scatter.add.f32 [tilespmem:s0], [sflag:$0x3], $0x10, s19, s29, $0xb8;
	[tilespmem:$0x1C320] =	vst v63  }
0xe4: {  	_ =	swait.ge [sflag:s16], $0x3E80  }
0xe5: {  	s31 =	sadd.s32 $0x1, s31;
	s28 =	stileid.u32;
	[sflag:s16] =	ssyncset.done $0x0  }
0xe6: {  	p0 =	sne.s32 s31, s11;
	s4 =	sshll.u32 s28, $0x6;
	[sflag:s16] =	ssyncadd.s32 $0xFFFFC180  }
.Ltmp2:
0xe7: {  	s4 =	sor.u32 $0x1C03, s4;
	[bflag:$0x0] =	sbarrier.arrive $0xFFFF;
	(pc) =	sbr.rel @p0 .LBB2_1-.Ltmp2, $4  }
0xe8: {  	[hbm:s23], [sflag:s4] =	dma.local [spmem:s25], $0x500  }
0xe9: {  	_ =	swait.ge [sflag:s16], $0x500  }
0xea: {  	[sflag:s16] =	ssyncset.done $0x0  }
0xeb: {  	[sflag:s16] =	ssyncadd.s32 $0xFFFFFB00  }
0xec: {  	_ =	sfence.sel $0x180000  }
0xed: {  	[bflag:$0x0] =	sbarrier.arrive $0xFFFF  }
0xee: {  	_ =	strace $0x9000004A  }
0xef: {  	s0 =	stileid.u32;
	[bflag:$0x2] =	sbarrier.arrive $0xFFFF  }
0xf0: {  	p0 =	sne.s32 s0, $0x0;
	s0 =	rddreg [dreg:$0x3]  }
0xf1: {  	s0 =	sadd.s32 @!p0 $0x100000, s0  }
0xf2: {  	[sflag:s0] =	ssyncadd.tile.s32 @!p0 $0x1;
	_ =	shalt  }
.Lfunc_end2:
_tile_overlayer_lowered:
.L_overlay_start_2:
0xf3: {  	(tag) =	ssettag $0x2  }
0xf4: {  	s0 =	rddreg [dreg:$0x0];
	s2 =	stileid.u32  }
0xf5: {  	s1 =	rddreg [dreg:$0x1];
	p0 =	sne.s32 s2, $0x0  }
0xf6: {  	s3 =	rddreg [dreg:$0x2];
	[bflag:$0x3] =	sbarrier.arrive $0xFFFF;
	s2 =	simm.s32 @!p0 $0x1C03  }
0xf7: {  	[timem:s3], [sflag:s2] =	dma.local @!p0 [hbm:s0], s1  }
0xf8: {  	s0 =	simm.s32 @!p0 $0x3  }
0xf9: {  	_ =	swait.ge @!p0 [sflag:s0], s1  }
0xfa: {  	s1 =	ssub.s32 @!p0 $0x0, s1;
	[sflag:s0] =	ssyncset.done @!p0 $0x0  }
0xfb: {  	[sflag:s0] =	ssyncadd.s32 @!p0 s1  }
0xfc: {  	[bflag:$0x3] =	sbarrier.arrive $0xFFFF  }
0xfd: {  	_ =	shalt  }

// kernel: kernel.14.cloned.1.call-start
scs
__scs_entry_jumppad:
0x0: {  	(pc) =	sbr.rel $0x88, $3  }
0x1: {  	(tag) =	ssettag $0x0;
	lr =	simm.s32 $0x1  }
0x2: {  	[smem:$0x3F9B] =	sst lr;
	_ =	strace $0xD0000000  }
0x3: {  	_ = 	snop  }
0x4: {  	_ = 	snop  }
0x5: {  	_ = 	snop  }
0x6: {  	_ = 	snop  }
0x7: {  	_ = 	snop  }
__scs_overlays_trampoline_lowered:
0x8: {  	[smem:$0x3FAA] =	sst s0  }
0x9: {  	[smem:$0x3FAB] =	sst s1  }
0xa: {  	[smem:$0x3FAC] =	sst s2  }
0xb: {  	[smem:$0x3FAD] =	sst s3  }
0xc: {  	[smem:$0x3FAE] =	sst s4  }
0xd: {  	[smem:$0x3FAF] =	sst s5  }
0xe: {  	[smem:$0x3FB0] =	sst s6  }
0xf: {  	[smem:$0x3FB1] =	sst s7  }
0x10: {  	[smem:$0x3FB2] =	sst s8  }
0x11: {  	[smem:$0x3FB3] =	sst s9;
	s0 =	simm.s32 @!p0 $0x0  }
0x12: {  	s1 =	sld [smem:$0x3F99];
	s0 =	simm.s32 @p0 $0x1  }
0x13: {  	[smem:$0x3FB4] =	sst s0;
	s0 =	simm.s32 @!p1 $0x0  }
0x14: {  	s2 =	sld [smem:$0x3F98];
	s0 =	simm.s32 @p1 $0x1  }
0x15: {  	[smem:$0x3FB5] =	sst s0;
	s0 =	simm.s32 @!p2 $0x0  }
0x16: {  	s3 =	sld [smem:$0x3FDB];
	s0 =	simm.s32 @p2 $0x1  }
0x17: {  	s4 =	simm.s32 $0x1BF5;
	[smem:$0x3FB7] =	sst s0  }
0x18: {  	s0 =	sld [smem:$0x3F9A];
	_ =	swait.ge [sflag:s4], $0x0  }
0x19: {  	s7 =	sld [smem:$0x3F9B]  }
0x1a: {  	s8 =	sadd.s32 $0xFFFFE003, lr  }
0x1b: {  	s9 =	sadd.s32 $0xFFFFFEF7, lr;
	s5 =	simm.s32 $0xFFFFFFFF;
	p2 =	slt.u32 s8, $0xFFFFF086  }
0x1c: {  	p1 =	slt.u32 s9, $0xF7A;
	s5 =	simm.s32 @!p2 $0x0  }
0x1d: {  	s5 =	simm.s32 @p1 $0x1;
	p0 =	seq.s32 s7, s2  }
0x1e: {  	s7 =	smul.u32 @!p0 $0xF7A, s2;
	p2 =	seq.s32 @!p0 s5, $0x0  }
0x1f: {  	s9 =	smul.u32 $0xF7A, s1;
	s8 =	simm.s32 @!p0 $0x1BF5;
	p2 =	por !p2, p0  }
0x20: {  	[sflag:s8] =	ssyncset.s32 @!p0 $0xFFFFF086;
	s6 =	sadd.s32 @!p0 s3, s7;
	s7 =	simm.s32 @!p0 $0x108  }
0x21: {  	s3 =	sadd.s32 s3, s9;
	s6 =	sadd.s32 @!p0 $0x88, s6;
	s7 =	simm.s32 @p2 $0x1082  }
0x22: {  	[simem:s7], [sflag:s8] =	dma.local @!p0 [hbm:s6], $0xF7A  }
0x23: {  	s9 =	sor.u32 $0xD0000000, s2;
	s6 =	simm.s32 $0x108;
	_ =	swait.ge @!p0 [sflag:s8], $0x0  }
0x24: {  	s3 =	sadd.s32 $0x88, s3;
	s6 =	simm.s32 @!p1 $0x1082;
	[sflag:s4] =	ssyncset.s32 $0xFFFFF086  }
0x25: {  	[simem:s6], [sflag:s4] =	dma.local [hbm:s3], $0xF7A  }
0x26: {  	[smem:$0x3F9B] =	sst s1;
	(tag) =	ssettag s2;
	_ =	strace s9  }
0x27: {  	s1 =	sld [smem:$0x3FAB]  }
0x28: {  	s2 =	sld [smem:$0x3FAC]  }
0x29: {  	s4 =	sld [smem:$0x3FAE]  }
0x2a: {  	p0 =	seq.s32 s5, $0x0;
	s5 =	sld [smem:$0x3FAF]  }
0x2b: {  	s6 =	sld [smem:$0x3FB0]  }
0x2c: {  	s7 =	sld [smem:$0x3FB1]  }
0x2d: {  	s3 =	simm.s32 $0x108;
	s8 =	sld [smem:$0x3FB2]  }
0x2e: {  	s3 =	simm.s32 @!p0 $0x1082;
	s9 =	sld [smem:$0x3FB3]  }
0x2f: {  	lr =	sadd.s32 s0, s3;
	s0 =	sld [smem:$0x3FAA]  }
0x30: {  	s3 =	sld [smem:$0x3FAD]  }
0x31: {  	[smem:$0x3FB6] =	sst s10  }
0x32: {  	s10 =	sld [smem:$0x3FB4];
	_ =	sdelay $0x3  }
0x33: {  	p0 =	seq.s32 s10, $0x1;
	s10 =	sld [smem:$0x3FB6];
	_ =	sdelay $0x3  }
0x34: {  	[smem:$0x3FB6] =	sst s10  }
0x35: {  	s10 =	sld [smem:$0x3FB5];
	_ =	sdelay $0x3  }
0x36: {  	p1 =	seq.s32 s10, $0x1;
	s10 =	sld [smem:$0x3FB6];
	_ =	sdelay $0x3  }
0x37: {  	[smem:$0x3FB6] =	sst s10  }
0x38: {  	s10 =	sld [smem:$0x3FB7]  }
0x39: {  	_ = 	snop;
	(pc) =	sbr.ind lr, $3  }
0x3a: {  	_ = 	snop  }
0x3b: {  	_ = 	snop  }
0x3c: {  	p2 =	seq.s32 s10, $0x1;
	s10 =	sld [smem:$0x3FB6]  }
0x3d: {  	_ =	shalt  }
0x3e: {  	_ =	shalt  }
0x3f: {  	_ =	shalt  }
0x40: {  	_ =	shalt  }
0x41: {  	_ =	shalt  }
0x42: {  	_ =	shalt  }
0x43: {  	_ =	shalt  }
0x44: {  	_ =	shalt  }
0x45: {  	_ =	shalt  }
0x46: {  	_ =	shalt  }
0x47: {  	_ =	shalt  }
0x48: {  	_ =	shalt  }
0x49: {  	_ =	shalt  }
0x4a: {  	_ =	shalt  }
0x4b: {  	_ =	shalt  }
0x4c: {  	_ =	shalt  }
0x4d: {  	_ =	shalt  }
0x4e: {  	_ =	shalt  }
0x4f: {  	_ =	shalt  }
0x50: {  	_ =	shalt  }
0x51: {  	_ =	shalt  }
0x52: {  	_ =	shalt  }
0x53: {  	_ =	shalt  }
0x54: {  	_ =	shalt  }
0x55: {  	_ =	shalt  }
0x56: {  	_ =	shalt  }
0x57: {  	_ =	shalt  }
0x58: {  	_ =	shalt  }
0x59: {  	_ =	shalt  }
0x5a: {  	_ =	shalt  }
0x5b: {  	_ =	shalt  }
0x5c: {  	_ =	shalt  }
0x5d: {  	_ =	shalt  }
0x5e: {  	_ =	shalt  }
0x5f: {  	_ =	shalt  }
0x60: {  	_ =	shalt  }
0x61: {  	_ =	shalt  }
0x62: {  	_ =	shalt  }
0x63: {  	_ =	shalt  }
0x64: {  	_ =	shalt  }
0x65: {  	_ =	shalt  }
0x66: {  	_ =	shalt  }
0x67: {  	_ =	shalt  }
0x68: {  	_ =	shalt  }
0x69: {  	_ =	shalt  }
0x6a: {  	_ =	shalt  }
0x6b: {  	_ =	shalt  }
0x6c: {  	_ =	shalt  }
0x6d: {  	_ =	shalt  }
0x6e: {  	_ =	shalt  }
0x6f: {  	_ =	shalt  }
0x70: {  	_ =	shalt  }
0x71: {  	_ =	shalt  }
0x72: {  	_ =	shalt  }
0x73: {  	_ =	shalt  }
0x74: {  	_ =	shalt  }
0x75: {  	_ =	shalt  }
0x76: {  	_ =	shalt  }
0x77: {  	_ =	shalt  }
0x78: {  	_ =	shalt  }
0x79: {  	_ =	shalt  }
0x7a: {  	_ =	shalt  }
0x7b: {  	_ =	shalt  }
0x7c: {  	_ =	shalt  }
0x7d: {  	_ =	shalt  }
0x7e: {  	_ =	shalt  }
0x7f: {  	_ =	shalt  }
0x80: {  	_ =	shalt  }
0x81: {  	_ =	shalt  }
0x82: {  	_ =	shalt  }
0x83: {  	_ =	shalt  }
0x84: {  	_ =	shalt  }
0x85: {  	_ =	shalt  }
0x86: {  	_ =	shalt  }
0x87: {  	_ =	shalt  }
.Lfunc_end0:
.L_simem_size_0:
called_computation.2_lowered:
.L_overlay_start_0:
0x88: {  	s2 =	sld [smem:$0x3FD9]  }
0x89: {  	s3 =	sld [smem:$0x3FFE];
	_ =	sdelay $0x1  }
0x8a: {  	s1 =	srdreg.scid  }
0x8b: {  	s0 =	sand.u32 $0x1, s1  }
0x8c: {  	s16 =	sshll.u32 s0, $0xA;
	s2 =	sadd.s32 s3, s2  }
0x8d: {  	s2 =	sadd.s32 s2, s16  }
0x8e: {  	[smem:$0x3FC2] =	sst s2  }
0x8f: {  	_ = 	snop  }
0x90: {  	(tm) =	ssettm $0x1  }
0x91: {  	s17 =	sld [smem:$0x3FFB];
	_ =	sdelay $0x3  }
0x92: {  	_ =	strace s17  }
0x93: {  	s2 =	sld [smem:$0x3FFC];
	_ =	sdelay $0x3  }
0x94: {  	_ =	strace s2  }
0x95: {  	s2 =	sld [smem:$0x3FFD];
	_ =	sdelay $0x3  }
0x96: {  	_ =	strace s2  }
0x97: {  	_ =	strace $0x8FFFFFFF  }
0x98: {  	s18 =	sld [smem:$0x3FDB];
	_ =	sdelay $0x1  }
0x99: {  	s19 =	simm.s32 $_scs_section_size  }
0x9a: {  	s4 =	simm.s32 $_size__tile_overlayer_lowered;
	s5 =	simm.s32 $_tile_overlayer_lowered  }
0x9b: {  	s22 =	simm.s32 $0x1BFF;
	s21 =	sshll.u32 s5, $0x1;
	s2 =	sadd.s32 s19, s18  }
0x9c: {  	s6 =	simm.s32 $0x0;
	s20 =	sshll.u32 s4, $0x1;
	s4 =	sadd.s32 s21, s2  }
0x9d: {  	[timem:s6], [sflag:s22] =	dma.local [hbm:s4], s20  }
0x9e: {  	_ =	swait.ge [sflag:s22], s20  }
0x9f: {  	s3 =	ssub.s32 $0x0, s20;
	[sflag:s22] =	ssyncset.done $0x0  }
0xa0: {  	[sflag:s22] =	ssyncadd.s32 s3;
	_ =	sdelay $0x1  }
0xa1: {  	s23 =	simm.s32 $0x1B8B  }
0xa2: {  	_ =	swait.ge [sflag:s23], $0x1  }
0xa3: {  	[sflag:s23] =	ssyncset.done $0x0  }
0xa4: {  	s25 =	simm.s32 $0x1B8E;
	s24 =	sld [smem:$0x3FFE];
	[sflag:s23] =	ssyncadd.s32 $0xFFFFFFFF  }
0xa5: {  	s26 =	simm.s32 $execute0_lowered;
	[smem:$0x3FD2] =	sst s25  }
0xa6: {  	s4 =	sshll.u32 s26, $0x1;
	_ =	strace $0x8000004C;
	[dreg:$0x1] =	wrdreg $0xFFFFFFFF  }
0xa7: {  	s28 =	simm.s32 $_size_execute0_lowered;
	s2 =	sadd.s32 s2, s4;
	[dreg:$0x0] =	wrdreg $0x0  }
0xa8: {  	s4 =	sshll.u32 s28, $0x1;
	[dreg:$0x2] =	wrdreg s2  }
0xa9: {  	[dreg:$0x3] =	wrdreg s4  }
0xaa: {  	[dreg:$0x4] =	wrdreg $0xC0  }
0xab: {  	_ =	task [dreg:s6], $0x5FFFF  }
0xac: {  	[dreg:$0x1] =	wrdreg $0xFFFFFFFF  }
0xad: {  	[dreg:$0x0] =	wrdreg $0x60  }
0xae: {  	[dreg:$0x2] =	wrdreg s24  }
0xaf: {  	[dreg:$0x3] =	wrdreg $0xFB200  }
0xb0: {  	[dreg:$0x4] =	wrdreg $0xD3200  }
0xb1: {  	[dreg:$0x5] =	wrdreg $0x9  }
0xb2: {  	_ =	task.clear_ibuf [dreg:s6], $0x6FFFF;
	_ =	strace $0x9000004C  }
0xb3: {  	s29 =	simm.s32 $0x9;
	_ =	strace $0x8000004E  }
0xb4: {  	_ =	swait.ge [sflag:s29], $0x1  }
0xb5: {  	[sflag:s29] =	ssyncadd.s32 $0xFFFFFFFF  }
0xb6: {  	_ =	strace $0x9000004E  }
0xb7: {  	_ =	sfence  }
0xb8: {  	s30 =	sld [smem:$0x0];
	_ =	sdelay $0x2  }
0xb9: {  	s31 =	sshll.u32 s1, $0xD;
	s1 =	sshrl.u32 s1, $0x2  }
0xba: {  	s3 =	sand.u32 $0x4000, s31;
	s1 =	sadd.s32 s1, s30  }
0xbb: {  	s0 =	sor.u32 s3, s0;
	s1 =	sshll.u32 s1, $0x11  }
0xbc: {  	s0 =	sor.u32 s1, s0  }
0xbd: {  	s0 =	sadd.s32 $0x8F2B, s0  }
0xbe: {  	[sflag:s0] =	ssyncadd.remote.s32 $0x1  }
0xbf: {  	_ =	sfence.sel $0xFFFF  }
0xc0: {  	[dreg:$0x0] =	wrdreg $0xFFFFFFFF;
	(pc) =	sbr.abs _section_cstart, $3  }
0xc1: {  	[dreg:$0x1] =	wrdreg $0xFFFFFFFF  }
0xc2: {  	_ =	task.clear_ibuf [dreg:s6], $0x2FFFF;
	_ =	strace $0x9FFFFFFF  }
0xc3: {  	(tm) =	ssettm $0x7FFFFFFF  }
tec
execute0_lowered:
.L_overlay_start_1:
0x0: {  	(tag) =	ssettag $0x1  }
0x1: {  	s1 =	rddreg [dreg:$0x0]  }
0x2: {  	s0 =	srdreg.scid;
	s2 =	rddreg [dreg:$0x1]  }
0x3: {  	s15 =	stileid.u32;
	s3 =	rddreg [dreg:$0x2]  }
0x4: {  	s14 =	simm.s32 $0x3;
	s17 =	simm.s32 $0x800;
	s18 =	simm.s32 $0x2F10  }
0x5: {  	s19 =	simm.s32 $0x3E8;
	s20 =	simm.s32 $0x5620;
	s22 =	simm.s32 $0x94A0  }
0x6: {  	s28 =	simm.s32 $0x2;
	s29 =	simm.s32 $0x4E50;
	s30 =	simm.s32 $0x5238  }
0x7: {  	s31 =	simm.s32 $0x0;
	s0 =	sand.u32 $0x1, s0;
	s9 =	smul.u32 $0x2800, s15  }
0x8: {  	s7 =	smul.u32 $0xA000, s15;
	s26 =	sshll.u32 s15, $0x6;
	s4 =	sshll.u32 s0, $0x4  }
0x9: {  	s6 =	smul.u32 $0x5000, s0;
	s0 =	ssub.s32 $0x2, s0;
	s5 =	sor.u32 s15, s4  }
0xa: {  	s4 =	simm.s32 $0x0;
	s21 =	sshrl.u32 s9, $0x3;
	s24 =	sshrl.u32 s0, $0x1  }
0xb: {  	s25 =	sshrl.u32 s7, $0x2;
	s16 =	sadd.s32 s9, s3;
	s15 =	sor.u32 $0x1C03, s26  }
0xc: {  	s26 =	simm.s32 $0x2B28;
	s5 =	smul.u32 $0x4E2, s5;
	[smem:$0x7FF] =	sst s4  }
0xd: {  	s8 =	sadd.s32 s21, s1;
	s0 =	ssub.s32 s0, s24;
	s16 =	sshrl.u32 s16, $0x3  }
0xe: {  	s24 =	simm.s32 $0x1;
	_ =	strace $0x8000004D;
	s10 =	sadd.s32 s5, s1  }
0xf: {  	s1 =	sadd.s32 s6, s1;
	s5 =	sadd.s32 s25, s2;
	s6 =	sadd.s32 $0x15800, s8  }
0x10: {  	s25 =	sadd.s32 s9, s2;
	s9 =	smax.u32 s0, $0x1;
	s7 =	sadd.s32 $0x1C00, s10  }
0x11: {  	s8 =	sadd.s32 $0xBA00, s10;
	s1 =	sadd.s32 $0x1A800, s1;
	s10 =	sadd.s32 $0x800, s5  }
0x12: {  	s11 =	sadd.s32 $0x1000, s5;
	s12 =	sadd.s32 $0x1800, s5;
	s13 =	sadd.s32 $0x2000, s5  }
0x13: {  	v0 =	vimm.f32 $0.0e+00;
	s25 =	sshrl.u32 s25, $0x3;
	s23 =	sadd.s32 s21, s1;
	s21 =	simm.s32 $0x4A68  }
.LBB2_1:
0x14: {  	s1 =	simm.s32 $0x40;
	s0 =	simm.s32 $0x0  }
.LBB2_2:
0x15: {  	p0 =	sne.s32 s1, $0x1FC0;
	[tilespmem:s0+$0x0] =	vst v0;
	s0 =	smov.u32 s1;
	s1 =	sadd.s32 $0x40, s1  }
.Ltmp0:
0x16: {  	(pc) =	sbr.rel @p0 .LBB2_2-.Ltmp0, $2  }
0x17: {  	_ =	sdelay $0x2  }
0x18: {  	s0 =	sshra.s32 s0, $0x2  }
0x19: {  	[tilespmem:s0+$0x0] =	vst v0  }
0x1a: {  	[spmem:s5] =	stream.linear.scatter [tilespmem:s4], [sflag:$0x3], $0x800, $0x38;
	[tilespmem:$0x12320] =	vst v63  }
0x1b: {  	_ =	swait.ge [sflag:s14], $0x800  }
0x1c: {  	[sflag:s14] =	ssyncset.done $0x0  }
0x1d: {  	[sflag:s14] =	ssyncadd.s32 $0xFFFFF800  }
0x1e: {  	[spmem:s10] =	stream.linear.scatter [tilespmem:s4], [sflag:$0x3], $0x800, $0x38;
	[tilespmem:$0x12320] =	vst v63  }
0x1f: {  	_ =	swait.ge [sflag:s14], $0x800  }
0x20: {  	[sflag:s14] =	ssyncset.done $0x0  }
0x21: {  	[sflag:s14] =	ssyncadd.s32 $0xFFFFF800  }
0x22: {  	[spmem:s11] =	stream.linear.scatter [tilespmem:s4], [sflag:$0x3], $0x800, $0x38;
	[tilespmem:$0x12320] =	vst v63  }
0x23: {  	_ =	swait.ge [sflag:s14], $0x800  }
0x24: {  	[sflag:s14] =	ssyncset.done $0x0  }
0x25: {  	[sflag:s14] =	ssyncadd.s32 $0xFFFFF800  }
0x26: {  	[spmem:s12] =	stream.linear.scatter [tilespmem:s4], [sflag:$0x3], $0x800, $0x38;
	[tilespmem:$0x12320] =	vst v63  }
0x27: {  	_ =	swait.ge [sflag:s14], $0x800  }
0x28: {  	[sflag:s14] =	ssyncset.done $0x0  }
0x29: {  	[sflag:s14] =	ssyncadd.s32 $0xFFFFF800  }
0x2a: {  	[spmem:s13] =	stream.linear.scatter [tilespmem:s4], [sflag:$0x3], $0x800, $0x38;
	[tilespmem:$0x12320] =	vst v63  }
0x2b: {  	_ =	swait.ge [sflag:s14], $0x800  }
0x2c: {  	[sflag:s14] =	ssyncset.done $0x0  }
0x2d: {  	[sflag:s14] =	ssyncadd.s32 $0xFFFFF800  }
0x2e: {  	[spmem:s16], [sflag:s15] =	dma.local [hbm:s6], $0x500  }
0x2f: {  	_ =	swait.ge [sflag:s14], $0x500  }
0x30: {  	[sflag:s14] =	ssyncset.done $0x0  }
0x31: {  	[sflag:s14] =	ssyncadd.s32 $0xFFFFFB00  }
0x32: {  	[tilespmem:s17], [sflag:$0x3] =	stream.linear.gather [hbm4b:s7+s4], $0x2710, $0x38;
	[tilespmem:$0x12320] =	vst v63  }
0x33: {  	_ =	swait.ge [sflag:s14], $0x2710  }
0x34: {  	[sflag:s14] =	ssyncset.done $0x0  }
0x35: {  	[sflag:s14] =	ssyncadd.s32 $0xFFFFD8F0  }
0x36: {  	[tilespmem:s18], [sflag:$0x3] =	stream.linear.gather [hbm4b:s8+s4], $0x2710, $0x38;
	[tilespmem:$0x12320] =	vst v63  }
0x37: {  	_ =	swait.ge [sflag:s14], $0x2710  }
0x38: {  	[sflag:s14] =	ssyncset.done $0x0  }
0x39: {  	[sflag:s14] =	ssyncadd.s32 $0xFFFFD8F0  }
0x3a: {  	[bflag:$0x0] =	sbarrier.arrive $0xFFFF  }
0x3b: {  	[tilespmem:s20], [sflag:$0x1] =	stream.indirect.gather [spmem:s3], $0x10, s17, s19, $0xb8;
	[tilespmem:$0x12320] =	vst v63  }
0x3c: {  	s1 =	simm.s32 $0xBE8  }
0x3d: {  	[tilespmem:s22], [sflag:$0x2] =	stream.indirect.gather [spmem:s3], $0x10, s1, s19, $0xb8;
	[tilespmem:$0x12320] =	vst v63  }
0x3e: {  	_ =	swait.ge [sflag:s24], $0x3E80  }
0x3f: {  	[sflag:s24] =	ssyncset.done $0x0  }
0x40: {  	[sflag:s24] =	ssyncadd.s32 $0xFFFFC180  }
0x41: {  	[spmem:s2] =	stream.indirect.scatter.add.f32 [tilespmem:s20], [sflag:$0x3], $0x10, s18, s19, $0xb8;
	[tilespmem:$0x12320] =	vst v63  }
0x42: {  	_ =	swait.ge [sflag:s14], $0x3E80  }
0x43: {  	[sflag:s14] =	ssyncset.done $0x0  }
0x44: {  	s1 =	simm.s32 $0xFD0;
	[sflag:s14] =	ssyncadd.s32 $0xFFFFC180  }
0x45: {  	[tilespmem:s20], [sflag:$0x1] =	stream.indirect.gather [spmem:s3], $0x10, s1, s19, $0xb8;
	[tilespmem:$0x12320] =	vst v63  }
0x46: {  	_ =	swait.ge [sflag:s28], $0x3E80  }
0x47: {  	[sflag:s28] =	ssyncset.done $0x0  }
0x48: {  	s1 =	simm.s32 $0x32F8;
	[sflag:s28] =	ssyncadd.s32 $0xFFFFC180  }
0x49: {  	[spmem:s2] =	stream.indirect.scatter.add.f32 [tilespmem:s22], [sflag:$0x3], $0x10, s1, s19, $0xb8;
	[tilespmem:$0x12320] =	vst v63  }
0x4a: {  	_ =	swait.ge [sflag:s14], $0x3E80  }
0x4b: {  	[sflag:s14] =	ssyncset.done $0x0  }
0x4c: {  	s1 =	simm.s32 $0x13B8;
	[sflag:s14] =	ssyncadd.s32 $0xFFFFC180  }
0x4d: {  	[tilespmem:s22], [sflag:$0x2] =	stream.indirect.gather [spmem:s3], $0x10, s1, s19, $0xb8;
	[tilespmem:$0x12320] =	vst v63  }
0x4e: {  	_ =	swait.ge [sflag:s24], $0x3E80  }
0x4f: {  	[sflag:s24] =	ssyncset.done $0x0  }
0x50: {  	s1 =	simm.s32 $0x36E0;
	[sflag:s24] =	ssyncadd.s32 $0xFFFFC180  }
0x51: {  	[spmem:s2] =	stream.indirect.scatter.add.f32 [tilespmem:s20], [sflag:$0x3], $0x10, s1, s19, $0xb8;
	[tilespmem:$0x12320] =	vst v63  }
0x52: {  	_ =	swait.ge [sflag:s14], $0x3E80  }
0x53: {  	[sflag:s14] =	ssyncset.done $0x0  }
0x54: {  	s1 =	simm.s32 $0x17A0;
	[sflag:s14] =	ssyncadd.s32 $0xFFFFC180  }
0x55: {  	[tilespmem:s20], [sflag:$0x1] =	stream.indirect.gather [spmem:s3], $0x10, s1, s19, $0xb8;
	[tilespmem:$0x12320] =	vst v63  }
0x56: {  	_ =	swait.ge [sflag:s28], $0x3E80  }
0x57: {  	[sflag:s28] =	ssyncset.done $0x0  }
0x58: {  	s1 =	simm.s32 $0x3AC8;
	[sflag:s28] =	ssyncadd.s32 $0xFFFFC180  }
0x59: {  	[spmem:s2] =	stream.indirect.scatter.add.f32 [tilespmem:s22], [sflag:$0x3], $0x10, s1, s19, $0xb8;
	[tilespmem:$0x12320] =	vst v63  }
0x5a: {  	_ =	swait.ge [sflag:s14], $0x3E80  }
0x5b: {  	[sflag:s14] =	ssyncset.done $0x0  }
0x5c: {  	s1 =	simm.s32 $0x1B88;
	[sflag:s14] =	ssyncadd.s32 $0xFFFFC180  }
0x5d: {  	[tilespmem:s22], [sflag:$0x2] =	stream.indirect.gather [spmem:s3], $0x10, s1, s19, $0xb8;
	[tilespmem:$0x12320] =	vst v63  }
0x5e: {  	_ =	swait.ge [sflag:s24], $0x3E80  }
0x5f: {  	[sflag:s24] =	ssyncset.done $0x0  }
0x60: {  	s1 =	simm.s32 $0x3EB0;
	[sflag:s24] =	ssyncadd.s32 $0xFFFFC180  }
0x61: {  	[spmem:s2] =	stream.indirect.scatter.add.f32 [tilespmem:s20], [sflag:$0x3], $0x10, s1, s19, $0xb8;
	[tilespmem:$0x12320] =	vst v63  }
0x62: {  	_ =	swait.ge [sflag:s14], $0x3E80  }
0x63: {  	[sflag:s14] =	ssyncset.done $0x0  }
0x64: {  	s1 =	simm.s32 $0x1F70;
	[sflag:s14] =	ssyncadd.s32 $0xFFFFC180  }
0x65: {  	[tilespmem:s20], [sflag:$0x1] =	stream.indirect.gather [spmem:s3], $0x10, s1, s19, $0xb8;
	[tilespmem:$0x12320] =	vst v63  }
0x66: {  	_ =	swait.ge [sflag:s28], $0x3E80  }
0x67: {  	[sflag:s28] =	ssyncset.done $0x0  }
0x68: {  	s1 =	simm.s32 $0x4298;
	[sflag:s28] =	ssyncadd.s32 $0xFFFFC180  }
0x69: {  	[spmem:s2] =	stream.indirect.scatter.add.f32 [tilespmem:s22], [sflag:$0x3], $0x10, s1, s19, $0xb8;
	[tilespmem:$0x12320] =	vst v63  }
0x6a: {  	_ =	swait.ge [sflag:s14], $0x3E80  }
0x6b: {  	[sflag:s14] =	ssyncset.done $0x0  }
0x6c: {  	s1 =	simm.s32 $0x2358;
	[sflag:s14] =	ssyncadd.s32 $0xFFFFC180  }
0x6d: {  	[tilespmem:s22], [sflag:$0x2] =	stream.indirect.gather [spmem:s3], $0x10, s1, s19, $0xb8;
	[tilespmem:$0x12320] =	vst v63  }
0x6e: {  	_ =	swait.ge [sflag:s24], $0x3E80  }
0x6f: {  	[sflag:s24] =	ssyncset.done $0x0  }
0x70: {  	s1 =	simm.s32 $0x4680;
	[sflag:s24] =	ssyncadd.s32 $0xFFFFC180  }
0x71: {  	[spmem:s2] =	stream.indirect.scatter.add.f32 [tilespmem:s20], [sflag:$0x3], $0x10, s1, s19, $0xb8;
	[tilespmem:$0x12320] =	vst v63  }
0x72: {  	_ =	swait.ge [sflag:s14], $0x3E80  }
0x73: {  	[sflag:s14] =	ssyncset.done $0x0  }
0x74: {  	s1 =	simm.s32 $0x2740;
	[sflag:s14] =	ssyncadd.s32 $0xFFFFC180  }
0x75: {  	[tilespmem:s20], [sflag:$0x1] =	stream.indirect.gather [spmem:s3], $0x10, s1, s19, $0xb8;
	[tilespmem:$0x12320] =	vst v63  }
0x76: {  	_ =	swait.ge [sflag:s28], $0x3E80  }
0x77: {  	[sflag:s28] =	ssyncset.done $0x0  }
0x78: {  	[sflag:s28] =	ssyncadd.s32 $0xFFFFC180  }
0x79: {  	[spmem:s2] =	stream.indirect.scatter.add.f32 [tilespmem:s22], [sflag:$0x3], $0x10, s21, s19, $0xb8;
	[tilespmem:$0x12320] =	vst v63  }
0x7a: {  	_ =	swait.ge [sflag:s14], $0x3E80  }
0x7b: {  	[sflag:s14] =	ssyncset.done $0x0  }
0x7c: {  	[sflag:s14] =	ssyncadd.s32 $0xFFFFC180  }
0x7d: {  	[tilespmem:s22], [sflag:$0x2] =	stream.indirect.gather [spmem:s3], $0x10, s26, s19, $0xb8;
	[tilespmem:$0x12320] =	vst v63  }
0x7e: {  	_ =	swait.ge [sflag:s24], $0x3E80  }
0x7f: {  	[sflag:s24] =	ssyncset.done $0x0  }
0x80: {  	[sflag:s24] =	ssyncadd.s32 $0xFFFFC180  }
0x81: {  	[spmem:s2] =	stream.indirect.scatter.add.f32 [tilespmem:s20], [sflag:$0x3], $0x10, s29, s19, $0xb8;
	[tilespmem:$0x12320] =	vst v63  }
0x82: {  	_ =	swait.ge [sflag:s14], $0x3E80  }
0x83: {  	[sflag:s14] =	ssyncset.done $0x0  }
0x84: {  	[sflag:s14] =	ssyncadd.s32 $0xFFFFC180  }
0x85: {  	_ =	swait.ge [sflag:s28], $0x3E80  }
0x86: {  	[sflag:s28] =	ssyncset.done $0x0  }
0x87: {  	[sflag:s28] =	ssyncadd.s32 $0xFFFFC180  }
0x88: {  	[spmem:s2] =	stream.indirect.scatter.add.f32 [tilespmem:s22], [sflag:$0x3], $0x10, s30, s19, $0xb8;
	[tilespmem:$0x12320] =	vst v63  }
0x89: {  	_ =	swait.ge [sflag:s14], $0x3E80  }
0x8a: {  	s31 =	sadd.s32 $0x1, s31;
	[sflag:s14] =	ssyncset.done $0x0  }
0x8b: {  	p0 =	sne.s32 s31, s9;
	[sflag:s14] =	ssyncadd.s32 $0xFFFFC180  }
.Ltmp1:
0x8c: {  	[bflag:$0x0] =	sbarrier.arrive $0xFFFF;
	(pc) =	sbr.rel @p0 .LBB2_1-.Ltmp1, $4  }
0x8d: {  	[hbm:s23], [sflag:s15] =	dma.local [spmem:s25], $0x500  }
0x8e: {  	_ =	swait.ge [sflag:s14], $0x500  }
0x8f: {  	[sflag:s14] =	ssyncset.done $0x0  }
0x90: {  	[sflag:s14] =	ssyncadd.s32 $0xFFFFFB00  }
0x91: {  	_ =	sfence.sel $0x180000  }
0x92: {  	[bflag:$0x0] =	sbarrier.arrive $0xFFFF  }
0x93: {  	_ =	strace $0x9000004D  }
0x94: {  	s0 =	stileid.u32;
	[bflag:$0x2] =	sbarrier.arrive $0xFFFF  }
0x95: {  	p0 =	sne.s32 s0, $0x0;
	s0 =	rddreg [dreg:$0x3]  }
0x96: {  	s0 =	sadd.s32 @!p0 $0x100000, s0  }
0x97: {  	[sflag:s0] =	ssyncadd.tile.s32 @!p0 $0x1;
	_ =	shalt  }
.Lfunc_end2:
_tile_overlayer_lowered:
.L_overlay_start_2:
0x98: {  	(tag) =	ssettag $0x2  }
0x99: {  	s0 =	rddreg [dreg:$0x0];
	s2 =	stileid.u32  }
0x9a: {  	s1 =	rddreg [dreg:$0x1];
	p0 =	sne.s32 s2, $0x0  }
0x9b: {  	s3 =	rddreg [dreg:$0x2];
	[bflag:$0x3] =	sbarrier.arrive $0xFFFF;
	s2 =	simm.s32 @!p0 $0x1C03  }
0x9c: {  	[timem:s3], [sflag:s2] =	dma.local @!p0 [hbm:s0], s1  }
0x9d: {  	s0 =	simm.s32 @!p0 $0x3  }
0x9e: {  	_ =	swait.ge @!p0 [sflag:s0], s1  }
0x9f: {  	s1 =	ssub.s32 @!p0 $0x0, s1;
	[sflag:s0] =	ssyncset.done @!p0 $0x0  }
0xa0: {  	[sflag:s0] =	ssyncadd.s32 @!p0 s1  }
0xa1: {  	[bflag:$0x3] =	sbarrier.arrive $0xFFFF  }
0xa2: {  	_ =	shalt  }

// kernel: kernel.8.cloned.1.call-start
scs
__scs_entry_jumppad:
0x0: {  	(pc) =	sbr.rel $0x88, $3  }
0x1: {  	(tag) =	ssettag $0x0;
	lr =	simm.s32 $0x1  }
0x2: {  	[smem:$0x3F9B] =	sst lr;
	_ =	strace $0xD0000000  }
0x3: {  	_ = 	snop  }
0x4: {  	_ = 	snop  }
0x5: {  	_ = 	snop  }
0x6: {  	_ = 	snop  }
0x7: {  	_ = 	snop  }
__scs_overlays_trampoline_lowered:
0x8: {  	[smem:$0x3FAA] =	sst s0  }
0x9: {  	[smem:$0x3FAB] =	sst s1  }
0xa: {  	[smem:$0x3FAC] =	sst s2  }
0xb: {  	[smem:$0x3FAD] =	sst s3  }
0xc: {  	[smem:$0x3FAE] =	sst s4  }
0xd: {  	[smem:$0x3FAF] =	sst s5  }
0xe: {  	[smem:$0x3FB0] =	sst s6  }
0xf: {  	[smem:$0x3FB1] =	sst s7  }
0x10: {  	[smem:$0x3FB2] =	sst s8  }
0x11: {  	[smem:$0x3FB3] =	sst s9;
	s0 =	simm.s32 @!p0 $0x0  }
0x12: {  	s1 =	sld [smem:$0x3F99];
	s0 =	simm.s32 @p0 $0x1  }
0x13: {  	[smem:$0x3FB4] =	sst s0;
	s0 =	simm.s32 @!p1 $0x0  }
0x14: {  	s2 =	sld [smem:$0x3F98];
	s0 =	simm.s32 @p1 $0x1  }
0x15: {  	[smem:$0x3FB5] =	sst s0;
	s0 =	simm.s32 @!p2 $0x0  }
0x16: {  	s3 =	sld [smem:$0x3FDB];
	s0 =	simm.s32 @p2 $0x1  }
0x17: {  	s4 =	simm.s32 $0x1BF5;
	[smem:$0x3FB7] =	sst s0  }
0x18: {  	s0 =	sld [smem:$0x3F9A];
	_ =	swait.ge [sflag:s4], $0x0  }
0x19: {  	s7 =	sld [smem:$0x3F9B]  }
0x1a: {  	s8 =	sadd.s32 $0xFFFFE003, lr  }
0x1b: {  	s9 =	sadd.s32 $0xFFFFFEF7, lr;
	s5 =	simm.s32 $0xFFFFFFFF;
	p2 =	slt.u32 s8, $0xFFFFF086  }
0x1c: {  	p1 =	slt.u32 s9, $0xF7A;
	s5 =	simm.s32 @!p2 $0x0  }
0x1d: {  	s5 =	simm.s32 @p1 $0x1;
	p0 =	seq.s32 s7, s2  }
0x1e: {  	s7 =	smul.u32 @!p0 $0xF7A, s2;
	p2 =	seq.s32 @!p0 s5, $0x0  }
0x1f: {  	s9 =	smul.u32 $0xF7A, s1;
	s8 =	simm.s32 @!p0 $0x1BF5;
	p2 =	por !p2, p0  }
0x20: {  	[sflag:s8] =	ssyncset.s32 @!p0 $0xFFFFF086;
	s6 =	sadd.s32 @!p0 s3, s7;
	s7 =	simm.s32 @!p0 $0x108  }
0x21: {  	s3 =	sadd.s32 s3, s9;
	s6 =	sadd.s32 @!p0 $0x88, s6;
	s7 =	simm.s32 @p2 $0x1082  }
0x22: {  	[simem:s7], [sflag:s8] =	dma.local @!p0 [hbm:s6], $0xF7A  }
0x23: {  	s9 =	sor.u32 $0xD0000000, s2;
	s6 =	simm.s32 $0x108;
	_ =	swait.ge @!p0 [sflag:s8], $0x0  }
0x24: {  	s3 =	sadd.s32 $0x88, s3;
	s6 =	simm.s32 @!p1 $0x1082;
	[sflag:s4] =	ssyncset.s32 $0xFFFFF086  }
0x25: {  	[simem:s6], [sflag:s4] =	dma.local [hbm:s3], $0xF7A  }
0x26: {  	[smem:$0x3F9B] =	sst s1;
	(tag) =	ssettag s2;
	_ =	strace s9  }
0x27: {  	s1 =	sld [smem:$0x3FAB]  }
0x28: {  	s2 =	sld [smem:$0x3FAC]  }
0x29: {  	s4 =	sld [smem:$0x3FAE]  }
0x2a: {  	p0 =	seq.s32 s5, $0x0;
	s5 =	sld [smem:$0x3FAF]  }
0x2b: {  	s6 =	sld [smem:$0x3FB0]  }
0x2c: {  	s7 =	sld [smem:$0x3FB1]  }
0x2d: {  	s3 =	simm.s32 $0x108;
	s8 =	sld [smem:$0x3FB2]  }
0x2e: {  	s3 =	simm.s32 @!p0 $0x1082;
	s9 =	sld [smem:$0x3FB3]  }
0x2f: {  	lr =	sadd.s32 s0, s3;
	s0 =	sld [smem:$0x3FAA]  }
0x30: {  	s3 =	sld [smem:$0x3FAD]  }
0x31: {  	[smem:$0x3FB6] =	sst s10  }
0x32: {  	s10 =	sld [smem:$0x3FB4];
	_ =	sdelay $0x3  }
0x33: {  	p0 =	seq.s32 s10, $0x1;
	s10 =	sld [smem:$0x3FB6];
	_ =	sdelay $0x3  }
0x34: {  	[smem:$0x3FB6] =	sst s10  }
0x35: {  	s10 =	sld [smem:$0x3FB5];
	_ =	sdelay $0x3  }
0x36: {  	p1 =	seq.s32 s10, $0x1;
	s10 =	sld [smem:$0x3FB6];
	_ =	sdelay $0x3  }
0x37: {  	[smem:$0x3FB6] =	sst s10  }
0x38: {  	s10 =	sld [smem:$0x3FB7]  }
0x39: {  	_ = 	snop;
	(pc) =	sbr.ind lr, $3  }
0x3a: {  	_ = 	snop  }
0x3b: {  	_ = 	snop  }
0x3c: {  	p2 =	seq.s32 s10, $0x1;
	s10 =	sld [smem:$0x3FB6]  }
0x3d: {  	_ =	shalt  }
0x3e: {  	_ =	shalt  }
0x3f: {  	_ =	shalt  }
0x40: {  	_ =	shalt  }
0x41: {  	_ =	shalt  }
0x42: {  	_ =	shalt  }
0x43: {  	_ =	shalt  }
0x44: {  	_ =	shalt  }
0x45: {  	_ =	shalt  }
0x46: {  	_ =	shalt  }
0x47: {  	_ =	shalt  }
0x48: {  	_ =	shalt  }
0x49: {  	_ =	shalt  }
0x4a: {  	_ =	shalt  }
0x4b: {  	_ =	shalt  }
0x4c: {  	_ =	shalt  }
0x4d: {  	_ =	shalt  }
0x4e: {  	_ =	shalt  }
0x4f: {  	_ =	shalt  }
0x50: {  	_ =	shalt  }
0x51: {  	_ =	shalt  }
0x52: {  	_ =	shalt  }
0x53: {  	_ =	shalt  }
0x54: {  	_ =	shalt  }
0x55: {  	_ =	shalt  }
0x56: {  	_ =	shalt  }
0x57: {  	_ =	shalt  }
0x58: {  	_ =	shalt  }
0x59: {  	_ =	shalt  }
0x5a: {  	_ =	shalt  }
0x5b: {  	_ =	shalt  }
0x5c: {  	_ =	shalt  }
0x5d: {  	_ =	shalt  }
0x5e: {  	_ =	shalt  }
0x5f: {  	_ =	shalt  }
0x60: {  	_ =	shalt  }
0x61: {  	_ =	shalt  }
0x62: {  	_ =	shalt  }
0x63: {  	_ =	shalt  }
0x64: {  	_ =	shalt  }
0x65: {  	_ =	shalt  }
0x66: {  	_ =	shalt  }
0x67: {  	_ =	shalt  }
0x68: {  	_ =	shalt  }
0x69: {  	_ =	shalt  }
0x6a: {  	_ =	shalt  }
0x6b: {  	_ =	shalt  }
0x6c: {  	_ =	shalt  }
0x6d: {  	_ =	shalt  }
0x6e: {  	_ =	shalt  }
0x6f: {  	_ =	shalt  }
0x70: {  	_ =	shalt  }
0x71: {  	_ =	shalt  }
0x72: {  	_ =	shalt  }
0x73: {  	_ =	shalt  }
0x74: {  	_ =	shalt  }
0x75: {  	_ =	shalt  }
0x76: {  	_ =	shalt  }
0x77: {  	_ =	shalt  }
0x78: {  	_ =	shalt  }
0x79: {  	_ =	shalt  }
0x7a: {  	_ =	shalt  }
0x7b: {  	_ =	shalt  }
0x7c: {  	_ =	shalt  }
0x7d: {  	_ =	shalt  }
0x7e: {  	_ =	shalt  }
0x7f: {  	_ =	shalt  }
0x80: {  	_ =	shalt  }
0x81: {  	_ =	shalt  }
0x82: {  	_ =	shalt  }
0x83: {  	_ =	shalt  }
0x84: {  	_ =	shalt  }
0x85: {  	_ =	shalt  }
0x86: {  	_ =	shalt  }
0x87: {  	_ =	shalt  }
.Lfunc_end0:
.L_simem_size_0:
called_computation_lowered:
.L_overlay_start_0:
0x88: {  	s2 =	sld [smem:$0x3FD9]  }
0x89: {  	s3 =	sld [smem:$0x3FFE];
	_ =	sdelay $0x1  }
0x8a: {  	s1 =	srdreg.scid  }
0x8b: {  	s0 =	sand.u32 $0x1, s1  }
0x8c: {  	s16 =	sshll.u32 s0, $0xA;
	s2 =	sadd.s32 s3, s2  }
0x8d: {  	s2 =	sadd.s32 s2, s16  }
0x8e: {  	[smem:$0x3FC2] =	sst s2  }
0x8f: {  	_ = 	snop  }
0x90: {  	(tm) =	ssettm $0x1  }
0x91: {  	s17 =	sld [smem:$0x3FFB];
	_ =	sdelay $0x3  }
0x92: {  	_ =	strace s17  }
0x93: {  	s2 =	sld [smem:$0x3FFC];
	_ =	sdelay $0x3  }
0x94: {  	_ =	strace s2  }
0x95: {  	s2 =	sld [smem:$0x3FFD];
	_ =	sdelay $0x3  }
0x96: {  	_ =	strace s2  }
0x97: {  	_ =	strace $0x8FFFFFFF  }
0x98: {  	s18 =	sld [smem:$0x3FDB];
	_ =	sdelay $0x1  }
0x99: {  	s19 =	simm.s32 $_scs_section_size  }
0x9a: {  	s4 =	simm.s32 $_size__tile_overlayer_lowered;
	s5 =	simm.s32 $_tile_overlayer_lowered  }
0x9b: {  	s22 =	simm.s32 $0x1BFF;
	s21 =	sshll.u32 s5, $0x1;
	s2 =	sadd.s32 s19, s18  }
0x9c: {  	s6 =	simm.s32 $0x0;
	s20 =	sshll.u32 s4, $0x1;
	s4 =	sadd.s32 s21, s2  }
0x9d: {  	[timem:s6], [sflag:s22] =	dma.local [hbm:s4], s20  }
0x9e: {  	_ =	swait.ge [sflag:s22], s20  }
0x9f: {  	s3 =	ssub.s32 $0x0, s20;
	[sflag:s22] =	ssyncset.done $0x0  }
0xa0: {  	[sflag:s22] =	ssyncadd.s32 s3;
	_ =	sdelay $0x1  }
0xa1: {  	s23 =	simm.s32 $0x1B8B  }
0xa2: {  	_ =	swait.ge [sflag:s23], $0x1  }
0xa3: {  	[sflag:s23] =	ssyncset.done $0x0  }
0xa4: {  	s25 =	simm.s32 $0x1B8E;
	s24 =	sld [smem:$0x3FFE];
	[sflag:s23] =	ssyncadd.s32 $0xFFFFFFFF  }
0xa5: {  	s26 =	simm.s32 $execute0_lowered;
	[smem:$0x3FD2] =	sst s25  }
0xa6: {  	s4 =	sshll.u32 s26, $0x1;
	_ =	strace $0x80000046;
	[dreg:$0x1] =	wrdreg $0xFFFFFFFF  }
0xa7: {  	s28 =	simm.s32 $_size_execute0_lowered;
	s2 =	sadd.s32 s2, s4;
	[dreg:$0x0] =	wrdreg $0x0  }
0xa8: {  	s4 =	sshll.u32 s28, $0x1;
	[dreg:$0x2] =	wrdreg s2  }
0xa9: {  	[dreg:$0x3] =	wrdreg s4  }
0xaa: {  	[dreg:$0x4] =	wrdreg $0xC0  }
0xab: {  	_ =	task [dreg:s6], $0x5FFFF  }
0xac: {  	[dreg:$0x1] =	wrdreg $0xFFFFFFFF  }
0xad: {  	[dreg:$0x0] =	wrdreg $0x60  }
0xae: {  	[dreg:$0x2] =	wrdreg s24  }
0xaf: {  	[dreg:$0x3] =	wrdreg $0x6D900  }
0xb0: {  	[dreg:$0x4] =	wrdreg $0x9  }
0xb1: {  	_ =	task.clear_ibuf [dreg:s6], $0x5FFFF;
	_ =	strace $0x90000046  }
0xb2: {  	s29 =	simm.s32 $0x9;
	_ =	strace $0x80000048  }
0xb3: {  	_ =	swait.ge [sflag:s29], $0x1  }
0xb4: {  	[sflag:s29] =	ssyncadd.s32 $0xFFFFFFFF  }
0xb5: {  	_ =	strace $0x90000048  }
0xb6: {  	_ =	sfence  }
0xb7: {  	s30 =	sld [smem:$0x0];
	_ =	sdelay $0x2  }
0xb8: {  	s31 =	sshll.u32 s1, $0xD;
	s1 =	sshrl.u32 s1, $0x2  }
0xb9: {  	s3 =	sand.u32 $0x4000, s31;
	s1 =	sadd.s32 s1, s30  }
0xba: {  	s0 =	sor.u32 s3, s0;
	s1 =	sshll.u32 s1, $0x11  }
0xbb: {  	s0 =	sor.u32 s1, s0  }
0xbc: {  	s0 =	sadd.s32 $0x8F2B, s0  }
0xbd: {  	[sflag:s0] =	ssyncadd.remote.s32 $0x1  }
0xbe: {  	_ =	sfence.sel $0xFFFF  }
0xbf: {  	[dreg:$0x0] =	wrdreg $0xFFFFFFFF;
	(pc) =	sbr.abs _section_cstart, $3  }
0xc0: {  	[dreg:$0x1] =	wrdreg $0xFFFFFFFF  }
0xc1: {  	_ =	task.clear_ibuf [dreg:s6], $0x2FFFF;
	_ =	strace $0x9FFFFFFF  }
0xc2: {  	(tm) =	ssettm $0x7FFFFFFF  }
0xc3: {  	_ =	shalt  }
tec
execute0_lowered:
.L_overlay_start_1:
0x0: {  	(tag) =	ssettag $0x1  }
0x1: {  	s5 =	rddreg [dreg:$0x0]  }
0x2: {  	s0 =	srdreg.scid;
	s2 =	rddreg [dreg:$0x1]  }
0x3: {  	s3 =	simm.s32 $0x0;
	s11 =	simm.s32 $0x2;
	s12 =	simm.s32 $0x4680  }
0x4: {  	s13 =	simm.s32 $0x3E8;
	s14 =	simm.s32 $0x800;
	s15 =	simm.s32 $0x4A68  }
0x5: {  	s16 =	simm.s32 $0x4E50;
	s17 =	simm.s32 $0x5238;
	s18 =	simm.s32 $0x5620  }
0x6: {  	s19 =	simm.s32 $0x5A08;
	s20 =	simm.s32 $0x5DF0;
	s21 =	simm.s32 $0x61D8  }
0x7: {  	s22 =	simm.s32 $0x65C0;
	s26 =	simm.s32 $0x1;
	s4 =	sand.u32 $0x1, s0  }
0x8: {  	s28 =	simm.s32 $0x0;
	s0 =	stileid.u32;
	s7 =	smul.u32 $0x5000, s4  }
0x9: {  	[smem:$0x7FF] =	sst s3;
	s1 =	sshll.u32 s4, $0x4;
	s8 =	smul.u32 $0xA000, s0  }
0xa: {  	s4 =	ssub.s32 $0x2, s4;
	s31 =	smul.u32 $0x2800, s0;
	s6 =	sor.u32 s0, s1  }
0xb: {  	s1 =	rddreg [dreg:$0x2];
	_ =	strace $0x80000047;
	s29 =	sshrl.u32 s4, $0x1  }
0xc: {  	s6 =	smul.u32 $0x4E2, s6;
	s7 =	sadd.s32 s7, s5;
	s9 =	ssub.s32 s4, s29  }
0xd: {  	s30 =	sshrl.u32 s8, $0x2;
	s24 =	sshrl.u32 s31, $0x3;
	s25 =	sadd.s32 s31, s2  }
0xe: {  	s4 =	sadd.s32 s30, s2;
	s23 =	sadd.s32 $0x15800, s7;
	s25 =	sshrl.u32 s25, $0x3  }
0xf: {  	s6 =	sadd.s32 s6, s5;
	s7 =	sadd.s32 $0x800, s4;
	s8 =	sadd.s32 $0x1000, s4  }
0x10: {  	s10 =	sadd.s32 $0x2000, s4;
	s23 =	sadd.s32 s24, s23;
	s24 =	simm.s32 $0x69A8  }
0x11: {  	v0 =	vimm.f32 $0.0e+00;
	v1 =	vimm.f32 $1.000000000e+00;
	s5 =	sadd.s32 $0xBA00, s6;
	s6 =	smax.u32 s9, $0x1;
	s9 =	sadd.s32 $0x1800, s4  }
.LBB2_1:
0x12: {  	s29 =	simm.s32 $0x40;
	s30 =	simm.s32 $0x0  }
.LBB2_2:
0x13: {  	p0 =	sne.s32 s29, $0x1FC0;
	[tilespmem:s30+$0x0] =	vst v0;
	s30 =	smov.u32 s29;
	s29 =	sadd.s32 $0x40, s29  }
.Ltmp0:
0x14: {  	(pc) =	sbr.rel @p0 .LBB2_2-.Ltmp0, $2  }
0x15: {  	_ =	sdelay $0x2  }
0x16: {  	s30 =	sshra.s32 s30, $0x2  }
0x17: {  	[tilespmem:s30+$0x0] =	vst v0;
	s29 =	simm.s32 $0x0  }
0x18: {  	[spmem:s4] =	stream.linear.scatter [tilespmem:s29], [sflag:$0x2], $0x800, $0x38;
	[tilespmem:$0x9590] =	vst v63  }
0x19: {  	_ =	swait.ge [sflag:s11], $0x800  }
0x1a: {  	[sflag:s11] =	ssyncset.done $0x0  }
0x1b: {  	[sflag:s11] =	ssyncadd.s32 $0xFFFFF800  }
0x1c: {  	[spmem:s7] =	stream.linear.scatter [tilespmem:s29], [sflag:$0x2], $0x800, $0x38;
	[tilespmem:$0x9590] =	vst v63  }
0x1d: {  	_ =	swait.ge [sflag:s11], $0x800  }
0x1e: {  	[sflag:s11] =	ssyncset.done $0x0  }
0x1f: {  	[sflag:s11] =	ssyncadd.s32 $0xFFFFF800  }
0x20: {  	[spmem:s8] =	stream.linear.scatter [tilespmem:s29], [sflag:$0x2], $0x800, $0x38;
	[tilespmem:$0x9590] =	vst v63  }
0x21: {  	_ =	swait.ge [sflag:s11], $0x800  }
0x22: {  	[sflag:s11] =	ssyncset.done $0x0  }
0x23: {  	[sflag:s11] =	ssyncadd.s32 $0xFFFFF800  }
0x24: {  	[spmem:s9] =	stream.linear.scatter [tilespmem:s29], [sflag:$0x2], $0x800, $0x38;
	[tilespmem:$0x9590] =	vst v63  }
0x25: {  	_ =	swait.ge [sflag:s11], $0x800  }
0x26: {  	[sflag:s11] =	ssyncset.done $0x0  }
0x27: {  	[sflag:s11] =	ssyncadd.s32 $0xFFFFF800  }
0x28: {  	[spmem:s10] =	stream.linear.scatter [tilespmem:s29], [sflag:$0x2], $0x800, $0x38;
	[tilespmem:$0x9590] =	vst v63  }
0x29: {  	_ =	swait.ge [sflag:s11], $0x800  }
0x2a: {  	[sflag:s11] =	ssyncset.done $0x0  }
0x2b: {  	s30 =	simm.s32 $0x0;
	s29 =	simm.s32 $0x40;
	[sflag:s11] =	ssyncadd.s32 $0xFFFFF800  }
.LBB2_4:
0x2c: {  	p0 =	sne.s32 s29, $0xF9C0;
	[tilespmem:s30+$0x800] =	vst v1;
	s30 =	smov.u32 s29;
	s29 =	sadd.s32 $0x40, s29  }
.Ltmp1:
0x2d: {  	(pc) =	sbr.rel @p0 .LBB2_4-.Ltmp1, $2  }
0x2e: {  	_ =	sdelay $0x2  }
0x2f: {  	s30 =	sshra.s32 s30, $0x2  }
0x30: {  	[tilespmem:s30+$0x800] =	vst v1  }
0x31: {  	[tilespmem:s12], [sflag:$0x2] =	stream.linear.gather [hbm4b:s5+s3], $0x2710, $0x38;
	[tilespmem:$0x9590] =	vst v63  }
0x32: {  	_ =	swait.ge [sflag:s11], $0x2710  }
0x33: {  	[sflag:s11] =	ssyncset.done $0x0  }
0x34: {  	[sflag:s11] =	ssyncadd.s32 $0xFFFFD8F0  }
0x35: {  	[bflag:$0x0] =	sbarrier.arrive $0xFFFF  }
0x36: {  	[spmem:s2] =	stream.indirect.scatter.add.f32 [tilespmem:s14], [sflag:$0x1], $0x10, s12, s13, $0xb8;
	[tilespmem:$0x9590] =	vst v63  }
0x37: {  	_ = 	snop  }
0x38: {  	[spmem:s2] =	stream.indirect.scatter.add.f32 [tilespmem:s14], [sflag:$0x1], $0x10, s15, s13, $0xb8;
	[tilespmem:$0x9590] =	vst v63  }
0x39: {  	_ = 	snop  }
0x3a: {  	[spmem:s2] =	stream.indirect.scatter.add.f32 [tilespmem:s14], [sflag:$0x1], $0x10, s16, s13, $0xb8;
	[tilespmem:$0x9590] =	vst v63  }
0x3b: {  	_ = 	snop  }
0x3c: {  	[spmem:s2] =	stream.indirect.scatter.add.f32 [tilespmem:s14], [sflag:$0x1], $0x10, s17, s13, $0xb8;
	[tilespmem:$0x9590] =	vst v63  }
0x3d: {  	_ = 	snop  }
0x3e: {  	[spmem:s2] =	stream.indirect.scatter.add.f32 [tilespmem:s14], [sflag:$0x1], $0x10, s18, s13, $0xb8;
	[tilespmem:$0x9590] =	vst v63  }
0x3f: {  	_ = 	snop  }
0x40: {  	[spmem:s2] =	stream.indirect.scatter.add.f32 [tilespmem:s14], [sflag:$0x1], $0x10, s19, s13, $0xb8;
	[tilespmem:$0x9590] =	vst v63  }
0x41: {  	_ = 	snop  }
0x42: {  	[spmem:s2] =	stream.indirect.scatter.add.f32 [tilespmem:s14], [sflag:$0x1], $0x10, s20, s13, $0xb8;
	[tilespmem:$0x9590] =	vst v63  }
0x43: {  	_ = 	snop  }
0x44: {  	[spmem:s2] =	stream.indirect.scatter.add.f32 [tilespmem:s14], [sflag:$0x1], $0x10, s21, s13, $0xb8;
	[tilespmem:$0x9590] =	vst v63  }
0x45: {  	_ = 	snop  }
0x46: {  	[spmem:s2] =	stream.indirect.scatter.add.f32 [tilespmem:s14], [sflag:$0x1], $0x10, s22, s13, $0xb8;
	[tilespmem:$0x9590] =	vst v63  }
0x47: {  	_ = 	snop  }
0x48: {  	[spmem:s2] =	stream.indirect.scatter.add.f32 [tilespmem:s14], [sflag:$0x1], $0x10, s24, s13, $0xb8;
	[tilespmem:$0x9590] =	vst v63  }
0x49: {  	_ =	swait.ge [sflag:s26], $0x3E80  }
0x4a: {  	[sflag:s26] =	ssyncset.done $0x0  }
0x4b: {  	[sflag:s26] =	ssyncadd.s32 $0xFFFFC180  }
0x4c: {  	_ =	swait.ge [sflag:s26], $0x3E80  }
0x4d: {  	[sflag:s26] =	ssyncset.done $0x0  }
0x4e: {  	[sflag:s26] =	ssyncadd.s32 $0xFFFFC180  }
0x4f: {  	_ =	swait.ge [sflag:s26], $0x3E80  }
0x50: {  	[sflag:s26] =	ssyncset.done $0x0  }
0x51: {  	[sflag:s26] =	ssyncadd.s32 $0xFFFFC180  }
0x52: {  	_ =	swait.ge [sflag:s26], $0x3E80  }
0x53: {  	[sflag:s26] =	ssyncset.done $0x0  }
0x54: {  	[sflag:s26] =	ssyncadd.s32 $0xFFFFC180  }
0x55: {  	_ =	swait.ge [sflag:s26], $0x3E80  }
0x56: {  	[sflag:s26] =	ssyncset.done $0x0  }
0x57: {  	[sflag:s26] =	ssyncadd.s32 $0xFFFFC180  }
0x58: {  	_ =	swait.ge [sflag:s26], $0x3E80  }
0x59: {  	[sflag:s26] =	ssyncset.done $0x0  }
0x5a: {  	[sflag:s26] =	ssyncadd.s32 $0xFFFFC180  }
0x5b: {  	_ =	swait.ge [sflag:s26], $0x3E80  }
0x5c: {  	[sflag:s26] =	ssyncset.done $0x0  }
0x5d: {  	[sflag:s26] =	ssyncadd.s32 $0xFFFFC180  }
0x5e: {  	_ =	swait.ge [sflag:s26], $0x3E80  }
0x5f: {  	[sflag:s26] =	ssyncset.done $0x0  }
0x60: {  	[sflag:s26] =	ssyncadd.s32 $0xFFFFC180  }
0x61: {  	_ =	swait.ge [sflag:s26], $0x3E80  }
0x62: {  	[sflag:s26] =	ssyncset.done $0x0  }
0x63: {  	[sflag:s26] =	ssyncadd.s32 $0xFFFFC180  }
0x64: {  	_ =	swait.ge [sflag:s26], $0x3E80  }
0x65: {  	s28 =	sadd.s32 $0x1, s28;
	[sflag:s26] =	ssyncset.done $0x0  }
0x66: {  	s29 =	sshll.u32 s0, $0x6;
	p0 =	sne.s32 s28, s6;
	[sflag:s26] =	ssyncadd.s32 $0xFFFFC180  }
.Ltmp2:
0x67: {  	s29 =	sor.u32 $0x1C02, s29;
	[bflag:$0x0] =	sbarrier.arrive $0xFFFF;
	(pc) =	sbr.rel @p0 .LBB2_1-.Ltmp2, $4  }
0x68: {  	[hbm:s23], [sflag:s29] =	dma.local [spmem:s25], $0x500  }
0x69: {  	_ =	swait.ge [sflag:s11], $0x500  }
0x6a: {  	[sflag:s11] =	ssyncset.done $0x0  }
0x6b: {  	[sflag:s11] =	ssyncadd.s32 $0xFFFFFB00  }
0x6c: {  	_ =	sfence.sel $0x180000  }
0x6d: {  	[bflag:$0x0] =	sbarrier.arrive $0xFFFF  }
0x6e: {  	p0 =	sne.s32 s0, $0x0;
	_ =	strace $0x90000047  }
0x6f: {  	s0 =	sadd.s32 @!p0 $0x100000, s1;
	[bflag:$0x2] =	sbarrier.arrive $0xFFFF  }
0x70: {  	[sflag:s0] =	ssyncadd.tile.s32 @!p0 $0x1;
	_ =	shalt  }
.Lfunc_end2:
_tile_overlayer_lowered:
.L_overlay_start_2:
0x71: {  	(tag) =	ssettag $0x2  }
0x72: {  	s0 =	rddreg [dreg:$0x0];
	s2 =	stileid.u32  }
0x73: {  	s1 =	rddreg [dreg:$0x1];
	p0 =	sne.s32 s2, $0x0  }
0x74: {  	s3 =	rddreg [dreg:$0x2];
	[bflag:$0x3] =	sbarrier.arrive $0xFFFF;
	s2 =	simm.s32 @!p0 $0x1C02  }
0x75: {  	[timem:s3], [sflag:s2] =	dma.local @!p0 [hbm:s0], s1  }
0x76: {  	s0 =	simm.s32 @!p0 $0x2  }
0x77: {  	_ =	swait.ge @!p0 [sflag:s0], s1  }
0x78: {  	s1 =	ssub.s32 @!p0 $0x0, s1;
	[sflag:s0] =	ssyncset.done @!p0 $0x0  }
0x79: {  	[sflag:s0] =	ssyncadd.s32 @!p0 s1  }
0x7a: {  	[bflag:$0x3] =	sbarrier.arrive $0xFFFF  }
0x7b: {  	_ =	shalt  }

</sc_bundles>
